<compile_context>
chip_gen: v7x
topology: tpu7x:2x2x1
jax: 0.10.2.dev20260603
libtpu: 0.0.44.dev20260713+nightly
codegen_flags: <defaults>
</compile_context>

<pallas_src>
import functools

import jax
import jax.numpy as jnp
from jax import lax
from jax.experimental import pallas as pl
from jax.experimental.pallas import tpu as pltpu
from jax.experimental.pallas import tpu_sc as plsc

_T = 0.07
_NC = 2
_NS = 16
_NW = _NC * _NS
_L = 16


def _make_sc_scores(B, K1, D):
    n_chunks = K1 // 128
    n_d = D // _L
    G = K1 // _L
    b_per_w = B // _NW

    mesh = plsc.VectorSubcoreMesh(
        core_axis_name="c", subcore_axis_name="s",
        num_cores=_NC, num_subcores=_NS)

    @functools.partial(
        pl.kernel,
        out_type=[jax.ShapeDtypeStruct((B, K1), jnp.float32),
                  jax.ShapeDtypeStruct((B, K1), jnp.float32)],
        mesh=mesh,
        compiler_params=pltpu.CompilerParams(
            needs_layout_passes=False, use_tc_tiling_on_sc=False),
        scratch_types=[
            pltpu.VMEM((b_per_w, n_chunks, 128), jnp.int32),
            pltpu.VMEM((b_per_w, D), jnp.bfloat16),
            pltpu.VMEM((b_per_w, D), jnp.bfloat16),
            pltpu.VMEM((K1, D), jnp.bfloat16),
            pltpu.VMEM((K1, D), jnp.bfloat16),
            pltpu.VMEM((2 * K1,), jnp.float32),
            pltpu.VMEM((2 * K1,), jnp.float32),
            pltpu.SemaphoreType.DMA,
            pltpu.SemaphoreType.DMA,
            pltpu.SemaphoreType.DMA,
        ],
    )
    def sc_scores(mem1, mem2, v1h, v2h, idxh, s1h, s2h,
                  idx_all, v1_all, v2_all, rows1_v, rows2_v, s1_v, s2_v,
                  sem1, sem2, semo):
        wid = lax.axis_index("s") * _NC + lax.axis_index("c")
        b0 = wid * b_per_w
        iota = lax.iota(jnp.int32, _L)
        last = jnp.full((_L,), _L - 1, jnp.int32)

        pltpu.sync_copy(idxh.at[pl.ds(b0, b_per_w)], idx_all)
        pltpu.sync_copy(v1h.at[pl.ds(b0, b_per_w)], v1_all)
        pltpu.sync_copy(v2h.at[pl.ds(b0, b_per_w)], v2_all)

        def issue(mem, rows_v, sem, i):
            for j in range(n_chunks):
                pltpu.async_copy(
                    mem.at[idx_all.at[i, j]],
                    rows_v.at[pl.ds(j * 128, 128)], sem)

        def wait_bank(mem, rows_v, sem):
            pltpu.make_async_copy(mem.at[pl.ds(0, K1)], rows_v, sem).wait()

        def compute_bank(rows_v, vcs, s_v, buf):
            def g_body(g, c2):
                sel = jnp.zeros((_L,), jnp.float32)
                for kk in range(_L):
                    k = g * _L + kk
                    p = None
                    for c in range(D // 32):
                        r = rows_v[k, pl.ds(c * 32, 32)]
                        ra, rb = plsc.unpack(
                            r, format=plsc.PackFormat.INTERLEAVED)
                        q = ra * vcs[2 * c] + rb * vcs[2 * c + 1]
                        p = q if p is None else p + q
                    t = plsc.cumsum(p).at[last].get(mode="promise_in_bounds")
                    sel = jnp.where(iota == kk, t, sel)
                plsc.store_scatter(s_v, [buf * K1 + g * _L + iota], sel)
                return c2
            lax.fori_loop(0, G, g_body, 0)

        issue(mem1, rows1_v, sem1, 0)
        issue(mem2, rows2_v, sem2, 0)

        def b_body(i, carry):
            b = b0 + i
            buf = lax.rem(i, 2)

            bslot = pl.ds(buf * K1, K1)

            @pl.when(i >= 2)
            def _():
                pltpu.make_async_copy(s1h.at[b], s1_v.at[bslot], semo).wait()
                pltpu.make_async_copy(s2h.at[b], s2_v.at[bslot], semo).wait()

            def v_chunks(v_all):
                out = []
                for c in range(D // 32):
                    va, vb = plsc.unpack(
                        v_all[i, pl.ds(c * 32, 32)],
                        format=plsc.PackFormat.INTERLEAVED)
                    out.extend([va, vb])
                return out

            wait_bank(mem1, rows1_v, sem1)
            compute_bank(rows1_v, v_chunks(v2_all), s2_v, buf)

            @pl.when(i + 1 < b_per_w)
            def _():
                issue(mem1, rows1_v, sem1, i + 1)

            wait_bank(mem2, rows2_v, sem2)
            compute_bank(rows2_v, v_chunks(v1_all), s1_v, buf)

            @pl.when(i + 1 < b_per_w)
            def _():
                issue(mem2, rows2_v, sem2, i + 1)

            pltpu.async_copy(s1_v.at[bslot], s1h.at[b], semo)
            pltpu.async_copy(s2_v.at[bslot], s2h.at[b], semo)
            return carry

        lax.fori_loop(0, b_per_w, b_body, 0)

        for i in (b_per_w - 2, b_per_w - 1):
            slot = pl.ds((i % 2) * K1, K1)
            pltpu.make_async_copy(
                s1h.at[b0 + i], s1_v.at[slot], semo).wait()
            pltpu.make_async_copy(
                s2h.at[b0 + i], s2_v.at[slot], semo).wait()

    return sc_scores


def _make_norm(B, K1, out_size):
    def body(s1_ref, s2_ref, o1_ref, o2_ref):
        e1 = jnp.exp(s1_ref[...] * (1.0 / _T))
        e2 = jnp.exp(s2_ref[...] * (1.0 / _T))
        z1 = jnp.mean(e1) * out_size
        z2 = jnp.mean(e2) * out_size
        o1_ref[...] = e1 / z1
        o2_ref[...] = e2 / z2

    return pl.pallas_call(
        body,
        out_shape=[jax.ShapeDtypeStruct((B, K1), jnp.float32),
                   jax.ShapeDtypeStruct((B, K1), jnp.float32)],
    )


def kernel(num_pos, pos_extra, v1, v2, batch_label, y, idx, memory_v1,
           memory_v2, all_sample_labels):
    B, D = v1.shape
    K1 = idx.shape[1]
    out_size = memory_v1.shape[0]
    idx3 = idx.astype(jnp.int32).reshape(B, K1 // 128, 128)
    mem1_r = memory_v1.astype(jnp.bfloat16)
    mem2_r = memory_v2.astype(jnp.bfloat16)
    v1_r = v1.astype(jnp.bfloat16)
    v2_r = v2.astype(jnp.bfloat16)
    sc_scores = _make_sc_scores(B, K1, D)
    s1, s2 = sc_scores(mem1_r, mem2_r, v1_r, v2_r, idx3)
    out_v1, out_v2 = _make_norm(B, K1, out_size)(s1, s2)
    return (out_v1[:, :, None], out_v2[:, :, None])

# --- scband reference (transcript-rebuilt; emitter-appended) ---
"""Pipeline reference for scband-contrast-memory-43946105373207 (READ-ONLY COPY).

The authoritative reference and input builder live on the scoring server;
editing this copy changes nothing except your own understanding.
"""

import jax, jax.numpy as jnp
import numpy as np
import math

INPUT_SIZE = 64
OUTPUT_SIZE = 100000
K = 511
T = 0.07
MOMENTUM = 0.5
N_CLASSES = 3
B = 1024
CLASS_IDX = [list(range(0, 10)), list(range(10, 20)), list(range(20, 30))]


def setup_inputs(seed: int = 0) -> dict:
    key = jax.random.key(seed)
    k1, k2, k3, k4, k5, k6, k7 = jax.random.split(key, 7)
    stdv = 1.0 / math.sqrt(INPUT_SIZE / 3)
    memory_v1 = jax.random.uniform(k1, (OUTPUT_SIZE, INPUT_SIZE), dtype=jnp.float32) * (2 * stdv) - stdv
    memory_v2 = jax.random.uniform(k2, (OUTPUT_SIZE, INPUT_SIZE), dtype=jnp.float32) * (2 * stdv) - stdv
    all_sample_labels = np.zeros(OUTPUT_SIZE, dtype=np.float32)
    for c, ids in enumerate(CLASS_IDX):
        for i in ids:
            all_sample_labels[i] = c
    v1 = jax.random.normal(k3, (B, INPUT_SIZE), dtype=jnp.float32)
    v2 = jax.random.normal(k4, (B, INPUT_SIZE), dtype=jnp.float32)
    batch_label = jax.random.randint(k5, (B,), 0, N_CLASSES)
    y = jax.random.randint(k6, (B,), 0, OUTPUT_SIZE)
    idx = jax.random.randint(k7, (B, K + 1), 0, OUTPUT_SIZE)
    return {
        'num_pos': 1,
        'pos_extra': 0,
        'v1': v1,
        'v2': v2,
        'batch_label': batch_label,
        'y': y,
        'idx': idx,
        'memory_v1': memory_v1,
        'memory_v2': memory_v2,
        'all_sample_labels': jnp.asarray(all_sample_labels),
    }


def reference(num_pos, pos_extra, v1, v2, batch_label, y, idx, memory_v1, memory_v2, all_sample_labels):
    batchSize = v1.shape[0]
    outputSize = memory_v1.shape[0]
    inputSize = memory_v1.shape[1]
    # class mask machinery (computed unconditionally in the original forward;
    # only consumed by the 'neighbors'/'centers' branches, which are inactive here)
    class_mask = jnp.stack([jnp.where(all_sample_labels == c, 1.0, 0.0) for c in range(N_CLASSES)], axis=0)
    batch_class_mask = jnp.take(class_mask, batch_label, axis=0)
    neg0 = jnp.where(batch_label == 0, 1, 0)
    neg1 = jnp.where(batch_label == 2, 1, 2)
    batch_neg_labels = jnp.stack([neg0, neg1], axis=1).reshape(-1)
    # gather negatives+positive from memory bank v1 (detached in torch)
    weight_v1 = jnp.take(memory_v1, idx.reshape(-1), axis=0).reshape(batchSize, K + 1, inputSize)
    out_v2 = jnp.exp(jnp.einsum('bkd,bd->bk', weight_v1, v2)[:, :, None] / T)
    weight_v2 = jnp.take(memory_v2, idx.reshape(-1), axis=0).reshape(batchSize, K + 1, inputSize)
    out_v1 = jnp.exp(jnp.einsum('bkd,bd->bk', weight_v2, v1)[:, :, None] / T)
    # Z_v1/Z_v2 initialized from first-batch mean (params start at -1)
    Z_v1 = out_v1.mean() * outputSize
    Z_v2 = out_v2.mean() * outputSize
    out_v1 = out_v1 / Z_v1
    out_v2 = out_v2 / Z_v2
    # momentum update of memory banks (no_grad buffer side effect in torch)
    l_pos = jnp.take(memory_v1, y, axis=0) * MOMENTUM + v1 * (1.0 - MOMENTUM)
    l_norm = jnp.sqrt((l_pos ** 2).sum(axis=1, keepdims=True))
    updated_v1 = l_pos / l_norm
    new_memory_v1 = memory_v1.at[y].set(updated_v1)
    ab_pos = jnp.take(memory_v2, y, axis=0) * MOMENTUM + v2 * (1.0 - MOMENTUM)
    ab_norm = jnp.sqrt((ab_pos ** 2).sum(axis=1, keepdims=True))
    updated_v2 = ab_pos / ab_norm
    new_memory_v2 = memory_v2.at[y].set(updated_v2)
    return (out_v1, out_v2)

if __name__ == "__main__":
    import jax
    _d = setup_inputs()
    print(jax.jit(kernel)(*tuple(_d.values())))

</pallas_src>

<mosaic_0001>
#map = affine_map<(d0, d1) -> (0, 0)>
#map1 = affine_map<(d0, d1) -> (0, 0, 0)>
module attributes {stable_mosaic.version = 14 : i64} {
  func.func @sc_scores(%arg0: i32, %arg1: i32, %arg2: memref<100000x64xbf16, #tpu.memory_space<hbm>>, %arg3: memref<100000x64xbf16, #tpu.memory_space<hbm>>, %arg4: memref<1024x64xbf16, #tpu.memory_space<hbm>>, %arg5: memref<1024x64xbf16, #tpu.memory_space<hbm>>, %arg6: memref<1024x4x128xi32, #tpu.memory_space<hbm>>, %arg7: memref<1024x512xf32, #tpu.memory_space<hbm>>, %arg8: memref<1024x512xf32, #tpu.memory_space<hbm>>, %arg9: memref<32x4x128xi32, #tpu.memory_space<vmem>>, %arg10: memref<32x64xbf16, #tpu.memory_space<vmem>>, %arg11: memref<32x64xbf16, #tpu.memory_space<vmem>>, %arg12: memref<512x64xbf16, #tpu.memory_space<vmem>>, %arg13: memref<512x64xbf16, #tpu.memory_space<vmem>>, %arg14: memref<1024xf32, #tpu.memory_space<vmem>>, %arg15: memref<1024xf32, #tpu.memory_space<vmem>>, %arg16: memref<!tpu.dma_semaphore, #tpu.memory_space<semaphore_mem>>, %arg17: memref<!tpu.dma_semaphore, #tpu.memory_space<semaphore_mem>>, %arg18: memref<!tpu.dma_semaphore, #tpu.memory_space<semaphore_mem>>) attributes {dimension_semantics = [#tpu.dimension_semantics<core_parallel>, #tpu.dimension_semantics<subcore_parallel>], iteration_bounds = array<i64: 2, 16>, scalar_prefetch = 0 : i64, scratch_operands = 10 : i64, tpu.core_type = #tpu.core_type<sc_vector_subcore>, window_params = [{transform_indices = #map}, {transform_indices = #map}, {transform_indices = #map}, {transform_indices = #map}, {transform_indices = #map1}, {transform_indices = #map}, {transform_indices = #map}]} {
    %mul3A = arith.constant 2 : i32
    %mul3A_0 = arith.muli %arg1, %mul3A : i32
    %add3A = arith.addi %mul3A_0, %arg0 : i32
    %mul3A_1 = arith.constant 32 : i32
    %mul3A_2 = arith.muli %add3A, %mul3A_1 : i32
    %iota3A = tpu.iota {dimensions = array<i32: 0>} : vector<16xi32>
    %broadcast_in_dim3A = arith.constant 15 : i32
    %broadcast_in_dim3A_3 = vector.broadcast %broadcast_in_dim3A : i32 to vector<16xi32>
    "tpu.region"() ({
      %run_scoped3A = tpu.sem_alloc : memref<!tpu.dma_semaphore, #tpu.memory_space<semaphore_mem>>
      %dma_start3A_143 = arith.constant 0 : i32
      %dma_start3A_144 = arith.constant 0 : i32
      %dma_start3A_145 = tpu.memref_slice %arg6[%mul3A_2, %dma_start3A_143, %dma_start3A_144] : memref<1024x4x128xi32, #tpu.memory_space<hbm>> -> memref<32x4x128xi32, #tpu.memory_space<hbm>>
      %dma_start3A_146 = arith.constant 0 : i32
      %dma_start3A_147 = arith.constant 0 : i32
      %dma_start3A_148 = tpu.memref_slice %arg6[%mul3A_2, %dma_start3A_146, %dma_start3A_147] : memref<1024x4x128xi32, #tpu.memory_space<hbm>> -> memref<32x4x128xi32, #tpu.memory_space<hbm>>
      tpu.enqueue_dma source(%dma_start3A_148 : memref<32x4x128xi32, #tpu.memory_space<hbm>>) target(%arg9 : memref<32x4x128xi32, #tpu.memory_space<vmem>>) target_semaphore(%run_scoped3A : memref<!tpu.dma_semaphore, #tpu.memory_space<semaphore_mem>>)
      %dma_wait3A_149 = arith.constant 0 : i32
      %dma_wait3A_150 = arith.constant 0 : i32
      %dma_wait3A_151 = tpu.memref_slice %arg6[%mul3A_2, %dma_wait3A_149, %dma_wait3A_150] : memref<1024x4x128xi32, #tpu.memory_space<hbm>> -> memref<32x4x128xi32, #tpu.memory_space<hbm>>
      %dma_wait3A_152 = arith.constant 0 : i32
      %dma_wait3A_153 = arith.constant 0 : i32
      %dma_wait3A_154 = tpu.memref_slice %arg6[%mul3A_2, %dma_wait3A_152, %dma_wait3A_153] : memref<1024x4x128xi32, #tpu.memory_space<hbm>> -> memref<32x4x128xi32, #tpu.memory_space<hbm>>
      tpu.wait_dma2 semaphore(%run_scoped3A : memref<!tpu.dma_semaphore, #tpu.memory_space<semaphore_mem>>) src(%dma_wait3A_154 : memref<32x4x128xi32, #tpu.memory_space<hbm>>) dst(%arg9 : memref<32x4x128xi32, #tpu.memory_space<vmem>>)
      tpu.yield
    }) : () -> ()
    "tpu.region"() ({
      %run_scoped3A = tpu.sem_alloc : memref<!tpu.dma_semaphore, #tpu.memory_space<semaphore_mem>>
      %dma_start3A_143 = arith.constant 0 : i32
      %dma_start3A_144 = tpu.memref_slice %arg4[%mul3A_2, %dma_start3A_143] : memref<1024x64xbf16, #tpu.memory_space<hbm>> -> memref<32x64xbf16, #tpu.memory_space<hbm>>
      %dma_start3A_145 = arith.constant 0 : i32
      %dma_start3A_146 = tpu.memref_slice %arg4[%mul3A_2, %dma_start3A_145] : memref<1024x64xbf16, #tpu.memory_space<hbm>> -> memref<32x64xbf16, #tpu.memory_space<hbm>>
      tpu.enqueue_dma source(%dma_start3A_146 : memref<32x64xbf16, #tpu.memory_space<hbm>>) target(%arg10 : memref<32x64xbf16, #tpu.memory_space<vmem>>) target_semaphore(%run_scoped3A : memref<!tpu.dma_semaphore, #tpu.memory_space<semaphore_mem>>)
      %dma_wait3A_147 = arith.constant 0 : i32
      %dma_wait3A_148 = tpu.memref_slice %arg4[%mul3A_2, %dma_wait3A_147] : memref<1024x64xbf16, #tpu.memory_space<hbm>> -> memref<32x64xbf16, #tpu.memory_space<hbm>>
      %dma_wait3A_149 = arith.constant 0 : i32
      %dma_wait3A_150 = tpu.memref_slice %arg4[%mul3A_2, %dma_wait3A_149] : memref<1024x64xbf16, #tpu.memory_space<hbm>> -> memref<32x64xbf16, #tpu.memory_space<hbm>>
      tpu.wait_dma2 semaphore(%run_scoped3A : memref<!tpu.dma_semaphore, #tpu.memory_space<semaphore_mem>>) src(%dma_wait3A_150 : memref<32x64xbf16, #tpu.memory_space<hbm>>) dst(%arg10 : memref<32x64xbf16, #tpu.memory_space<vmem>>)
      tpu.yield
    }) : () -> ()
    "tpu.region"() ({
      %run_scoped3A = tpu.sem_alloc : memref<!tpu.dma_semaphore, #tpu.memory_space<semaphore_mem>>
      %dma_start3A_143 = arith.constant 0 : i32
      %dma_start3A_144 = tpu.memref_slice %arg5[%mul3A_2, %dma_start3A_143] : memref<1024x64xbf16, #tpu.memory_space<hbm>> -> memref<32x64xbf16, #tpu.memory_space<hbm>>
      %dma_start3A_145 = arith.constant 0 : i32
      %dma_start3A_146 = tpu.memref_slice %arg5[%mul3A_2, %dma_start3A_145] : memref<1024x64xbf16, #tpu.memory_space<hbm>> -> memref<32x64xbf16, #tpu.memory_space<hbm>>
      tpu.enqueue_dma source(%dma_start3A_146 : memref<32x64xbf16, #tpu.memory_space<hbm>>) target(%arg11 : memref<32x64xbf16, #tpu.memory_space<vmem>>) target_semaphore(%run_scoped3A : memref<!tpu.dma_semaphore, #tpu.memory_space<semaphore_mem>>)
      %dma_wait3A_147 = arith.constant 0 : i32
      %dma_wait3A_148 = tpu.memref_slice %arg5[%mul3A_2, %dma_wait3A_147] : memref<1024x64xbf16, #tpu.memory_space<hbm>> -> memref<32x64xbf16, #tpu.memory_space<hbm>>
      %dma_wait3A_149 = arith.constant 0 : i32
      %dma_wait3A_150 = tpu.memref_slice %arg5[%mul3A_2, %dma_wait3A_149] : memref<1024x64xbf16, #tpu.memory_space<hbm>> -> memref<32x64xbf16, #tpu.memory_space<hbm>>
      tpu.wait_dma2 semaphore(%run_scoped3A : memref<!tpu.dma_semaphore, #tpu.memory_space<semaphore_mem>>) src(%dma_wait3A_150 : memref<32x64xbf16, #tpu.memory_space<hbm>>) dst(%arg11 : memref<32x64xbf16, #tpu.memory_space<vmem>>)
      tpu.yield
    }) : () -> ()
    %dma_start3A = arith.constant 0 : i32
    %dma_start3A_4 = arith.constant 0 : i32
    %dma_start3A_5 = arith.constant 0 : i32
    %dma_start3A_6 = arith.constant 0 : i32
    %dma_start3A_7 = tpu.memref_slice %arg12[%dma_start3A_5, %dma_start3A_6] : memref<512x64xbf16, #tpu.memory_space<vmem>> -> memref<128x64xbf16, #tpu.memory_space<vmem>>
    %dma_start3A_8 = arith.constant 0 : i32
    %dma_start3A_9 = tpu.memref_slice %arg9[%dma_start3A, %dma_start3A_4, %dma_start3A_8] : memref<32x4x128xi32, #tpu.memory_space<vmem>> -> memref<1x1x128xi32, #tpu.memory_space<vmem>>
    %dma_start3A_10 = tpu.memref_squeeze %dma_start3A_9 : memref<1x1x128xi32, #tpu.memory_space<vmem>> -> memref<128xi32, #tpu.memory_space<vmem>>
    %dma_start3A_11 = arith.constant 0 : i32
    %dma_start3A_12 = arith.constant 0 : i32
    %dma_start3A_13 = tpu.memref_slice %arg2[%dma_start3A_11, %dma_start3A_12] : memref<100000x64xbf16, #tpu.memory_space<hbm>> -> memref<100000x64xbf16, #tpu.memory_space<hbm>>
    tpu.enqueue_indirect_dma source(%dma_start3A_13 : memref<100000x64xbf16, #tpu.memory_space<hbm>>) target(%dma_start3A_7 : memref<128x64xbf16, #tpu.memory_space<vmem>>) offsets(%dma_start3A_10 : memref<128xi32, #tpu.memory_space<vmem>>) semaphore(%arg16 : memref<!tpu.dma_semaphore, #tpu.memory_space<semaphore_mem>>)
    %dma_start3A_14 = arith.constant 0 : i32
    %dma_start3A_15 = arith.constant 1 : i32
    %dma_start3A_16 = arith.constant 128 : i32
    %dma_start3A_17 = arith.constant 0 : i32
    %dma_start3A_18 = tpu.memref_slice %arg12[%dma_start3A_16, %dma_start3A_17] : memref<512x64xbf16, #tpu.memory_space<vmem>> -> memref<128x64xbf16, #tpu.memory_space<vmem>>
    %dma_start3A_19 = arith.constant 0 : i32
    %dma_start3A_20 = tpu.memref_slice %arg9[%dma_start3A_14, %dma_start3A_15, %dma_start3A_19] : memref<32x4x128xi32, #tpu.memory_space<vmem>> -> memref<1x1x128xi32, #tpu.memory_space<vmem>>
    %dma_start3A_21 = tpu.memref_squeeze %dma_start3A_20 : memref<1x1x128xi32, #tpu.memory_space<vmem>> -> memref<128xi32, #tpu.memory_space<vmem>>
    %dma_start3A_22 = arith.constant 0 : i32
    %dma_start3A_23 = arith.constant 0 : i32
    %dma_start3A_24 = tpu.memref_slice %arg2[%dma_start3A_22, %dma_start3A_23] : memref<100000x64xbf16, #tpu.memory_space<hbm>> -> memref<100000x64xbf16, #tpu.memory_space<hbm>>
    tpu.enqueue_indirect_dma source(%dma_start3A_24 : memref<100000x64xbf16, #tpu.memory_space<hbm>>) target(%dma_start3A_18 : memref<128x64xbf16, #tpu.memory_space<vmem>>) offsets(%dma_start3A_21 : memref<128xi32, #tpu.memory_space<vmem>>) semaphore(%arg16 : memref<!tpu.dma_semaphore, #tpu.memory_space<semaphore_mem>>)
    %dma_start3A_25 = arith.constant 0 : i32
    %dma_start3A_26 = arith.constant 2 : i32
    %dma_start3A_27 = arith.constant 256 : i32
    %dma_start3A_28 = arith.constant 0 : i32
    %dma_start3A_29 = tpu.memref_slice %arg12[%dma_start3A_27, %dma_start3A_28] : memref<512x64xbf16, #tpu.memory_space<vmem>> -> memref<128x64xbf16, #tpu.memory_space<vmem>>
    %dma_start3A_30 = arith.constant 0 : i32
    %dma_start3A_31 = tpu.memref_slice %arg9[%dma_start3A_25, %dma_start3A_26, %dma_start3A_30] : memref<32x4x128xi32, #tpu.memory_space<vmem>> -> memref<1x1x128xi32, #tpu.memory_space<vmem>>
    %dma_start3A_32 = tpu.memref_squeeze %dma_start3A_31 : memref<1x1x128xi32, #tpu.memory_space<vmem>> -> memref<128xi32, #tpu.memory_space<vmem>>
    %dma_start3A_33 = arith.constant 0 : i32
    %dma_start3A_34 = arith.constant 0 : i32
    %dma_start3A_35 = tpu.memref_slice %arg2[%dma_start3A_33, %dma_start3A_34] : memref<100000x64xbf16, #tpu.memory_space<hbm>> -> memref<100000x64xbf16, #tpu.memory_space<hbm>>
    tpu.enqueue_indirect_dma source(%dma_start3A_35 : memref<100000x64xbf16, #tpu.memory_space<hbm>>) target(%dma_start3A_29 : memref<128x64xbf16, #tpu.memory_space<vmem>>) offsets(%dma_start3A_32 : memref<128xi32, #tpu.memory_space<vmem>>) semaphore(%arg16 : memref<!tpu.dma_semaphore, #tpu.memory_space<semaphore_mem>>)
    %dma_start3A_36 = arith.constant 0 : i32
    %dma_start3A_37 = arith.constant 3 : i32
    %dma_start3A_38 = arith.constant 384 : i32
    %dma_start3A_39 = arith.constant 0 : i32
    %dma_start3A_40 = tpu.memref_slice %arg12[%dma_start3A_38, %dma_start3A_39] : memref<512x64xbf16, #tpu.memory_space<vmem>> -> memref<128x64xbf16, #tpu.memory_space<vmem>>
    %dma_start3A_41 = arith.constant 0 : i32
    %dma_start3A_42 = tpu.memref_slice %arg9[%dma_start3A_36, %dma_start3A_37, %dma_start3A_41] : memref<32x4x128xi32, #tpu.memory_space<vmem>> -> memref<1x1x128xi32, #tpu.memory_space<vmem>>
    %dma_start3A_43 = tpu.memref_squeeze %dma_start3A_42 : memref<1x1x128xi32, #tpu.memory_space<vmem>> -> memref<128xi32, #tpu.memory_space<vmem>>
    %dma_start3A_44 = arith.constant 0 : i32
    %dma_start3A_45 = arith.constant 0 : i32
    %dma_start3A_46 = tpu.memref_slice %arg2[%dma_start3A_44, %dma_start3A_45] : memref<100000x64xbf16, #tpu.memory_space<hbm>> -> memref<100000x64xbf16, #tpu.memory_space<hbm>>
    tpu.enqueue_indirect_dma source(%dma_start3A_46 : memref<100000x64xbf16, #tpu.memory_space<hbm>>) target(%dma_start3A_40 : memref<128x64xbf16, #tpu.memory_space<vmem>>) offsets(%dma_start3A_43 : memref<128xi32, #tpu.memory_space<vmem>>) semaphore(%arg16 : memref<!tpu.dma_semaphore, #tpu.memory_space<semaphore_mem>>)
    %dma_start3A_47 = arith.constant 0 : i32
    %dma_start3A_48 = arith.constant 0 : i32
    %dma_start3A_49 = arith.constant 0 : i32
    %dma_start3A_50 = arith.constant 0 : i32
    %dma_start3A_51 = tpu.memref_slice %arg13[%dma_start3A_49, %dma_start3A_50] : memref<512x64xbf16, #tpu.memory_space<vmem>> -> memref<128x64xbf16, #tpu.memory_space<vmem>>
    %dma_start3A_52 = arith.constant 0 : i32
    %dma_start3A_53 = tpu.memref_slice %arg9[%dma_start3A_47, %dma_start3A_48, %dma_start3A_52] : memref<32x4x128xi32, #tpu.memory_space<vmem>> -> memref<1x1x128xi32, #tpu.memory_space<vmem>>
    %dma_start3A_54 = tpu.memref_squeeze %dma_start3A_53 : memref<1x1x128xi32, #tpu.memory_space<vmem>> -> memref<128xi32, #tpu.memory_space<vmem>>
    %dma_start3A_55 = arith.constant 0 : i32
    %dma_start3A_56 = arith.constant 0 : i32
    %dma_start3A_57 = tpu.memref_slice %arg3[%dma_start3A_55, %dma_start3A_56] : memref<100000x64xbf16, #tpu.memory_space<hbm>> -> memref<100000x64xbf16, #tpu.memory_space<hbm>>
    tpu.enqueue_indirect_dma source(%dma_start3A_57 : memref<100000x64xbf16, #tpu.memory_space<hbm>>) target(%dma_start3A_51 : memref<128x64xbf16, #tpu.memory_space<vmem>>) offsets(%dma_start3A_54 : memref<128xi32, #tpu.memory_space<vmem>>) semaphore(%arg17 : memref<!tpu.dma_semaphore, #tpu.memory_space<semaphore_mem>>)
    %dma_start3A_58 = arith.constant 0 : i32
    %dma_start3A_59 = arith.constant 1 : i32
    %dma_start3A_60 = arith.constant 128 : i32
    %dma_start3A_61 = arith.constant 0 : i32
    %dma_start3A_62 = tpu.memref_slice %arg13[%dma_start3A_60, %dma_start3A_61] : memref<512x64xbf16, #tpu.memory_space<vmem>> -> memref<128x64xbf16, #tpu.memory_space<vmem>>
    %dma_start3A_63 = arith.constant 0 : i32
    %dma_start3A_64 = tpu.memref_slice %arg9[%dma_start3A_58, %dma_start3A_59, %dma_start3A_63] : memref<32x4x128xi32, #tpu.memory_space<vmem>> -> memref<1x1x128xi32, #tpu.memory_space<vmem>>
    %dma_start3A_65 = tpu.memref_squeeze %dma_start3A_64 : memref<1x1x128xi32, #tpu.memory_space<vmem>> -> memref<128xi32, #tpu.memory_space<vmem>>
    %dma_start3A_66 = arith.constant 0 : i32
    %dma_start3A_67 = arith.constant 0 : i32
    %dma_start3A_68 = tpu.memref_slice %arg3[%dma_start3A_66, %dma_start3A_67] : memref<100000x64xbf16, #tpu.memory_space<hbm>> -> memref<100000x64xbf16, #tpu.memory_space<hbm>>
    tpu.enqueue_indirect_dma source(%dma_start3A_68 : memref<100000x64xbf16, #tpu.memory_space<hbm>>) target(%dma_start3A_62 : memref<128x64xbf16, #tpu.memory_space<vmem>>) offsets(%dma_start3A_65 : memref<128xi32, #tpu.memory_space<vmem>>) semaphore(%arg17 : memref<!tpu.dma_semaphore, #tpu.memory_space<semaphore_mem>>)
    %dma_start3A_69 = arith.constant 0 : i32
    %dma_start3A_70 = arith.constant 2 : i32
    %dma_start3A_71 = arith.constant 256 : i32
    %dma_start3A_72 = arith.constant 0 : i32
    %dma_start3A_73 = tpu.memref_slice %arg13[%dma_start3A_71, %dma_start3A_72] : memref<512x64xbf16, #tpu.memory_space<vmem>> -> memref<128x64xbf16, #tpu.memory_space<vmem>>
    %dma_start3A_74 = arith.constant 0 : i32
    %dma_start3A_75 = tpu.memref_slice %arg9[%dma_start3A_69, %dma_start3A_70, %dma_start3A_74] : memref<32x4x128xi32, #tpu.memory_space<vmem>> -> memref<1x1x128xi32, #tpu.memory_space<vmem>>
    %dma_start3A_76 = tpu.memref_squeeze %dma_start3A_75 : memref<1x1x128xi32, #tpu.memory_space<vmem>> -> memref<128xi32, #tpu.memory_space<vmem>>
    %dma_start3A_77 = arith.constant 0 : i32
    %dma_start3A_78 = arith.constant 0 : i32
    %dma_start3A_79 = tpu.memref_slice %arg3[%dma_start3A_77, %dma_start3A_78] : memref<100000x64xbf16, #tpu.memory_space<hbm>> -> memref<100000x64xbf16, #tpu.memory_space<hbm>>
    tpu.enqueue_indirect_dma source(%dma_start3A_79 : memref<100000x64xbf16, #tpu.memory_space<hbm>>) target(%dma_start3A_73 : memref<128x64xbf16, #tpu.memory_space<vmem>>) offsets(%dma_start3A_76 : memref<128xi32, #tpu.memory_space<vmem>>) semaphore(%arg17 : memref<!tpu.dma_semaphore, #tpu.memory_space<semaphore_mem>>)
    %dma_start3A_80 = arith.constant 0 : i32
    %dma_start3A_81 = arith.constant 3 : i32
    %dma_start3A_82 = arith.constant 384 : i32
    %dma_start3A_83 = arith.constant 0 : i32
    %dma_start3A_84 = tpu.memref_slice %arg13[%dma_start3A_82, %dma_start3A_83] : memref<512x64xbf16, #tpu.memory_space<vmem>> -> memref<128x64xbf16, #tpu.memory_space<vmem>>
    %dma_start3A_85 = arith.constant 0 : i32
    %dma_start3A_86 = tpu.memref_slice %arg9[%dma_start3A_80, %dma_start3A_81, %dma_start3A_85] : memref<32x4x128xi32, #tpu.memory_space<vmem>> -> memref<1x1x128xi32, #tpu.memory_space<vmem>>
    %dma_start3A_87 = tpu.memref_squeeze %dma_start3A_86 : memref<1x1x128xi32, #tpu.memory_space<vmem>> -> memref<128xi32, #tpu.memory_space<vmem>>
    %dma_start3A_88 = arith.constant 0 : i32
    %dma_start3A_89 = arith.constant 0 : i32
    %dma_start3A_90 = tpu.memref_slice %arg3[%dma_start3A_88, %dma_start3A_89] : memref<100000x64xbf16, #tpu.memory_space<hbm>> -> memref<100000x64xbf16, #tpu.memory_space<hbm>>
    tpu.enqueue_indirect_dma source(%dma_start3A_90 : memref<100000x64xbf16, #tpu.memory_space<hbm>>) target(%dma_start3A_84 : memref<128x64xbf16, #tpu.memory_space<vmem>>) offsets(%dma_start3A_87 : memref<128xi32, #tpu.memory_space<vmem>>) semaphore(%arg17 : memref<!tpu.dma_semaphore, #tpu.memory_space<semaphore_mem>>)
    %scan3A = arith.constant 0 : i32
    %scan3A_91 = arith.constant 0 : i32
    %scan3A_92 = arith.constant 32 : i32
    %scan3A_93 = arith.addi %scan3A_91, %scan3A_92 : i32
    %scan3A_94 = arith.constant 1 : i32
    scf.for %scan3A_143 = %scan3A_91 to %scan3A_93 step %scan3A_94  : i32 {
      %add3A_144 = arith.addi %mul3A_2, %scan3A_143 : i32
      %rem3A = arith.constant 2 : i32
      %rem3A_145 = arith.remsi %scan3A_143, %rem3A : i32
      %mul3A_146 = arith.constant 512 : i32
      %mul3A_147 = arith.muli %rem3A_145, %mul3A_146 : i32
      %ge3A = arith.constant 2 : i32
      %ge3A_148 = arith.cmpi sge, %scan3A_143, %ge3A : i32
      %convert_element_type3A = arith.extui %ge3A_148 : i1 to i32
      %cond3A = arith.constant 0 : i32
      %cond3A_149 = arith.cmpi ne, %convert_element_type3A, %cond3A : i32
      scf.if %cond3A_149 {
        %dma_wait3A_221 = tpu.memref_slice %arg14[%mul3A_147] : memref<1024xf32, #tpu.memory_space<vmem>> -> memref<512xf32, #tpu.memory_space<vmem>>
        %dma_wait3A_222 = arith.constant 0 : i32
        %dma_wait3A_223 = tpu.memref_slice %arg7[%add3A_144, %dma_wait3A_222] : memref<1024x512xf32, #tpu.memory_space<hbm>> -> memref<1x512xf32, #tpu.memory_space<hbm>>
        %dma_wait3A_224 = tpu.memref_squeeze %dma_wait3A_223 : memref<1x512xf32, #tpu.memory_space<hbm>> -> memref<512xf32, #tpu.memory_space<hbm>>
        %dma_wait3A_225 = tpu.memref_slice %arg14[%mul3A_147] : memref<1024xf32, #tpu.memory_space<vmem>> -> memref<512xf32, #tpu.memory_space<vmem>>
        %dma_wait3A_226 = arith.constant 0 : i32
        %dma_wait3A_227 = tpu.memref_slice %arg7[%add3A_144, %dma_wait3A_226] : memref<1024x512xf32, #tpu.memory_space<hbm>> -> memref<1x512xf32, #tpu.memory_space<hbm>>
        %dma_wait3A_228 = tpu.memref_squeeze %dma_wait3A_227 : memref<1x512xf32, #tpu.memory_space<hbm>> -> memref<512xf32, #tpu.memory_space<hbm>>
        tpu.wait_dma2 semaphore(%arg18 : memref<!tpu.dma_semaphore, #tpu.memory_space<semaphore_mem>>) src(%dma_wait3A_228 : memref<512xf32, #tpu.memory_space<hbm>>) dst(%dma_wait3A_225 : memref<512xf32, #tpu.memory_space<vmem>>)
        %dma_wait3A_229 = tpu.memref_slice %arg15[%mul3A_147] : memref<1024xf32, #tpu.memory_space<vmem>> -> memref<512xf32, #tpu.memory_space<vmem>>
        %dma_wait3A_230 = arith.constant 0 : i32
        %dma_wait3A_231 = tpu.memref_slice %arg8[%add3A_144, %dma_wait3A_230] : memref<1024x512xf32, #tpu.memory_space<hbm>> -> memref<1x512xf32, #tpu.memory_space<hbm>>
        %dma_wait3A_232 = tpu.memref_squeeze %dma_wait3A_231 : memref<1x512xf32, #tpu.memory_space<hbm>> -> memref<512xf32, #tpu.memory_space<hbm>>
        %dma_wait3A_233 = tpu.memref_slice %arg15[%mul3A_147] : memref<1024xf32, #tpu.memory_space<vmem>> -> memref<512xf32, #tpu.memory_space<vmem>>
        %dma_wait3A_234 = arith.constant 0 : i32
        %dma_wait3A_235 = tpu.memref_slice %arg8[%add3A_144, %dma_wait3A_234] : memref<1024x512xf32, #tpu.memory_space<hbm>> -> memref<1x512xf32, #tpu.memory_space<hbm>>
        %dma_wait3A_236 = tpu.memref_squeeze %dma_wait3A_235 : memref<1x512xf32, #tpu.memory_space<hbm>> -> memref<512xf32, #tpu.memory_space<hbm>>
        tpu.wait_dma2 semaphore(%arg18 : memref<!tpu.dma_semaphore, #tpu.memory_space<semaphore_mem>>) src(%dma_wait3A_236 : memref<512xf32, #tpu.memory_space<hbm>>) dst(%dma_wait3A_233 : memref<512xf32, #tpu.memory_space<vmem>>)
      } else {
      }
      %dma_wait3A_150 = arith.constant 0 : i32
      %dma_wait3A_151 = arith.constant 0 : i32
      %dma_wait3A_152 = tpu.memref_slice %arg2[%dma_wait3A_150, %dma_wait3A_151] : memref<100000x64xbf16, #tpu.memory_space<hbm>> -> memref<512x64xbf16, #tpu.memory_space<hbm>>
      %dma_wait3A_153 = arith.constant 0 : i32
      %dma_wait3A_154 = arith.constant 0 : i32
      %dma_wait3A_155 = tpu.memref_slice %arg2[%dma_wait3A_153, %dma_wait3A_154] : memref<100000x64xbf16, #tpu.memory_space<hbm>> -> memref<512x64xbf16, #tpu.memory_space<hbm>>
      tpu.wait_dma2 semaphore(%arg16 : memref<!tpu.dma_semaphore, #tpu.memory_space<semaphore_mem>>) src(%dma_wait3A_155 : memref<512x64xbf16, #tpu.memory_space<hbm>>) dst(%arg12 : memref<512x64xbf16, #tpu.memory_space<vmem>>)
      %get3A = arith.index_cast %scan3A_143 : i32 to index
      %get3A_156 = arith.constant 0 : index
      %get3A_157 = tpu.vector_load %arg11[%get3A, %get3A_156] {strides = array<i32>} : memref<32x64xbf16, #tpu.memory_space<vmem>>, vector<32xbf16>,
      %unpack3A = tpu.unpack_subelements %get3A_157, 0 {pack_format = #tpu.pack_format<interleaved>} : vector<32xbf16> -> vector<16xf32>
      %unpack3A_158 = tpu.unpack_subelements %get3A_157, 1 {pack_format = #tpu.pack_format<interleaved>} : vector<32xbf16> -> vector<16xf32>
      %get3A_159 = arith.index_cast %scan3A_143 : i32 to index
      %get3A_160 = arith.constant 32 : index
      %get3A_161 = tpu.vector_load %arg11[%get3A_159, %get3A_160] {strides = array<i32>} : memref<32x64xbf16, #tpu.memory_space<vmem>>, vector<32xbf16>,
      %unpack3A_162 = tpu.unpack_subelements %get3A_161, 0 {pack_format = #tpu.pack_format<interleaved>} : vector<32xbf16> -> vector<16xf32>
      %unpack3A_163 = tpu.unpack_subelements %get3A_161, 1 {pack_format = #tpu.pack_format<interleaved>} : vector<32xbf16> -> vector<16xf32>
      %scan3A_164 = arith.constant 0 : i32
      %scan3A_165 = arith.constant 0 : i32
      %scan3A_166 = arith.constant 32 : i32
      %scan3A_167 = arith.addi %scan3A_165, %scan3A_166 : i32
      %scan3A_168 = arith.constant 1 : i32
      scf.for %scan3A_221 = %scan3A_165 to %scan3A_167 step %scan3A_168  : i32 {
        %broadcast_in_dim3A_222 = arith.constant 0.000000e+00 : f32
        %broadcast_in_dim3A_223 = vector.broadcast %broadcast_in_dim3A_222 : f32 to vector<16xf32>
        %mul3A_224 = arith.constant 16 : i32
        %mul3A_225 = arith.muli %scan3A_221, %mul3A_224 : i32
        %add3A_226 = arith.constant 0 : i32
        %add3A_227 = arith.addi %mul3A_225, %add3A_226 : i32
        %get3A_228 = arith.index_cast %add3A_227 : i32 to index
        %get3A_229 = arith.constant 0 : index
        %get3A_230 = tpu.vector_load %arg12[%get3A_228, %get3A_229] {strides = array<i32>} : memref<512x64xbf16, #tpu.memory_space<vmem>>, vector<32xbf16>,
        %unpack3A_231 = tpu.unpack_subelements %get3A_230, 0 {pack_format = #tpu.pack_format<interleaved>} : vector<32xbf16> -> vector<16xf32>
        %unpack3A_232 = tpu.unpack_subelements %get3A_230, 1 {pack_format = #tpu.pack_format<interleaved>} : vector<32xbf16> -> vector<16xf32>
        %mul3A_233 = arith.mulf %unpack3A_231, %unpack3A : vector<16xf32>
        %mul3A_234 = arith.mulf %unpack3A_232, %unpack3A_158 : vector<16xf32>
        %add3A_235 = arith.addf %mul3A_233, %mul3A_234 : vector<16xf32>
        %get3A_236 = arith.index_cast %add3A_227 : i32 to index
        %get3A_237 = arith.constant 32 : index
        %get3A_238 = tpu.vector_load %arg12[%get3A_236, %get3A_237] {strides = array<i32>} : memref<512x64xbf16, #tpu.memory_space<vmem>>, vector<32xbf16>,
        %unpack3A_239 = tpu.unpack_subelements %get3A_238, 0 {pack_format = #tpu.pack_format<interleaved>} : vector<32xbf16> -> vector<16xf32>
        %unpack3A_240 = tpu.unpack_subelements %get3A_238, 1 {pack_format = #tpu.pack_format<interleaved>} : vector<32xbf16> -> vector<16xf32>
        %mul3A_241 = arith.mulf %unpack3A_239, %unpack3A_162 : vector<16xf32>
        %mul3A_242 = arith.mulf %unpack3A_240, %unpack3A_163 : vector<16xf32>
        %add3A_243 = arith.addf %mul3A_241, %mul3A_242 : vector<16xf32>
        %add3A_244 = arith.addf %add3A_235, %add3A_243 : vector<16xf32>
        %broadcast_in_dim3A_245 = arith.constant true
        %broadcast_in_dim3A_246 = vector.broadcast %broadcast_in_dim3A_245 : i1 to vector<16xi1>
        %masked_cumsum3A = tpu.scan <sum>, %add3A_244 masked %broadcast_in_dim3A_246 : vector<16xf32>, vector<16xi1> -> vector<16xf32>
        %lt3A_247 = arith.constant 0 : i32
        %lt3A_248 = vector.broadcast %lt3A_247 : i32 to vector<16xi32>
        %lt3A_249 = arith.cmpi slt, %broadcast_in_dim3A_3, %lt3A_248 : vector<16xi32>
        %add3A_250 = arith.constant 16 : i32
        %add3A_251 = vector.broadcast %add3A_250 : i32 to vector<16xi32>
        %add3A_252 = arith.addi %broadcast_in_dim3A_3, %add3A_251 : vector<16xi32>
        %select_n3A = arith.select %lt3A_249, %add3A_252, %broadcast_in_dim3A_3 : vector<16xi1>, vector<16xi32>
        %broadcast_in_dim3A_253 = vector.shape_cast %select_n3A : vector<16xi32> to vector<16x1xi32>
        %gather3A = vector.shape_cast %broadcast_in_dim3A_253 : vector<16x1xi32> to vector<16xi32>
        %gather3A_254 = tpu.dynamic_gather %masked_cumsum3A[%gather3A] in [0] : vector<16xf32>, vector<16xi32> -> vector<16xf32>
        %eq3A = arith.constant 0 : i32
        %eq3A_255 = vector.broadcast %eq3A : i32 to vector<16xi32>
        %eq3A_256 = arith.cmpi eq, %iota3A, %eq3A_255 : vector<16xi32>
        %select_n3A_257 = arith.select %eq3A_256, %gather3A_254, %broadcast_in_dim3A_223 : vector<16xi1>, vector<16xf32>
        %mul3A_258 = arith.constant 16 : i32
        %mul3A_259 = arith.muli %scan3A_221, %mul3A_258 : i32
        %add3A_260 = arith.constant 1 : i32
        %add3A_261 = arith.addi %mul3A_259, %add3A_260 : i32
        %get3A_262 = arith.index_cast %add3A_261 : i32 to index
        %get3A_263 = arith.constant 0 : index
        %get3A_264 = tpu.vector_load %arg12[%get3A_262, %get3A_263] {strides = array<i32>} : memref<512x64xbf16, #tpu.memory_space<vmem>>, vector<32xbf16>,
        %unpack3A_265 = tpu.unpack_subelements %get3A_264, 0 {pack_format = #tpu.pack_format<interleaved>} : vector<32xbf16> -> vector<16xf32>
        %unpack3A_266 = tpu.unpack_subelements %get3A_264, 1 {pack_format = #tpu.pack_format<interleaved>} : vector<32xbf16> -> vector<16xf32>
        %mul3A_267 = arith.mulf %unpack3A_265, %unpack3A : vector<16xf32>
        %mul3A_268 = arith.mulf %unpack3A_266, %unpack3A_158 : vector<16xf32>
        %add3A_269 = arith.addf %mul3A_267, %mul3A_268 : vector<16xf32>
        %get3A_270 = arith.index_cast %add3A_261 : i32 to index
        %get3A_271 = arith.constant 32 : index
        %get3A_272 = tpu.vector_load %arg12[%get3A_270, %get3A_271] {strides = array<i32>} : memref<512x64xbf16, #tpu.memory_space<vmem>>, vector<32xbf16>,
        %unpack3A_273 = tpu.unpack_subelements %get3A_272, 0 {pack_format = #tpu.pack_format<interleaved>} : vector<32xbf16> -> vector<16xf32>
        %unpack3A_274 = tpu.unpack_subelements %get3A_272, 1 {pack_format = #tpu.pack_format<interleaved>} : vector<32xbf16> -> vector<16xf32>
        %mul3A_275 = arith.mulf %unpack3A_273, %unpack3A_162 : vector<16xf32>
        %mul3A_276 = arith.mulf %unpack3A_274, %unpack3A_163 : vector<16xf32>
        %add3A_277 = arith.addf %mul3A_275, %mul3A_276 : vector<16xf32>
        %add3A_278 = arith.addf %add3A_269, %add3A_277 : vector<16xf32>
        %broadcast_in_dim3A_279 = arith.constant true
        %broadcast_in_dim3A_280 = vector.broadcast %broadcast_in_dim3A_279 : i1 to vector<16xi1>
        %masked_cumsum3A_281 = tpu.scan <sum>, %add3A_278 masked %broadcast_in_dim3A_280 : vector<16xf32>, vector<16xi1> -> vector<16xf32>
        %lt3A_282 = arith.constant 0 : i32
        %lt3A_283 = vector.broadcast %lt3A_282 : i32 to vector<16xi32>
        %lt3A_284 = arith.cmpi slt, %broadcast_in_dim3A_3, %lt3A_283 : vector<16xi32>
        %add3A_285 = arith.constant 16 : i32
        %add3A_286 = vector.broadcast %add3A_285 : i32 to vector<16xi32>
        %add3A_287 = arith.addi %broadcast_in_dim3A_3, %add3A_286 : vector<16xi32>
        %select_n3A_288 = arith.select %lt3A_284, %add3A_287, %broadcast_in_dim3A_3 : vector<16xi1>, vector<16xi32>
        %broadcast_in_dim3A_289 = vector.shape_cast %select_n3A_288 : vector<16xi32> to vector<16x1xi32>
        %gather3A_290 = vector.shape_cast %broadcast_in_dim3A_289 : vector<16x1xi32> to vector<16xi32>
        %gather3A_291 = tpu.dynamic_gather %masked_cumsum3A_281[%gather3A_290] in [0] : vector<16xf32>, vector<16xi32> -> vector<16xf32>
        %eq3A_292 = arith.constant 1 : i32
        %eq3A_293 = vector.broadcast %eq3A_292 : i32 to vector<16xi32>
        %eq3A_294 = arith.cmpi eq, %iota3A, %eq3A_293 : vector<16xi32>
        %select_n3A_295 = arith.select %eq3A_294, %gather3A_291, %select_n3A_257 : vector<16xi1>, vector<16xf32>
        %mul3A_296 = arith.constant 16 : i32
        %mul3A_297 = arith.muli %scan3A_221, %mul3A_296 : i32
        %add3A_298 = arith.constant 2 : i32
        %add3A_299 = arith.addi %mul3A_297, %add3A_298 : i32
        %get3A_300 = arith.index_cast %add3A_299 : i32 to index
        %get3A_301 = arith.constant 0 : index
        %get3A_302 = tpu.vector_load %arg12[%get3A_300, %get3A_301] {strides = array<i32>} : memref<512x64xbf16, #tpu.memory_space<vmem>>, vector<32xbf16>,
        %unpack3A_303 = tpu.unpack_subelements %get3A_302, 0 {pack_format = #tpu.pack_format<interleaved>} : vector<32xbf16> -> vector<16xf32>
        %unpack3A_304 = tpu.unpack_subelements %get3A_302, 1 {pack_format = #tpu.pack_format<interleaved>} : vector<32xbf16> -> vector<16xf32>
        %mul3A_305 = arith.mulf %unpack3A_303, %unpack3A : vector<16xf32>
        %mul3A_306 = arith.mulf %unpack3A_304, %unpack3A_158 : vector<16xf32>
        %add3A_307 = arith.addf %mul3A_305, %mul3A_306 : vector<16xf32>
        %get3A_308 = arith.index_cast %add3A_299 : i32 to index
        %get3A_309 = arith.constant 32 : index
        %get3A_310 = tpu.vector_load %arg12[%get3A_308, %get3A_309] {strides = array<i32>} : memref<512x64xbf16, #tpu.memory_space<vmem>>, vector<32xbf16>,
        %unpack3A_311 = tpu.unpack_subelements %get3A_310, 0 {pack_format = #tpu.pack_format<interleaved>} : vector<32xbf16> -> vector<16xf32>
        %unpack3A_312 = tpu.unpack_subelements %get3A_310, 1 {pack_format = #tpu.pack_format<interleaved>} : vector<32xbf16> -> vector<16xf32>
        %mul3A_313 = arith.mulf %unpack3A_311, %unpack3A_162 : vector<16xf32>
        %mul3A_314 = arith.mulf %unpack3A_312, %unpack3A_163 : vector<16xf32>
        %add3A_315 = arith.addf %mul3A_313, %mul3A_314 : vector<16xf32>
        %add3A_316 = arith.addf %add3A_307, %add3A_315 : vector<16xf32>
        %broadcast_in_dim3A_317 = arith.constant true
        %broadcast_in_dim3A_318 = vector.broadcast %broadcast_in_dim3A_317 : i1 to vector<16xi1>
        %masked_cumsum3A_319 = tpu.scan <sum>, %add3A_316 masked %broadcast_in_dim3A_318 : vector<16xf32>, vector<16xi1> -> vector<16xf32>
        %lt3A_320 = arith.constant 0 : i32
        %lt3A_321 = vector.broadcast %lt3A_320 : i32 to vector<16xi32>
        %lt3A_322 = arith.cmpi slt, %broadcast_in_dim3A_3, %lt3A_321 : vector<16xi32>
        %add3A_323 = arith.constant 16 : i32
        %add3A_324 = vector.broadcast %add3A_323 : i32 to vector<16xi32>
        %add3A_325 = arith.addi %broadcast_in_dim3A_3, %add3A_324 : vector<16xi32>
        %select_n3A_326 = arith.select %lt3A_322, %add3A_325, %broadcast_in_dim3A_3 : vector<16xi1>, vector<16xi32>
        %broadcast_in_dim3A_327 = vector.shape_cast %select_n3A_326 : vector<16xi32> to vector<16x1xi32>
        %gather3A_328 = vector.shape_cast %broadcast_in_dim3A_327 : vector<16x1xi32> to vector<16xi32>
        %gather3A_329 = tpu.dynamic_gather %masked_cumsum3A_319[%gather3A_328] in [0] : vector<16xf32>, vector<16xi32> -> vector<16xf32>
        %eq3A_330 = arith.constant 2 : i32
        %eq3A_331 = vector.broadcast %eq3A_330 : i32 to vector<16xi32>
        %eq3A_332 = arith.cmpi eq, %iota3A, %eq3A_331 : vector<16xi32>
        %select_n3A_333 = arith.select %eq3A_332, %gather3A_329, %select_n3A_295 : vector<16xi1>, vector<16xf32>
        %mul3A_334 = arith.constant 16 : i32
        %mul3A_335 = arith.muli %scan3A_221, %mul3A_334 : i32
        %add3A_336 = arith.constant 3 : i32
        %add3A_337 = arith.addi %mul3A_335, %add3A_336 : i32
        %get3A_338 = arith.index_cast %add3A_337 : i32 to index
        %get3A_339 = arith.constant 0 : index
        %get3A_340 = tpu.vector_load %arg12[%get3A_338, %get3A_339] {strides = array<i32>} : memref<512x64xbf16, #tpu.memory_space<vmem>>, vector<32xbf16>,
        %unpack3A_341 = tpu.unpack_subelements %get3A_340, 0 {pack_format = #tpu.pack_format<interleaved>} : vector<32xbf16> -> vector<16xf32>
        %unpack3A_342 = tpu.unpack_subelements %get3A_340, 1 {pack_format = #tpu.pack_format<interleaved>} : vector<32xbf16> -> vector<16xf32>
        %mul3A_343 = arith.mulf %unpack3A_341, %unpack3A : vector<16xf32>
        %mul3A_344 = arith.mulf %unpack3A_342, %unpack3A_158 : vector<16xf32>
        %add3A_345 = arith.addf %mul3A_343, %mul3A_344 : vector<16xf32>
        %get3A_346 = arith.index_cast %add3A_337 : i32 to index
        %get3A_347 = arith.constant 32 : index
        %get3A_348 = tpu.vector_load %arg12[%get3A_346, %get3A_347] {strides = array<i32>} : memref<512x64xbf16, #tpu.memory_space<vmem>>, vector<32xbf16>,
        %unpack3A_349 = tpu.unpack_subelements %get3A_348, 0 {pack_format = #tpu.pack_format<interleaved>} : vector<32xbf16> -> vector<16xf32>
        %unpack3A_350 = tpu.unpack_subelements %get3A_348, 1 {pack_format = #tpu.pack_format<interleaved>} : vector<32xbf16> -> vector<16xf32>
        %mul3A_351 = arith.mulf %unpack3A_349, %unpack3A_162 : vector<16xf32>
        %mul3A_352 = arith.mulf %unpack3A_350, %unpack3A_163 : vector<16xf32>
        %add3A_353 = arith.addf %mul3A_351, %mul3A_352 : vector<16xf32>
        %add3A_354 = arith.addf %add3A_345, %add3A_353 : vector<16xf32>
        %broadcast_in_dim3A_355 = arith.constant true
        %broadcast_in_dim3A_356 = vector.broadcast %broadcast_in_dim3A_355 : i1 to vector<16xi1>
        %masked_cumsum3A_357 = tpu.scan <sum>, %add3A_354 masked %broadcast_in_dim3A_356 : vector<16xf32>, vector<16xi1> -> vector<16xf32>
        %lt3A_358 = arith.constant 0 : i32
        %lt3A_359 = vector.broadcast %lt3A_358 : i32 to vector<16xi32>
        %lt3A_360 = arith.cmpi slt, %broadcast_in_dim3A_3, %lt3A_359 : vector<16xi32>
        %add3A_361 = arith.constant 16 : i32
        %add3A_362 = vector.broadcast %add3A_361 : i32 to vector<16xi32>
        %add3A_363 = arith.addi %broadcast_in_dim3A_3, %add3A_362 : vector<16xi32>
        %select_n3A_364 = arith.select %lt3A_360, %add3A_363, %broadcast_in_dim3A_3 : vector<16xi1>, vector<16xi32>
        %broadcast_in_dim3A_365 = vector.shape_cast %select_n3A_364 : vector<16xi32> to vector<16x1xi32>
        %gather3A_366 = vector.shape_cast %broadcast_in_dim3A_365 : vector<16x1xi32> to vector<16xi32>
        %gather3A_367 = tpu.dynamic_gather %masked_cumsum3A_357[%gather3A_366] in [0] : vector<16xf32>, vector<16xi32> -> vector<16xf32>
        %eq3A_368 = arith.constant 3 : i32
        %eq3A_369 = vector.broadcast %eq3A_368 : i32 to vector<16xi32>
        %eq3A_370 = arith.cmpi eq, %iota3A, %eq3A_369 : vector<16xi32>
        %select_n3A_371 = arith.select %eq3A_370, %gather3A_367, %select_n3A_333 : vector<16xi1>, vector<16xf32>
        %mul3A_372 = arith.constant 16 : i32
        %mul3A_373 = arith.muli %scan3A_221, %mul3A_372 : i32
        %add3A_374 = arith.constant 4 : i32
        %add3A_375 = arith.addi %mul3A_373, %add3A_374 : i32
        %get3A_376 = arith.index_cast %add3A_375 : i32 to index
        %get3A_377 = arith.constant 0 : index
        %get3A_378 = tpu.vector_load %arg12[%get3A_376, %get3A_377] {strides = array<i32>} : memref<512x64xbf16, #tpu.memory_space<vmem>>, vector<32xbf16>,
        %unpack3A_379 = tpu.unpack_subelements %get3A_378, 0 {pack_format = #tpu.pack_format<interleaved>} : vector<32xbf16> -> vector<16xf32>
        %unpack3A_380 = tpu.unpack_subelements %get3A_378, 1 {pack_format = #tpu.pack_format<interleaved>} : vector<32xbf16> -> vector<16xf32>
        %mul3A_381 = arith.mulf %unpack3A_379, %unpack3A : vector<16xf32>
        %mul3A_382 = arith.mulf %unpack3A_380, %unpack3A_158 : vector<16xf32>
        %add3A_383 = arith.addf %mul3A_381, %mul3A_382 : vector<16xf32>
        %get3A_384 = arith.index_cast %add3A_375 : i32 to index
        %get3A_385 = arith.constant 32 : index
        %get3A_386 = tpu.vector_load %arg12[%get3A_384, %get3A_385] {strides = array<i32>} : memref<512x64xbf16, #tpu.memory_space<vmem>>, vector<32xbf16>,
        %unpack3A_387 = tpu.unpack_subelements %get3A_386, 0 {pack_format = #tpu.pack_format<interleaved>} : vector<32xbf16> -> vector<16xf32>
        %unpack3A_388 = tpu.unpack_subelements %get3A_386, 1 {pack_format = #tpu.pack_format<interleaved>} : vector<32xbf16> -> vector<16xf32>
        %mul3A_389 = arith.mulf %unpack3A_387, %unpack3A_162 : vector<16xf32>
        %mul3A_390 = arith.mulf %unpack3A_388, %unpack3A_163 : vector<16xf32>
        %add3A_391 = arith.addf %mul3A_389, %mul3A_390 : vector<16xf32>
        %add3A_392 = arith.addf %add3A_383, %add3A_391 : vector<16xf32>
        %broadcast_in_dim3A_393 = arith.constant true
        %broadcast_in_dim3A_394 = vector.broadcast %broadcast_in_dim3A_393 : i1 to vector<16xi1>
        %masked_cumsum3A_395 = tpu.scan <sum>, %add3A_392 masked %broadcast_in_dim3A_394 : vector<16xf32>, vector<16xi1> -> vector<16xf32>
        %lt3A_396 = arith.constant 0 : i32
        %lt3A_397 = vector.broadcast %lt3A_396 : i32 to vector<16xi32>
        %lt3A_398 = arith.cmpi slt, %broadcast_in_dim3A_3, %lt3A_397 : vector<16xi32>
        %add3A_399 = arith.constant 16 : i32
        %add3A_400 = vector.broadcast %add3A_399 : i32 to vector<16xi32>
        %add3A_401 = arith.addi %broadcast_in_dim3A_3, %add3A_400 : vector<16xi32>
        %select_n3A_402 = arith.select %lt3A_398, %add3A_401, %broadcast_in_dim3A_3 : vector<16xi1>, vector<16xi32>
        %broadcast_in_dim3A_403 = vector.shape_cast %select_n3A_402 : vector<16xi32> to vector<16x1xi32>
        %gather3A_404 = vector.shape_cast %broadcast_in_dim3A_403 : vector<16x1xi32> to vector<16xi32>
        %gather3A_405 = tpu.dynamic_gather %masked_cumsum3A_395[%gather3A_404] in [0] : vector<16xf32>, vector<16xi32> -> vector<16xf32>
        %eq3A_406 = arith.constant 4 : i32
        %eq3A_407 = vector.broadcast %eq3A_406 : i32 to vector<16xi32>
        %eq3A_408 = arith.cmpi eq, %iota3A, %eq3A_407 : vector<16xi32>
        %select_n3A_409 = arith.select %eq3A_408, %gather3A_405, %select_n3A_371 : vector<16xi1>, vector<16xf32>
        %mul3A_410 = arith.constant 16 : i32
        %mul3A_411 = arith.muli %scan3A_221, %mul3A_410 : i32
        %add3A_412 = arith.constant 5 : i32
        %add3A_413 = arith.addi %mul3A_411, %add3A_412 : i32
        %get3A_414 = arith.index_cast %add3A_413 : i32 to index
        %get3A_415 = arith.constant 0 : index
        %get3A_416 = tpu.vector_load %arg12[%get3A_414, %get3A_415] {strides = array<i32>} : memref<512x64xbf16, #tpu.memory_space<vmem>>, vector<32xbf16>,
        %unpack3A_417 = tpu.unpack_subelements %get3A_416, 0 {pack_format = #tpu.pack_format<interleaved>} : vector<32xbf16> -> vector<16xf32>
        %unpack3A_418 = tpu.unpack_subelements %get3A_416, 1 {pack_format = #tpu.pack_format<interleaved>} : vector<32xbf16> -> vector<16xf32>
        %mul3A_419 = arith.mulf %unpack3A_417, %unpack3A : vector<16xf32>
        %mul3A_420 = arith.mulf %unpack3A_418, %unpack3A_158 : vector<16xf32>
        %add3A_421 = arith.addf %mul3A_419, %mul3A_420 : vector<16xf32>
        %get3A_422 = arith.index_cast %add3A_413 : i32 to index
        %get3A_423 = arith.constant 32 : index
        %get3A_424 = tpu.vector_load %arg12[%get3A_422, %get3A_423] {strides = array<i32>} : memref<512x64xbf16, #tpu.memory_space<vmem>>, vector<32xbf16>,
        %unpack3A_425 = tpu.unpack_subelements %get3A_424, 0 {pack_format = #tpu.pack_format<interleaved>} : vector<32xbf16> -> vector<16xf32>
        %unpack3A_426 = tpu.unpack_subelements %get3A_424, 1 {pack_format = #tpu.pack_format<interleaved>} : vector<32xbf16> -> vector<16xf32>
        %mul3A_427 = arith.mulf %unpack3A_425, %unpack3A_162 : vector<16xf32>
        %mul3A_428 = arith.mulf %unpack3A_426, %unpack3A_163 : vector<16xf32>
        %add3A_429 = arith.addf %mul3A_427, %mul3A_428 : vector<16xf32>
        %add3A_430 = arith.addf %add3A_421, %add3A_429 : vector<16xf32>
        %broadcast_in_dim3A_431 = arith.constant true
        %broadcast_in_dim3A_432 = vector.broadcast %broadcast_in_dim3A_431 : i1 to vector<16xi1>
        %masked_cumsum3A_433 = tpu.scan <sum>, %add3A_430 masked %broadcast_in_dim3A_432 : vector<16xf32>, vector<16xi1> -> vector<16xf32>
        %lt3A_434 = arith.constant 0 : i32
        %lt3A_435 = vector.broadcast %lt3A_434 : i32 to vector<16xi32>
        %lt3A_436 = arith.cmpi slt, %broadcast_in_dim3A_3, %lt3A_435 : vector<16xi32>
        %add3A_437 = arith.constant 16 : i32
        %add3A_438 = vector.broadcast %add3A_437 : i32 to vector<16xi32>
        %add3A_439 = arith.addi %broadcast_in_dim3A_3, %add3A_438 : vector<16xi32>
        %select_n3A_440 = arith.select %lt3A_436, %add3A_439, %broadcast_in_dim3A_3 : vector<16xi1>, vector<16xi32>
        %broadcast_in_dim3A_441 = vector.shape_cast %select_n3A_440 : vector<16xi32> to vector<16x1xi32>
        %gather3A_442 = vector.shape_cast %broadcast_in_dim3A_441 : vector<16x1xi32> to vector<16xi32>
        %gather3A_443 = tpu.dynamic_gather %masked_cumsum3A_433[%gather3A_442] in [0] : vector<16xf32>, vector<16xi32> -> vector<16xf32>
        %eq3A_444 = arith.constant 5 : i32
        %eq3A_445 = vector.broadcast %eq3A_444 : i32 to vector<16xi32>
        %eq3A_446 = arith.cmpi eq, %iota3A, %eq3A_445 : vector<16xi32>
        %select_n3A_447 = arith.select %eq3A_446, %gather3A_443, %select_n3A_409 : vector<16xi1>, vector<16xf32>
        %mul3A_448 = arith.constant 16 : i32
        %mul3A_449 = arith.muli %scan3A_221, %mul3A_448 : i32
        %add3A_450 = arith.constant 6 : i32
        %add3A_451 = arith.addi %mul3A_449, %add3A_450 : i32
        %get3A_452 = arith.index_cast %add3A_451 : i32 to index
        %get3A_453 = arith.constant 0 : index
        %get3A_454 = tpu.vector_load %arg12[%get3A_452, %get3A_453] {strides = array<i32>} : memref<512x64xbf16, #tpu.memory_space<vmem>>, vector<32xbf16>,
        %unpack3A_455 = tpu.unpack_subelements %get3A_454, 0 {pack_format = #tpu.pack_format<interleaved>} : vector<32xbf16> -> vector<16xf32>
        %unpack3A_456 = tpu.unpack_subelements %get3A_454, 1 {pack_format = #tpu.pack_format<interleaved>} : vector<32xbf16> -> vector<16xf32>
        %mul3A_457 = arith.mulf %unpack3A_455, %unpack3A : vector<16xf32>
        %mul3A_458 = arith.mulf %unpack3A_456, %unpack3A_158 : vector<16xf32>
        %add3A_459 = arith.addf %mul3A_457, %mul3A_458 : vector<16xf32>
        %get3A_460 = arith.index_cast %add3A_451 : i32 to index
        %get3A_461 = arith.constant 32 : index
        %get3A_462 = tpu.vector_load %arg12[%get3A_460, %get3A_461] {strides = array<i32>} : memref<512x64xbf16, #tpu.memory_space<vmem>>, vector<32xbf16>,
        %unpack3A_463 = tpu.unpack_subelements %get3A_462, 0 {pack_format = #tpu.pack_format<interleaved>} : vector<32xbf16> -> vector<16xf32>
        %unpack3A_464 = tpu.unpack_subelements %get3A_462, 1 {pack_format = #tpu.pack_format<interleaved>} : vector<32xbf16> -> vector<16xf32>
        %mul3A_465 = arith.mulf %unpack3A_463, %unpack3A_162 : vector<16xf32>
        %mul3A_466 = arith.mulf %unpack3A_464, %unpack3A_163 : vector<16xf32>
        %add3A_467 = arith.addf %mul3A_465, %mul3A_466 : vector<16xf32>
        %add3A_468 = arith.addf %add3A_459, %add3A_467 : vector<16xf32>
        %broadcast_in_dim3A_469 = arith.constant true
        %broadcast_in_dim3A_470 = vector.broadcast %broadcast_in_dim3A_469 : i1 to vector<16xi1>
        %masked_cumsum3A_471 = tpu.scan <sum>, %add3A_468 masked %broadcast_in_dim3A_470 : vector<16xf32>, vector<16xi1> -> vector<16xf32>
        %lt3A_472 = arith.constant 0 : i32
        %lt3A_473 = vector.broadcast %lt3A_472 : i32 to vector<16xi32>
        %lt3A_474 = arith.cmpi slt, %broadcast_in_dim3A_3, %lt3A_473 : vector<16xi32>
        %add3A_475 = arith.constant 16 : i32
        %add3A_476 = vector.broadcast %add3A_475 : i32 to vector<16xi32>
        %add3A_477 = arith.addi %broadcast_in_dim3A_3, %add3A_476 : vector<16xi32>
        %select_n3A_478 = arith.select %lt3A_474, %add3A_477, %broadcast_in_dim3A_3 : vector<16xi1>, vector<16xi32>
        %broadcast_in_dim3A_479 = vector.shape_cast %select_n3A_478 : vector<16xi32> to vector<16x1xi32>
        %gather3A_480 = vector.shape_cast %broadcast_in_dim3A_479 : vector<16x1xi32> to vector<16xi32>
        %gather3A_481 = tpu.dynamic_gather %masked_cumsum3A_471[%gather3A_480] in [0] : vector<16xf32>, vector<16xi32> -> vector<16xf32>
        %eq3A_482 = arith.constant 6 : i32
        %eq3A_483 = vector.broadcast %eq3A_482 : i32 to vector<16xi32>
        %eq3A_484 = arith.cmpi eq, %iota3A, %eq3A_483 : vector<16xi32>
        %select_n3A_485 = arith.select %eq3A_484, %gather3A_481, %select_n3A_447 : vector<16xi1>, vector<16xf32>
        %mul3A_486 = arith.constant 16 : i32
        %mul3A_487 = arith.muli %scan3A_221, %mul3A_486 : i32
        %add3A_488 = arith.constant 7 : i32
        %add3A_489 = arith.addi %mul3A_487, %add3A_488 : i32
        %get3A_490 = arith.index_cast %add3A_489 : i32 to index
        %get3A_491 = arith.constant 0 : index
        %get3A_492 = tpu.vector_load %arg12[%get3A_490, %get3A_491] {strides = array<i32>} : memref<512x64xbf16, #tpu.memory_space<vmem>>, vector<32xbf16>,
        %unpack3A_493 = tpu.unpack_subelements %get3A_492, 0 {pack_format = #tpu.pack_format<interleaved>} : vector<32xbf16> -> vector<16xf32>
        %unpack3A_494 = tpu.unpack_subelements %get3A_492, 1 {pack_format = #tpu.pack_format<interleaved>} : vector<32xbf16> -> vector<16xf32>
        %mul3A_495 = arith.mulf %unpack3A_493, %unpack3A : vector<16xf32>
        %mul3A_496 = arith.mulf %unpack3A_494, %unpack3A_158 : vector<16xf32>
        %add3A_497 = arith.addf %mul3A_495, %mul3A_496 : vector<16xf32>
        %get3A_498 = arith.index_cast %add3A_489 : i32 to index
        %get3A_499 = arith.constant 32 : index
        %get3A_500 = tpu.vector_load %arg12[%get3A_498, %get3A_499] {strides = array<i32>} : memref<512x64xbf16, #tpu.memory_space<vmem>>, vector<32xbf16>,
        %unpack3A_501 = tpu.unpack_subelements %get3A_500, 0 {pack_format = #tpu.pack_format<interleaved>} : vector<32xbf16> -> vector<16xf32>
        %unpack3A_502 = tpu.unpack_subelements %get3A_500, 1 {pack_format = #tpu.pack_format<interleaved>} : vector<32xbf16> -> vector<16xf32>
        %mul3A_503 = arith.mulf %unpack3A_501, %unpack3A_162 : vector<16xf32>
        %mul3A_504 = arith.mulf %unpack3A_502, %unpack3A_163 : vector<16xf32>
        %add3A_505 = arith.addf %mul3A_503, %mul3A_504 : vector<16xf32>
        %add3A_506 = arith.addf %add3A_497, %add3A_505 : vector<16xf32>
        %broadcast_in_dim3A_507 = arith.constant true
        %broadcast_in_dim3A_508 = vector.broadcast %broadcast_in_dim3A_507 : i1 to vector<16xi1>
        %masked_cumsum3A_509 = tpu.scan <sum>, %add3A_506 masked %broadcast_in_dim3A_508 : vector<16xf32>, vector<16xi1> -> vector<16xf32>
        %lt3A_510 = arith.constant 0 : i32
        %lt3A_511 = vector.broadcast %lt3A_510 : i32 to vector<16xi32>
        %lt3A_512 = arith.cmpi slt, %broadcast_in_dim3A_3, %lt3A_511 : vector<16xi32>
        %add3A_513 = arith.constant 16 : i32
        %add3A_514 = vector.broadcast %add3A_513 : i32 to vector<16xi32>
        %add3A_515 = arith.addi %broadcast_in_dim3A_3, %add3A_514 : vector<16xi32>
        %select_n3A_516 = arith.select %lt3A_512, %add3A_515, %broadcast_in_dim3A_3 : vector<16xi1>, vector<16xi32>
        %broadcast_in_dim3A_517 = vector.shape_cast %select_n3A_516 : vector<16xi32> to vector<16x1xi32>
        %gather3A_518 = vector.shape_cast %broadcast_in_dim3A_517 : vector<16x1xi32> to vector<16xi32>
        %gather3A_519 = tpu.dynamic_gather %masked_cumsum3A_509[%gather3A_518] in [0] : vector<16xf32>, vector<16xi32> -> vector<16xf32>
        %eq3A_520 = arith.constant 7 : i32
        %eq3A_521 = vector.broadcast %eq3A_520 : i32 to vector<16xi32>
        %eq3A_522 = arith.cmpi eq, %iota3A, %eq3A_521 : vector<16xi32>
        %select_n3A_523 = arith.select %eq3A_522, %gather3A_519, %select_n3A_485 : vector<16xi1>, vector<16xf32>
        %mul3A_524 = arith.constant 16 : i32
        %mul3A_525 = arith.muli %scan3A_221, %mul3A_524 : i32
        %add3A_526 = arith.constant 8 : i32
        %add3A_527 = arith.addi %mul3A_525, %add3A_526 : i32
        %get3A_528 = arith.index_cast %add3A_527 : i32 to index
        %get3A_529 = arith.constant 0 : index
        %get3A_530 = tpu.vector_load %arg12[%get3A_528, %get3A_529] {strides = array<i32>} : memref<512x64xbf16, #tpu.memory_space<vmem>>, vector<32xbf16>,
        %unpack3A_531 = tpu.unpack_subelements %get3A_530, 0 {pack_format = #tpu.pack_format<interleaved>} : vector<32xbf16> -> vector<16xf32>
        %unpack3A_532 = tpu.unpack_subelements %get3A_530, 1 {pack_format = #tpu.pack_format<interleaved>} : vector<32xbf16> -> vector<16xf32>
        %mul3A_533 = arith.mulf %unpack3A_531, %unpack3A : vector<16xf32>
        %mul3A_534 = arith.mulf %unpack3A_532, %unpack3A_158 : vector<16xf32>
        %add3A_535 = arith.addf %mul3A_533, %mul3A_534 : vector<16xf32>
        %get3A_536 = arith.index_cast %add3A_527 : i32 to index
        %get3A_537 = arith.constant 32 : index
        %get3A_538 = tpu.vector_load %arg12[%get3A_536, %get3A_537] {strides = array<i32>} : memref<512x64xbf16, #tpu.memory_space<vmem>>, vector<32xbf16>,
        %unpack3A_539 = tpu.unpack_subelements %get3A_538, 0 {pack_format = #tpu.pack_format<interleaved>} : vector<32xbf16> -> vector<16xf32>
        %unpack3A_540 = tpu.unpack_subelements %get3A_538, 1 {pack_format = #tpu.pack_format<interleaved>} : vector<32xbf16> -> vector<16xf32>
        %mul3A_541 = arith.mulf %unpack3A_539, %unpack3A_162 : vector<16xf32>
        %mul3A_542 = arith.mulf %unpack3A_540, %unpack3A_163 : vector<16xf32>
        %add3A_543 = arith.addf %mul3A_541, %mul3A_542 : vector<16xf32>
        %add3A_544 = arith.addf %add3A_535, %add3A_543 : vector<16xf32>
        %broadcast_in_dim3A_545 = arith.constant true
        %broadcast_in_dim3A_546 = vector.broadcast %broadcast_in_dim3A_545 : i1 to vector<16xi1>
        %masked_cumsum3A_547 = tpu.scan <sum>, %add3A_544 masked %broadcast_in_dim3A_546 : vector<16xf32>, vector<16xi1> -> vector<16xf32>
        %lt3A_548 = arith.constant 0 : i32
        %lt3A_549 = vector.broadcast %lt3A_548 : i32 to vector<16xi32>
        %lt3A_550 = arith.cmpi slt, %broadcast_in_dim3A_3, %lt3A_549 : vector<16xi32>
        %add3A_551 = arith.constant 16 : i32
        %add3A_552 = vector.broadcast %add3A_551 : i32 to vector<16xi32>
        %add3A_553 = arith.addi %broadcast_in_dim3A_3, %add3A_552 : vector<16xi32>
        %select_n3A_554 = arith.select %lt3A_550, %add3A_553, %broadcast_in_dim3A_3 : vector<16xi1>, vector<16xi32>
        %broadcast_in_dim3A_555 = vector.shape_cast %select_n3A_554 : vector<16xi32> to vector<16x1xi32>
        %gather3A_556 = vector.shape_cast %broadcast_in_dim3A_555 : vector<16x1xi32> to vector<16xi32>
        %gather3A_557 = tpu.dynamic_gather %masked_cumsum3A_547[%gather3A_556] in [0] : vector<16xf32>, vector<16xi32> -> vector<16xf32>
        %eq3A_558 = arith.constant 8 : i32
        %eq3A_559 = vector.broadcast %eq3A_558 : i32 to vector<16xi32>
        %eq3A_560 = arith.cmpi eq, %iota3A, %eq3A_559 : vector<16xi32>
        %select_n3A_561 = arith.select %eq3A_560, %gather3A_557, %select_n3A_523 : vector<16xi1>, vector<16xf32>
        %mul3A_562 = arith.constant 16 : i32
        %mul3A_563 = arith.muli %scan3A_221, %mul3A_562 : i32
        %add3A_564 = arith.constant 9 : i32
        %add3A_565 = arith.addi %mul3A_563, %add3A_564 : i32
        %get3A_566 = arith.index_cast %add3A_565 : i32 to index
        %get3A_567 = arith.constant 0 : index
        %get3A_568 = tpu.vector_load %arg12[%get3A_566, %get3A_567] {strides = array<i32>} : memref<512x64xbf16, #tpu.memory_space<vmem>>, vector<32xbf16>,
        %unpack3A_569 = tpu.unpack_subelements %get3A_568, 0 {pack_format = #tpu.pack_format<interleaved>} : vector<32xbf16> -> vector<16xf32>
        %unpack3A_570 = tpu.unpack_subelements %get3A_568, 1 {pack_format = #tpu.pack_format<interleaved>} : vector<32xbf16> -> vector<16xf32>
        %mul3A_571 = arith.mulf %unpack3A_569, %unpack3A : vector<16xf32>
        %mul3A_572 = arith.mulf %unpack3A_570, %unpack3A_158 : vector<16xf32>
        %add3A_573 = arith.addf %mul3A_571, %mul3A_572 : vector<16xf32>
        %get3A_574 = arith.index_cast %add3A_565 : i32 to index
        %get3A_575 = arith.constant 32 : index
        %get3A_576 = tpu.vector_load %arg12[%get3A_574, %get3A_575] {strides = array<i32>} : memref<512x64xbf16, #tpu.memory_space<vmem>>, vector<32xbf16>,
        %unpack3A_577 = tpu.unpack_subelements %get3A_576, 0 {pack_format = #tpu.pack_format<interleaved>} : vector<32xbf16> -> vector<16xf32>
        %unpack3A_578 = tpu.unpack_subelements %get3A_576, 1 {pack_format = #tpu.pack_format<interleaved>} : vector<32xbf16> -> vector<16xf32>
        %mul3A_579 = arith.mulf %unpack3A_577, %unpack3A_162 : vector<16xf32>
        %mul3A_580 = arith.mulf %unpack3A_578, %unpack3A_163 : vector<16xf32>
        %add3A_581 = arith.addf %mul3A_579, %mul3A_580 : vector<16xf32>
        %add3A_582 = arith.addf %add3A_573, %add3A_581 : vector<16xf32>
        %broadcast_in_dim3A_583 = arith.constant true
        %broadcast_in_dim3A_584 = vector.broadcast %broadcast_in_dim3A_583 : i1 to vector<16xi1>
        %masked_cumsum3A_585 = tpu.scan <sum>, %add3A_582 masked %broadcast_in_dim3A_584 : vector<16xf32>, vector<16xi1> -> vector<16xf32>
        %lt3A_586 = arith.constant 0 : i32
        %lt3A_587 = vector.broadcast %lt3A_586 : i32 to vector<16xi32>
        %lt3A_588 = arith.cmpi slt, %broadcast_in_dim3A_3, %lt3A_587 : vector<16xi32>
        %add3A_589 = arith.constant 16 : i32
        %add3A_590 = vector.broadcast %add3A_589 : i32 to vector<16xi32>
        %add3A_591 = arith.addi %broadcast_in_dim3A_3, %add3A_590 : vector<16xi32>
        %select_n3A_592 = arith.select %lt3A_588, %add3A_591, %broadcast_in_dim3A_3 : vector<16xi1>, vector<16xi32>
        %broadcast_in_dim3A_593 = vector.shape_cast %select_n3A_592 : vector<16xi32> to vector<16x1xi32>
        %gather3A_594 = vector.shape_cast %broadcast_in_dim3A_593 : vector<16x1xi32> to vector<16xi32>
        %gather3A_595 = tpu.dynamic_gather %masked_cumsum3A_585[%gather3A_594] in [0] : vector<16xf32>, vector<16xi32> -> vector<16xf32>
        %eq3A_596 = arith.constant 9 : i32
        %eq3A_597 = vector.broadcast %eq3A_596 : i32 to vector<16xi32>
        %eq3A_598 = arith.cmpi eq, %iota3A, %eq3A_597 : vector<16xi32>
        %select_n3A_599 = arith.select %eq3A_598, %gather3A_595, %select_n3A_561 : vector<16xi1>, vector<16xf32>
        %mul3A_600 = arith.constant 16 : i32
        %mul3A_601 = arith.muli %scan3A_221, %mul3A_600 : i32
        %add3A_602 = arith.constant 10 : i32
        %add3A_603 = arith.addi %mul3A_601, %add3A_602 : i32
        %get3A_604 = arith.index_cast %add3A_603 : i32 to index
        %get3A_605 = arith.constant 0 : index
        %get3A_606 = tpu.vector_load %arg12[%get3A_604, %get3A_605] {strides = array<i32>} : memref<512x64xbf16, #tpu.memory_space<vmem>>, vector<32xbf16>,
        %unpack3A_607 = tpu.unpack_subelements %get3A_606, 0 {pack_format = #tpu.pack_format<interleaved>} : vector<32xbf16> -> vector<16xf32>
        %unpack3A_608 = tpu.unpack_subelements %get3A_606, 1 {pack_format = #tpu.pack_format<interleaved>} : vector<32xbf16> -> vector<16xf32>
        %mul3A_609 = arith.mulf %unpack3A_607, %unpack3A : vector<16xf32>
        %mul3A_610 = arith.mulf %unpack3A_608, %unpack3A_158 : vector<16xf32>
        %add3A_611 = arith.addf %mul3A_609, %mul3A_610 : vector<16xf32>
        %get3A_612 = arith.index_cast %add3A_603 : i32 to index
        %get3A_613 = arith.constant 32 : index
        %get3A_614 = tpu.vector_load %arg12[%get3A_612, %get3A_613] {strides = array<i32>} : memref<512x64xbf16, #tpu.memory_space<vmem>>, vector<32xbf16>,
        %unpack3A_615 = tpu.unpack_subelements %get3A_614, 0 {pack_format = #tpu.pack_format<interleaved>} : vector<32xbf16> -> vector<16xf32>
        %unpack3A_616 = tpu.unpack_subelements %get3A_614, 1 {pack_format = #tpu.pack_format<interleaved>} : vector<32xbf16> -> vector<16xf32>
        %mul3A_617 = arith.mulf %unpack3A_615, %unpack3A_162 : vector<16xf32>
        %mul3A_618 = arith.mulf %unpack3A_616, %unpack3A_163 : vector<16xf32>
        %add3A_619 = arith.addf %mul3A_617, %mul3A_618 : vector<16xf32>
        %add3A_620 = arith.addf %add3A_611, %add3A_619 : vector<16xf32>
        %broadcast_in_dim3A_621 = arith.constant true
        %broadcast_in_dim3A_622 = vector.broadcast %broadcast_in_dim3A_621 : i1 to vector<16xi1>
        %masked_cumsum3A_623 = tpu.scan <sum>, %add3A_620 masked %broadcast_in_dim3A_622 : vector<16xf32>, vector<16xi1> -> vector<16xf32>
        %lt3A_624 = arith.constant 0 : i32
        %lt3A_625 = vector.broadcast %lt3A_624 : i32 to vector<16xi32>
        %lt3A_626 = arith.cmpi slt, %broadcast_in_dim3A_3, %lt3A_625 : vector<16xi32>
        %add3A_627 = arith.constant 16 : i32
        %add3A_628 = vector.broadcast %add3A_627 : i32 to vector<16xi32>
        %add3A_629 = arith.addi %broadcast_in_dim3A_3, %add3A_628 : vector<16xi32>
        %select_n3A_630 = arith.select %lt3A_626, %add3A_629, %broadcast_in_dim3A_3 : vector<16xi1>, vector<16xi32>
        %broadcast_in_dim3A_631 = vector.shape_cast %select_n3A_630 : vector<16xi32> to vector<16x1xi32>
        %gather3A_632 = vector.shape_cast %broadcast_in_dim3A_631 : vector<16x1xi32> to vector<16xi32>
        %gather3A_633 = tpu.dynamic_gather %masked_cumsum3A_623[%gather3A_632] in [0] : vector<16xf32>, vector<16xi32> -> vector<16xf32>
        %eq3A_634 = arith.constant 10 : i32
        %eq3A_635 = vector.broadcast %eq3A_634 : i32 to vector<16xi32>
        %eq3A_636 = arith.cmpi eq, %iota3A, %eq3A_635 : vector<16xi32>
        %select_n3A_637 = arith.select %eq3A_636, %gather3A_633, %select_n3A_599 : vector<16xi1>, vector<16xf32>
        %mul3A_638 = arith.constant 16 : i32
        %mul3A_639 = arith.muli %scan3A_221, %mul3A_638 : i32
        %add3A_640 = arith.constant 11 : i32
        %add3A_641 = arith.addi %mul3A_639, %add3A_640 : i32
        %get3A_642 = arith.index_cast %add3A_641 : i32 to index
        %get3A_643 = arith.constant 0 : index
        %get3A_644 = tpu.vector_load %arg12[%get3A_642, %get3A_643] {strides = array<i32>} : memref<512x64xbf16, #tpu.memory_space<vmem>>, vector<32xbf16>,
        %unpack3A_645 = tpu.unpack_subelements %get3A_644, 0 {pack_format = #tpu.pack_format<interleaved>} : vector<32xbf16> -> vector<16xf32>
        %unpack3A_646 = tpu.unpack_subelements %get3A_644, 1 {pack_format = #tpu.pack_format<interleaved>} : vector<32xbf16> -> vector<16xf32>
        %mul3A_647 = arith.mulf %unpack3A_645, %unpack3A : vector<16xf32>
        %mul3A_648 = arith.mulf %unpack3A_646, %unpack3A_158 : vector<16xf32>
        %add3A_649 = arith.addf %mul3A_647, %mul3A_648 : vector<16xf32>
        %get3A_650 = arith.index_cast %add3A_641 : i32 to index
        %get3A_651 = arith.constant 32 : index
        %get3A_652 = tpu.vector_load %arg12[%get3A_650, %get3A_651] {strides = array<i32>} : memref<512x64xbf16, #tpu.memory_space<vmem>>, vector<32xbf16>,
        %unpack3A_653 = tpu.unpack_subelements %get3A_652, 0 {pack_format = #tpu.pack_format<interleaved>} : vector<32xbf16> -> vector<16xf32>
        %unpack3A_654 = tpu.unpack_subelements %get3A_652, 1 {pack_format = #tpu.pack_format<interleaved>} : vector<32xbf16> -> vector<16xf32>
        %mul3A_655 = arith.mulf %unpack3A_653, %unpack3A_162 : vector<16xf32>
        %mul3A_656 = arith.mulf %unpack3A_654, %unpack3A_163 : vector<16xf32>
        %add3A_657 = arith.addf %mul3A_655, %mul3A_656 : vector<16xf32>
        %add3A_658 = arith.addf %add3A_649, %add3A_657 : vector<16xf32>
        %broadcast_in_dim3A_659 = arith.constant true
        %broadcast_in_dim3A_660 = vector.broadcast %broadcast_in_dim3A_659 : i1 to vector<16xi1>
        %masked_cumsum3A_661 = tpu.scan <sum>, %add3A_658 masked %broadcast_in_dim3A_660 : vector<16xf32>, vector<16xi1> -> vector<16xf32>
        %lt3A_662 = arith.constant 0 : i32
        %lt3A_663 = vector.broadcast %lt3A_662 : i32 to vector<16xi32>
        %lt3A_664 = arith.cmpi slt, %broadcast_in_dim3A_3, %lt3A_663 : vector<16xi32>
        %add3A_665 = arith.constant 16 : i32
        %add3A_666 = vector.broadcast %add3A_665 : i32 to vector<16xi32>
        %add3A_667 = arith.addi %broadcast_in_dim3A_3, %add3A_666 : vector<16xi32>
        %select_n3A_668 = arith.select %lt3A_664, %add3A_667, %broadcast_in_dim3A_3 : vector<16xi1>, vector<16xi32>
        %broadcast_in_dim3A_669 = vector.shape_cast %select_n3A_668 : vector<16xi32> to vector<16x1xi32>
        %gather3A_670 = vector.shape_cast %broadcast_in_dim3A_669 : vector<16x1xi32> to vector<16xi32>
        %gather3A_671 = tpu.dynamic_gather %masked_cumsum3A_661[%gather3A_670] in [0] : vector<16xf32>, vector<16xi32> -> vector<16xf32>
        %eq3A_672 = arith.constant 11 : i32
        %eq3A_673 = vector.broadcast %eq3A_672 : i32 to vector<16xi32>
        %eq3A_674 = arith.cmpi eq, %iota3A, %eq3A_673 : vector<16xi32>
        %select_n3A_675 = arith.select %eq3A_674, %gather3A_671, %select_n3A_637 : vector<16xi1>, vector<16xf32>
        %mul3A_676 = arith.constant 16 : i32
        %mul3A_677 = arith.muli %scan3A_221, %mul3A_676 : i32
        %add3A_678 = arith.constant 12 : i32
        %add3A_679 = arith.addi %mul3A_677, %add3A_678 : i32
        %get3A_680 = arith.index_cast %add3A_679 : i32 to index
        %get3A_681 = arith.constant 0 : index
        %get3A_682 = tpu.vector_load %arg12[%get3A_680, %get3A_681] {strides = array<i32>} : memref<512x64xbf16, #tpu.memory_space<vmem>>, vector<32xbf16>,
        %unpack3A_683 = tpu.unpack_subelements %get3A_682, 0 {pack_format = #tpu.pack_format<interleaved>} : vector<32xbf16> -> vector<16xf32>
        %unpack3A_684 = tpu.unpack_subelements %get3A_682, 1 {pack_format = #tpu.pack_format<interleaved>} : vector<32xbf16> -> vector<16xf32>
        %mul3A_685 = arith.mulf %unpack3A_683, %unpack3A : vector<16xf32>
        %mul3A_686 = arith.mulf %unpack3A_684, %unpack3A_158 : vector<16xf32>
        %add3A_687 = arith.addf %mul3A_685, %mul3A_686 : vector<16xf32>
        %get3A_688 = arith.index_cast %add3A_679 : i32 to index
        %get3A_689 = arith.constant 32 : index
        %get3A_690 = tpu.vector_load %arg12[%get3A_688, %get3A_689] {strides = array<i32>} : memref<512x64xbf16, #tpu.memory_space<vmem>>, vector<32xbf16>,
        %unpack3A_691 = tpu.unpack_subelements %get3A_690, 0 {pack_format = #tpu.pack_format<interleaved>} : vector<32xbf16> -> vector<16xf32>
        %unpack3A_692 = tpu.unpack_subelements %get3A_690, 1 {pack_format = #tpu.pack_format<interleaved>} : vector<32xbf16> -> vector<16xf32>
        %mul3A_693 = arith.mulf %unpack3A_691, %unpack3A_162 : vector<16xf32>
        %mul3A_694 = arith.mulf %unpack3A_692, %unpack3A_163 : vector<16xf32>
        %add3A_695 = arith.addf %mul3A_693, %mul3A_694 : vector<16xf32>
        %add3A_696 = arith.addf %add3A_687, %add3A_695 : vector<16xf32>
        %broadcast_in_dim3A_697 = arith.constant true
        %broadcast_in_dim3A_698 = vector.broadcast %broadcast_in_dim3A_697 : i1 to vector<16xi1>
        %masked_cumsum3A_699 = tpu.scan <sum>, %add3A_696 masked %broadcast_in_dim3A_698 : vector<16xf32>, vector<16xi1> -> vector<16xf32>
        %lt3A_700 = arith.constant 0 : i32
        %lt3A_701 = vector.broadcast %lt3A_700 : i32 to vector<16xi32>
        %lt3A_702 = arith.cmpi slt, %broadcast_in_dim3A_3, %lt3A_701 : vector<16xi32>
        %add3A_703 = arith.constant 16 : i32
        %add3A_704 = vector.broadcast %add3A_703 : i32 to vector<16xi32>
        %add3A_705 = arith.addi %broadcast_in_dim3A_3, %add3A_704 : vector<16xi32>
        %select_n3A_706 = arith.select %lt3A_702, %add3A_705, %broadcast_in_dim3A_3 : vector<16xi1>, vector<16xi32>
        %broadcast_in_dim3A_707 = vector.shape_cast %select_n3A_706 : vector<16xi32> to vector<16x1xi32>
        %gather3A_708 = vector.shape_cast %broadcast_in_dim3A_707 : vector<16x1xi32> to vector<16xi32>
        %gather3A_709 = tpu.dynamic_gather %masked_cumsum3A_699[%gather3A_708] in [0] : vector<16xf32>, vector<16xi32> -> vector<16xf32>
        %eq3A_710 = arith.constant 12 : i32
        %eq3A_711 = vector.broadcast %eq3A_710 : i32 to vector<16xi32>
        %eq3A_712 = arith.cmpi eq, %iota3A, %eq3A_711 : vector<16xi32>
        %select_n3A_713 = arith.select %eq3A_712, %gather3A_709, %select_n3A_675 : vector<16xi1>, vector<16xf32>
        %mul3A_714 = arith.constant 16 : i32
        %mul3A_715 = arith.muli %scan3A_221, %mul3A_714 : i32
        %add3A_716 = arith.constant 13 : i32
        %add3A_717 = arith.addi %mul3A_715, %add3A_716 : i32
        %get3A_718 = arith.index_cast %add3A_717 : i32 to index
        %get3A_719 = arith.constant 0 : index
        %get3A_720 = tpu.vector_load %arg12[%get3A_718, %get3A_719] {strides = array<i32>} : memref<512x64xbf16, #tpu.memory_space<vmem>>, vector<32xbf16>,
        %unpack3A_721 = tpu.unpack_subelements %get3A_720, 0 {pack_format = #tpu.pack_format<interleaved>} : vector<32xbf16> -> vector<16xf32>
        %unpack3A_722 = tpu.unpack_subelements %get3A_720, 1 {pack_format = #tpu.pack_format<interleaved>} : vector<32xbf16> -> vector<16xf32>
        %mul3A_723 = arith.mulf %unpack3A_721, %unpack3A : vector<16xf32>
        %mul3A_724 = arith.mulf %unpack3A_722, %unpack3A_158 : vector<16xf32>
        %add3A_725 = arith.addf %mul3A_723, %mul3A_724 : vector<16xf32>
        %get3A_726 = arith.index_cast %add3A_717 : i32 to index
        %get3A_727 = arith.constant 32 : index
        %get3A_728 = tpu.vector_load %arg12[%get3A_726, %get3A_727] {strides = array<i32>} : memref<512x64xbf16, #tpu.memory_space<vmem>>, vector<32xbf16>,
        %unpack3A_729 = tpu.unpack_subelements %get3A_728, 0 {pack_format = #tpu.pack_format<interleaved>} : vector<32xbf16> -> vector<16xf32>
        %unpack3A_730 = tpu.unpack_subelements %get3A_728, 1 {pack_format = #tpu.pack_format<interleaved>} : vector<32xbf16> -> vector<16xf32>
        %mul3A_731 = arith.mulf %unpack3A_729, %unpack3A_162 : vector<16xf32>
        %mul3A_732 = arith.mulf %unpack3A_730, %unpack3A_163 : vector<16xf32>
        %add3A_733 = arith.addf %mul3A_731, %mul3A_732 : vector<16xf32>
        %add3A_734 = arith.addf %add3A_725, %add3A_733 : vector<16xf32>
        %broadcast_in_dim3A_735 = arith.constant true
        %broadcast_in_dim3A_736 = vector.broadcast %broadcast_in_dim3A_735 : i1 to vector<16xi1>
        %masked_cumsum3A_737 = tpu.scan <sum>, %add3A_734 masked %broadcast_in_dim3A_736 : vector<16xf32>, vector<16xi1> -> vector<16xf32>
        %lt3A_738 = arith.constant 0 : i32
        %lt3A_739 = vector.broadcast %lt3A_738 : i32 to vector<16xi32>
        %lt3A_740 = arith.cmpi slt, %broadcast_in_dim3A_3, %lt3A_739 : vector<16xi32>
        %add3A_741 = arith.constant 16 : i32
        %add3A_742 = vector.broadcast %add3A_741 : i32 to vector<16xi32>
        %add3A_743 = arith.addi %broadcast_in_dim3A_3, %add3A_742 : vector<16xi32>
        %select_n3A_744 = arith.select %lt3A_740, %add3A_743, %broadcast_in_dim3A_3 : vector<16xi1>, vector<16xi32>
        %broadcast_in_dim3A_745 = vector.shape_cast %select_n3A_744 : vector<16xi32> to vector<16x1xi32>
        %gather3A_746 = vector.shape_cast %broadcast_in_dim3A_745 : vector<16x1xi32> to vector<16xi32>
        %gather3A_747 = tpu.dynamic_gather %masked_cumsum3A_737[%gather3A_746] in [0] : vector<16xf32>, vector<16xi32> -> vector<16xf32>
        %eq3A_748 = arith.constant 13 : i32
        %eq3A_749 = vector.broadcast %eq3A_748 : i32 to vector<16xi32>
        %eq3A_750 = arith.cmpi eq, %iota3A, %eq3A_749 : vector<16xi32>
        %select_n3A_751 = arith.select %eq3A_750, %gather3A_747, %select_n3A_713 : vector<16xi1>, vector<16xf32>
        %mul3A_752 = arith.constant 16 : i32
        %mul3A_753 = arith.muli %scan3A_221, %mul3A_752 : i32
        %add3A_754 = arith.constant 14 : i32
        %add3A_755 = arith.addi %mul3A_753, %add3A_754 : i32
        %get3A_756 = arith.index_cast %add3A_755 : i32 to index
        %get3A_757 = arith.constant 0 : index
        %get3A_758 = tpu.vector_load %arg12[%get3A_756, %get3A_757] {strides = array<i32>} : memref<512x64xbf16, #tpu.memory_space<vmem>>, vector<32xbf16>,
        %unpack3A_759 = tpu.unpack_subelements %get3A_758, 0 {pack_format = #tpu.pack_format<interleaved>} : vector<32xbf16> -> vector<16xf32>
        %unpack3A_760 = tpu.unpack_subelements %get3A_758, 1 {pack_format = #tpu.pack_format<interleaved>} : vector<32xbf16> -> vector<16xf32>
        %mul3A_761 = arith.mulf %unpack3A_759, %unpack3A : vector<16xf32>
        %mul3A_762 = arith.mulf %unpack3A_760, %unpack3A_158 : vector<16xf32>
        %add3A_763 = arith.addf %mul3A_761, %mul3A_762 : vector<16xf32>
        %get3A_764 = arith.index_cast %add3A_755 : i32 to index
        %get3A_765 = arith.constant 32 : index
        %get3A_766 = tpu.vector_load %arg12[%get3A_764, %get3A_765] {strides = array<i32>} : memref<512x64xbf16, #tpu.memory_space<vmem>>, vector<32xbf16>,
        %unpack3A_767 = tpu.unpack_subelements %get3A_766, 0 {pack_format = #tpu.pack_format<interleaved>} : vector<32xbf16> -> vector<16xf32>
        %unpack3A_768 = tpu.unpack_subelements %get3A_766, 1 {pack_format = #tpu.pack_format<interleaved>} : vector<32xbf16> -> vector<16xf32>
        %mul3A_769 = arith.mulf %unpack3A_767, %unpack3A_162 : vector<16xf32>
        %mul3A_770 = arith.mulf %unpack3A_768, %unpack3A_163 : vector<16xf32>
        %add3A_771 = arith.addf %mul3A_769, %mul3A_770 : vector<16xf32>
        %add3A_772 = arith.addf %add3A_763, %add3A_771 : vector<16xf32>
        %broadcast_in_dim3A_773 = arith.constant true
        %broadcast_in_dim3A_774 = vector.broadcast %broadcast_in_dim3A_773 : i1 to vector<16xi1>
        %masked_cumsum3A_775 = tpu.scan <sum>, %add3A_772 masked %broadcast_in_dim3A_774 : vector<16xf32>, vector<16xi1> -> vector<16xf32>
        %lt3A_776 = arith.constant 0 : i32
        %lt3A_777 = vector.broadcast %lt3A_776 : i32 to vector<16xi32>
        %lt3A_778 = arith.cmpi slt, %broadcast_in_dim3A_3, %lt3A_777 : vector<16xi32>
        %add3A_779 = arith.constant 16 : i32
        %add3A_780 = vector.broadcast %add3A_779 : i32 to vector<16xi32>
        %add3A_781 = arith.addi %broadcast_in_dim3A_3, %add3A_780 : vector<16xi32>
        %select_n3A_782 = arith.select %lt3A_778, %add3A_781, %broadcast_in_dim3A_3 : vector<16xi1>, vector<16xi32>
        %broadcast_in_dim3A_783 = vector.shape_cast %select_n3A_782 : vector<16xi32> to vector<16x1xi32>
        %gather3A_784 = vector.shape_cast %broadcast_in_dim3A_783 : vector<16x1xi32> to vector<16xi32>
        %gather3A_785 = tpu.dynamic_gather %masked_cumsum3A_775[%gather3A_784] in [0] : vector<16xf32>, vector<16xi32> -> vector<16xf32>
        %eq3A_786 = arith.constant 14 : i32
        %eq3A_787 = vector.broadcast %eq3A_786 : i32 to vector<16xi32>
        %eq3A_788 = arith.cmpi eq, %iota3A, %eq3A_787 : vector<16xi32>
        %select_n3A_789 = arith.select %eq3A_788, %gather3A_785, %select_n3A_751 : vector<16xi1>, vector<16xf32>
        %mul3A_790 = arith.constant 16 : i32
        %mul3A_791 = arith.muli %scan3A_221, %mul3A_790 : i32
        %add3A_792 = arith.constant 15 : i32
        %add3A_793 = arith.addi %mul3A_791, %add3A_792 : i32
        %get3A_794 = arith.index_cast %add3A_793 : i32 to index
        %get3A_795 = arith.constant 0 : index
        %get3A_796 = tpu.vector_load %arg12[%get3A_794, %get3A_795] {strides = array<i32>} : memref<512x64xbf16, #tpu.memory_space<vmem>>, vector<32xbf16>,
        %unpack3A_797 = tpu.unpack_subelements %get3A_796, 0 {pack_format = #tpu.pack_format<interleaved>} : vector<32xbf16> -> vector<16xf32>
        %unpack3A_798 = tpu.unpack_subelements %get3A_796, 1 {pack_format = #tpu.pack_format<interleaved>} : vector<32xbf16> -> vector<16xf32>
        %mul3A_799 = arith.mulf %unpack3A_797, %unpack3A : vector<16xf32>
        %mul3A_800 = arith.mulf %unpack3A_798, %unpack3A_158 : vector<16xf32>
        %add3A_801 = arith.addf %mul3A_799, %mul3A_800 : vector<16xf32>
        %get3A_802 = arith.index_cast %add3A_793 : i32 to index
        %get3A_803 = arith.constant 32 : index
        %get3A_804 = tpu.vector_load %arg12[%get3A_802, %get3A_803] {strides = array<i32>} : memref<512x64xbf16, #tpu.memory_space<vmem>>, vector<32xbf16>,
        %unpack3A_805 = tpu.unpack_subelements %get3A_804, 0 {pack_format = #tpu.pack_format<interleaved>} : vector<32xbf16> -> vector<16xf32>
        %unpack3A_806 = tpu.unpack_subelements %get3A_804, 1 {pack_format = #tpu.pack_format<interleaved>} : vector<32xbf16> -> vector<16xf32>
        %mul3A_807 = arith.mulf %unpack3A_805, %unpack3A_162 : vector<16xf32>
        %mul3A_808 = arith.mulf %unpack3A_806, %unpack3A_163 : vector<16xf32>
        %add3A_809 = arith.addf %mul3A_807, %mul3A_808 : vector<16xf32>
        %add3A_810 = arith.addf %add3A_801, %add3A_809 : vector<16xf32>
        %broadcast_in_dim3A_811 = arith.constant true
        %broadcast_in_dim3A_812 = vector.broadcast %broadcast_in_dim3A_811 : i1 to vector<16xi1>
        %masked_cumsum3A_813 = tpu.scan <sum>, %add3A_810 masked %broadcast_in_dim3A_812 : vector<16xf32>, vector<16xi1> -> vector<16xf32>
        %lt3A_814 = arith.constant 0 : i32
        %lt3A_815 = vector.broadcast %lt3A_814 : i32 to vector<16xi32>
        %lt3A_816 = arith.cmpi slt, %broadcast_in_dim3A_3, %lt3A_815 : vector<16xi32>
        %add3A_817 = arith.constant 16 : i32
        %add3A_818 = vector.broadcast %add3A_817 : i32 to vector<16xi32>
        %add3A_819 = arith.addi %broadcast_in_dim3A_3, %add3A_818 : vector<16xi32>
        %select_n3A_820 = arith.select %lt3A_816, %add3A_819, %broadcast_in_dim3A_3 : vector<16xi1>, vector<16xi32>
        %broadcast_in_dim3A_821 = vector.shape_cast %select_n3A_820 : vector<16xi32> to vector<16x1xi32>
        %gather3A_822 = vector.shape_cast %broadcast_in_dim3A_821 : vector<16x1xi32> to vector<16xi32>
        %gather3A_823 = tpu.dynamic_gather %masked_cumsum3A_813[%gather3A_822] in [0] : vector<16xf32>, vector<16xi32> -> vector<16xf32>
        %eq3A_824 = arith.constant 15 : i32
        %eq3A_825 = vector.broadcast %eq3A_824 : i32 to vector<16xi32>
        %eq3A_826 = arith.cmpi eq, %iota3A, %eq3A_825 : vector<16xi32>
        %select_n3A_827 = arith.select %eq3A_826, %gather3A_823, %select_n3A_789 : vector<16xi1>, vector<16xf32>
        %mul3A_828 = arith.constant 512 : i32
        %mul3A_829 = arith.muli %rem3A_145, %mul3A_828 : i32
        %mul3A_830 = arith.constant 16 : i32
        %mul3A_831 = arith.muli %scan3A_221, %mul3A_830 : i32
        %add3A_832 = arith.addi %mul3A_829, %mul3A_831 : i32
        %add3A_833 = vector.broadcast %add3A_832 : i32 to vector<16xi32>
        %add3A_834 = arith.addi %add3A_833, %iota3A : vector<16xi32>
        tpu.vector_store_idx %arg15[%add3A_834], %select_n3A_827 : memref<1024xf32, #tpu.memory_space<vmem>>[vector<16xi32>], vector<16xf32>,
      }
      %scan3A_169 = arith.constant 32 : i32
      %add3A_170 = arith.constant 1 : i32
      %add3A_171 = arith.addi %scan3A_143, %add3A_170 : i32
      %lt3A = arith.constant 32 : i32
      %lt3A_172 = arith.cmpi slt, %add3A_171, %lt3A : i32
      %convert_element_type3A_173 = arith.extui %lt3A_172 : i1 to i32
      %cond3A_174 = arith.constant 0 : i32
      %cond3A_175 = arith.cmpi ne, %convert_element_type3A_173, %cond3A_174 : i32
      scf.if %cond3A_175 {
        %add3A_221 = arith.constant 1 : i32
        %add3A_222 = arith.addi %scan3A_143, %add3A_221 : i32
        %dma_start3A_223 = arith.constant 0 : i32
        %dma_start3A_224 = arith.constant 0 : i32
        %dma_start3A_225 = arith.constant 0 : i32
        %dma_start3A_226 = tpu.memref_slice %arg12[%dma_start3A_224, %dma_start3A_225] : memref<512x64xbf16, #tpu.memory_space<vmem>> -> memref<128x64xbf16, #tpu.memory_space<vmem>>
        %dma_start3A_227 = arith.constant 0 : i32
        %dma_start3A_228 = tpu.memref_slice %arg9[%add3A_222, %dma_start3A_223, %dma_start3A_227] : memref<32x4x128xi32, #tpu.memory_space<vmem>> -> memref<1x1x128xi32, #tpu.memory_space<vmem>>
        %dma_start3A_229 = tpu.memref_squeeze %dma_start3A_228 : memref<1x1x128xi32, #tpu.memory_space<vmem>> -> memref<128xi32, #tpu.memory_space<vmem>>
        %dma_start3A_230 = arith.constant 0 : i32
        %dma_start3A_231 = arith.constant 0 : i32
        %dma_start3A_232 = tpu.memref_slice %arg2[%dma_start3A_230, %dma_start3A_231] : memref<100000x64xbf16, #tpu.memory_space<hbm>> -> memref<100000x64xbf16, #tpu.memory_space<hbm>>
        tpu.enqueue_indirect_dma source(%dma_start3A_232 : memref<100000x64xbf16, #tpu.memory_space<hbm>>) target(%dma_start3A_226 : memref<128x64xbf16, #tpu.memory_space<vmem>>) offsets(%dma_start3A_229 : memref<128xi32, #tpu.memory_space<vmem>>) semaphore(%arg16 : memref<!tpu.dma_semaphore, #tpu.memory_space<semaphore_mem>>)
        %dma_start3A_233 = arith.constant 1 : i32
        %dma_start3A_234 = arith.constant 128 : i32
        %dma_start3A_235 = arith.constant 0 : i32
        %dma_start3A_236 = tpu.memref_slice %arg12[%dma_start3A_234, %dma_start3A_235] : memref<512x64xbf16, #tpu.memory_space<vmem>> -> memref<128x64xbf16, #tpu.memory_space<vmem>>
        %dma_start3A_237 = arith.constant 0 : i32
        %dma_start3A_238 = tpu.memref_slice %arg9[%add3A_222, %dma_start3A_233, %dma_start3A_237] : memref<32x4x128xi32, #tpu.memory_space<vmem>> -> memref<1x1x128xi32, #tpu.memory_space<vmem>>
        %dma_start3A_239 = tpu.memref_squeeze %dma_start3A_238 : memref<1x1x128xi32, #tpu.memory_space<vmem>> -> memref<128xi32, #tpu.memory_space<vmem>>
        %dma_start3A_240 = arith.constant 0 : i32
        %dma_start3A_241 = arith.constant 0 : i32
        %dma_start3A_242 = tpu.memref_slice %arg2[%dma_start3A_240, %dma_start3A_241] : memref<100000x64xbf16, #tpu.memory_space<hbm>> -> memref<100000x64xbf16, #tpu.memory_space<hbm>>
        tpu.enqueue_indirect_dma source(%dma_start3A_242 : memref<100000x64xbf16, #tpu.memory_space<hbm>>) target(%dma_start3A_236 : memref<128x64xbf16, #tpu.memory_space<vmem>>) offsets(%dma_start3A_239 : memref<128xi32, #tpu.memory_space<vmem>>) semaphore(%arg16 : memref<!tpu.dma_semaphore, #tpu.memory_space<semaphore_mem>>)
        %dma_start3A_243 = arith.constant 2 : i32
        %dma_start3A_244 = arith.constant 256 : i32
        %dma_start3A_245 = arith.constant 0 : i32
        %dma_start3A_246 = tpu.memref_slice %arg12[%dma_start3A_244, %dma_start3A_245] : memref<512x64xbf16, #tpu.memory_space<vmem>> -> memref<128x64xbf16, #tpu.memory_space<vmem>>
        %dma_start3A_247 = arith.constant 0 : i32
        %dma_start3A_248 = tpu.memref_slice %arg9[%add3A_222, %dma_start3A_243, %dma_start3A_247] : memref<32x4x128xi32, #tpu.memory_space<vmem>> -> memref<1x1x128xi32, #tpu.memory_space<vmem>>
        %dma_start3A_249 = tpu.memref_squeeze %dma_start3A_248 : memref<1x1x128xi32, #tpu.memory_space<vmem>> -> memref<128xi32, #tpu.memory_space<vmem>>
        %dma_start3A_250 = arith.constant 0 : i32
        %dma_start3A_251 = arith.constant 0 : i32
        %dma_start3A_252 = tpu.memref_slice %arg2[%dma_start3A_250, %dma_start3A_251] : memref<100000x64xbf16, #tpu.memory_space<hbm>> -> memref<100000x64xbf16, #tpu.memory_space<hbm>>
        tpu.enqueue_indirect_dma source(%dma_start3A_252 : memref<100000x64xbf16, #tpu.memory_space<hbm>>) target(%dma_start3A_246 : memref<128x64xbf16, #tpu.memory_space<vmem>>) offsets(%dma_start3A_249 : memref<128xi32, #tpu.memory_space<vmem>>) semaphore(%arg16 : memref<!tpu.dma_semaphore, #tpu.memory_space<semaphore_mem>>)
        %dma_start3A_253 = arith.constant 3 : i32
        %dma_start3A_254 = arith.constant 384 : i32
        %dma_start3A_255 = arith.constant 0 : i32
        %dma_start3A_256 = tpu.memref_slice %arg12[%dma_start3A_254, %dma_start3A_255] : memref<512x64xbf16, #tpu.memory_space<vmem>> -> memref<128x64xbf16, #tpu.memory_space<vmem>>
        %dma_start3A_257 = arith.constant 0 : i32
        %dma_start3A_258 = tpu.memref_slice %arg9[%add3A_222, %dma_start3A_253, %dma_start3A_257] : memref<32x4x128xi32, #tpu.memory_space<vmem>> -> memref<1x1x128xi32, #tpu.memory_space<vmem>>
        %dma_start3A_259 = tpu.memref_squeeze %dma_start3A_258 : memref<1x1x128xi32, #tpu.memory_space<vmem>> -> memref<128xi32, #tpu.memory_space<vmem>>
        %dma_start3A_260 = arith.constant 0 : i32
        %dma_start3A_261 = arith.constant 0 : i32
        %dma_start3A_262 = tpu.memref_slice %arg2[%dma_start3A_260, %dma_start3A_261] : memref<100000x64xbf16, #tpu.memory_space<hbm>> -> memref<100000x64xbf16, #tpu.memory_space<hbm>>
        tpu.enqueue_indirect_dma source(%dma_start3A_262 : memref<100000x64xbf16, #tpu.memory_space<hbm>>) target(%dma_start3A_256 : memref<128x64xbf16, #tpu.memory_space<vmem>>) offsets(%dma_start3A_259 : memref<128xi32, #tpu.memory_space<vmem>>) semaphore(%arg16 : memref<!tpu.dma_semaphore, #tpu.memory_space<semaphore_mem>>)
      } else {
      }
      %dma_wait3A_176 = arith.constant 0 : i32
      %dma_wait3A_177 = arith.constant 0 : i32
      %dma_wait3A_178 = tpu.memref_slice %arg3[%dma_wait3A_176, %dma_wait3A_177] : memref<100000x64xbf16, #tpu.memory_space<hbm>> -> memref<512x64xbf16, #tpu.memory_space<hbm>>
      %dma_wait3A_179 = arith.constant 0 : i32
      %dma_wait3A_180 = arith.constant 0 : i32
      %dma_wait3A_181 = tpu.memref_slice %arg3[%dma_wait3A_179, %dma_wait3A_180] : memref<100000x64xbf16, #tpu.memory_space<hbm>> -> memref<512x64xbf16, #tpu.memory_space<hbm>>
      tpu.wait_dma2 semaphore(%arg17 : memref<!tpu.dma_semaphore, #tpu.memory_space<semaphore_mem>>) src(%dma_wait3A_181 : memref<512x64xbf16, #tpu.memory_space<hbm>>) dst(%arg13 : memref<512x64xbf16, #tpu.memory_space<vmem>>)
      %get3A_182 = arith.index_cast %scan3A_143 : i32 to index
      %get3A_183 = arith.constant 0 : index
      %get3A_184 = tpu.vector_load %arg10[%get3A_182, %get3A_183] {strides = array<i32>} : memref<32x64xbf16, #tpu.memory_space<vmem>>, vector<32xbf16>,
      %unpack3A_185 = tpu.unpack_subelements %get3A_184, 0 {pack_format = #tpu.pack_format<interleaved>} : vector<32xbf16> -> vector<16xf32>
      %unpack3A_186 = tpu.unpack_subelements %get3A_184, 1 {pack_format = #tpu.pack_format<interleaved>} : vector<32xbf16> -> vector<16xf32>
      %get3A_187 = arith.index_cast %scan3A_143 : i32 to index
      %get3A_188 = arith.constant 32 : index
      %get3A_189 = tpu.vector_load %arg10[%get3A_187, %get3A_188] {strides = array<i32>} : memref<32x64xbf16, #tpu.memory_space<vmem>>, vector<32xbf16>,
      %unpack3A_190 = tpu.unpack_subelements %get3A_189, 0 {pack_format = #tpu.pack_format<interleaved>} : vector<32xbf16> -> vector<16xf32>
      %unpack3A_191 = tpu.unpack_subelements %get3A_189, 1 {pack_format = #tpu.pack_format<interleaved>} : vector<32xbf16> -> vector<16xf32>
      %scan3A_192 = arith.constant 0 : i32
      %scan3A_193 = arith.constant 0 : i32
      %scan3A_194 = arith.constant 32 : i32
      %scan3A_195 = arith.addi %scan3A_193, %scan3A_194 : i32
      %scan3A_196 = arith.constant 1 : i32
      scf.for %scan3A_221 = %scan3A_193 to %scan3A_195 step %scan3A_196  : i32 {
        %broadcast_in_dim3A_222 = arith.constant 0.000000e+00 : f32
        %broadcast_in_dim3A_223 = vector.broadcast %broadcast_in_dim3A_222 : f32 to vector<16xf32>
        %mul3A_224 = arith.constant 16 : i32
        %mul3A_225 = arith.muli %scan3A_221, %mul3A_224 : i32
        %add3A_226 = arith.constant 0 : i32
        %add3A_227 = arith.addi %mul3A_225, %add3A_226 : i32
        %get3A_228 = arith.index_cast %add3A_227 : i32 to index
        %get3A_229 = arith.constant 0 : index
        %get3A_230 = tpu.vector_load %arg13[%get3A_228, %get3A_229] {strides = array<i32>} : memref<512x64xbf16, #tpu.memory_space<vmem>>, vector<32xbf16>,
        %unpack3A_231 = tpu.unpack_subelements %get3A_230, 0 {pack_format = #tpu.pack_format<interleaved>} : vector<32xbf16> -> vector<16xf32>
        %unpack3A_232 = tpu.unpack_subelements %get3A_230, 1 {pack_format = #tpu.pack_format<interleaved>} : vector<32xbf16> -> vector<16xf32>
        %mul3A_233 = arith.mulf %unpack3A_231, %unpack3A_185 : vector<16xf32>
        %mul3A_234 = arith.mulf %unpack3A_232, %unpack3A_186 : vector<16xf32>
        %add3A_235 = arith.addf %mul3A_233, %mul3A_234 : vector<16xf32>
        %get3A_236 = arith.index_cast %add3A_227 : i32 to index
        %get3A_237 = arith.constant 32 : index
        %get3A_238 = tpu.vector_load %arg13[%get3A_236, %get3A_237] {strides = array<i32>} : memref<512x64xbf16, #tpu.memory_space<vmem>>, vector<32xbf16>,
        %unpack3A_239 = tpu.unpack_subelements %get3A_238, 0 {pack_format = #tpu.pack_format<interleaved>} : vector<32xbf16> -> vector<16xf32>
        %unpack3A_240 = tpu.unpack_subelements %get3A_238, 1 {pack_format = #tpu.pack_format<interleaved>} : vector<32xbf16> -> vector<16xf32>
        %mul3A_241 = arith.mulf %unpack3A_239, %unpack3A_190 : vector<16xf32>
        %mul3A_242 = arith.mulf %unpack3A_240, %unpack3A_191 : vector<16xf32>
        %add3A_243 = arith.addf %mul3A_241, %mul3A_242 : vector<16xf32>
        %add3A_244 = arith.addf %add3A_235, %add3A_243 : vector<16xf32>
        %broadcast_in_dim3A_245 = arith.constant true
        %broadcast_in_dim3A_246 = vector.broadcast %broadcast_in_dim3A_245 : i1 to vector<16xi1>
        %masked_cumsum3A = tpu.scan <sum>, %add3A_244 masked %broadcast_in_dim3A_246 : vector<16xf32>, vector<16xi1> -> vector<16xf32>
        %lt3A_247 = arith.constant 0 : i32
        %lt3A_248 = vector.broadcast %lt3A_247 : i32 to vector<16xi32>
        %lt3A_249 = arith.cmpi slt, %broadcast_in_dim3A_3, %lt3A_248 : vector<16xi32>
        %add3A_250 = arith.constant 16 : i32
        %add3A_251 = vector.broadcast %add3A_250 : i32 to vector<16xi32>
        %add3A_252 = arith.addi %broadcast_in_dim3A_3, %add3A_251 : vector<16xi32>
        %select_n3A = arith.select %lt3A_249, %add3A_252, %broadcast_in_dim3A_3 : vector<16xi1>, vector<16xi32>
        %broadcast_in_dim3A_253 = vector.shape_cast %select_n3A : vector<16xi32> to vector<16x1xi32>
        %gather3A = vector.shape_cast %broadcast_in_dim3A_253 : vector<16x1xi32> to vector<16xi32>
        %gather3A_254 = tpu.dynamic_gather %masked_cumsum3A[%gather3A] in [0] : vector<16xf32>, vector<16xi32> -> vector<16xf32>
        %eq3A = arith.constant 0 : i32
        %eq3A_255 = vector.broadcast %eq3A : i32 to vector<16xi32>
        %eq3A_256 = arith.cmpi eq, %iota3A, %eq3A_255 : vector<16xi32>
        %select_n3A_257 = arith.select %eq3A_256, %gather3A_254, %broadcast_in_dim3A_223 : vector<16xi1>, vector<16xf32>
        %mul3A_258 = arith.constant 16 : i32
        %mul3A_259 = arith.muli %scan3A_221, %mul3A_258 : i32
        %add3A_260 = arith.constant 1 : i32
        %add3A_261 = arith.addi %mul3A_259, %add3A_260 : i32
        %get3A_262 = arith.index_cast %add3A_261 : i32 to index
        %get3A_263 = arith.constant 0 : index
        %get3A_264 = tpu.vector_load %arg13[%get3A_262, %get3A_263] {strides = array<i32>} : memref<512x64xbf16, #tpu.memory_space<vmem>>, vector<32xbf16>,
        %unpack3A_265 = tpu.unpack_subelements %get3A_264, 0 {pack_format = #tpu.pack_format<interleaved>} : vector<32xbf16> -> vector<16xf32>
        %unpack3A_266 = tpu.unpack_subelements %get3A_264, 1 {pack_format = #tpu.pack_format<interleaved>} : vector<32xbf16> -> vector<16xf32>
        %mul3A_267 = arith.mulf %unpack3A_265, %unpack3A_185 : vector<16xf32>
        %mul3A_268 = arith.mulf %unpack3A_266, %unpack3A_186 : vector<16xf32>
        %add3A_269 = arith.addf %mul3A_267, %mul3A_268 : vector<16xf32>
        %get3A_270 = arith.index_cast %add3A_261 : i32 to index
        %get3A_271 = arith.constant 32 : index
        %get3A_272 = tpu.vector_load %arg13[%get3A_270, %get3A_271] {strides = array<i32>} : memref<512x64xbf16, #tpu.memory_space<vmem>>, vector<32xbf16>,
        %unpack3A_273 = tpu.unpack_subelements %get3A_272, 0 {pack_format = #tpu.pack_format<interleaved>} : vector<32xbf16> -> vector<16xf32>
        %unpack3A_274 = tpu.unpack_subelements %get3A_272, 1 {pack_format = #tpu.pack_format<interleaved>} : vector<32xbf16> -> vector<16xf32>
        %mul3A_275 = arith.mulf %unpack3A_273, %unpack3A_190 : vector<16xf32>
        %mul3A_276 = arith.mulf %unpack3A_274, %unpack3A_191 : vector<16xf32>
        %add3A_277 = arith.addf %mul3A_275, %mul3A_276 : vector<16xf32>
        %add3A_278 = arith.addf %add3A_269, %add3A_277 : vector<16xf32>
        %broadcast_in_dim3A_279 = arith.constant true
        %broadcast_in_dim3A_280 = vector.broadcast %broadcast_in_dim3A_279 : i1 to vector<16xi1>
        %masked_cumsum3A_281 = tpu.scan <sum>, %add3A_278 masked %broadcast_in_dim3A_280 : vector<16xf32>, vector<16xi1> -> vector<16xf32>
        %lt3A_282 = arith.constant 0 : i32
        %lt3A_283 = vector.broadcast %lt3A_282 : i32 to vector<16xi32>
        %lt3A_284 = arith.cmpi slt, %broadcast_in_dim3A_3, %lt3A_283 : vector<16xi32>
        %add3A_285 = arith.constant 16 : i32
        %add3A_286 = vector.broadcast %add3A_285 : i32 to vector<16xi32>
        %add3A_287 = arith.addi %broadcast_in_dim3A_3, %add3A_286 : vector<16xi32>
        %select_n3A_288 = arith.select %lt3A_284, %add3A_287, %broadcast_in_dim3A_3 : vector<16xi1>, vector<16xi32>
        %broadcast_in_dim3A_289 = vector.shape_cast %select_n3A_288 : vector<16xi32> to vector<16x1xi32>
        %gather3A_290 = vector.shape_cast %broadcast_in_dim3A_289 : vector<16x1xi32> to vector<16xi32>
        %gather3A_291 = tpu.dynamic_gather %masked_cumsum3A_281[%gather3A_290] in [0] : vector<16xf32>, vector<16xi32> -> vector<16xf32>
        %eq3A_292 = arith.constant 1 : i32
        %eq3A_293 = vector.broadcast %eq3A_292 : i32 to vector<16xi32>
        %eq3A_294 = arith.cmpi eq, %iota3A, %eq3A_293 : vector<16xi32>
        %select_n3A_295 = arith.select %eq3A_294, %gather3A_291, %select_n3A_257 : vector<16xi1>, vector<16xf32>
        %mul3A_296 = arith.constant 16 : i32
        %mul3A_297 = arith.muli %scan3A_221, %mul3A_296 : i32
        %add3A_298 = arith.constant 2 : i32
        %add3A_299 = arith.addi %mul3A_297, %add3A_298 : i32
        %get3A_300 = arith.index_cast %add3A_299 : i32 to index
        %get3A_301 = arith.constant 0 : index
        %get3A_302 = tpu.vector_load %arg13[%get3A_300, %get3A_301] {strides = array<i32>} : memref<512x64xbf16, #tpu.memory_space<vmem>>, vector<32xbf16>,
        %unpack3A_303 = tpu.unpack_subelements %get3A_302, 0 {pack_format = #tpu.pack_format<interleaved>} : vector<32xbf16> -> vector<16xf32>
        %unpack3A_304 = tpu.unpack_subelements %get3A_302, 1 {pack_format = #tpu.pack_format<interleaved>} : vector<32xbf16> -> vector<16xf32>
        %mul3A_305 = arith.mulf %unpack3A_303, %unpack3A_185 : vector<16xf32>
        %mul3A_306 = arith.mulf %unpack3A_304, %unpack3A_186 : vector<16xf32>
        %add3A_307 = arith.addf %mul3A_305, %mul3A_306 : vector<16xf32>
        %get3A_308 = arith.index_cast %add3A_299 : i32 to index
        %get3A_309 = arith.constant 32 : index
        %get3A_310 = tpu.vector_load %arg13[%get3A_308, %get3A_309] {strides = array<i32>} : memref<512x64xbf16, #tpu.memory_space<vmem>>, vector<32xbf16>,
        %unpack3A_311 = tpu.unpack_subelements %get3A_310, 0 {pack_format = #tpu.pack_format<interleaved>} : vector<32xbf16> -> vector<16xf32>
        %unpack3A_312 = tpu.unpack_subelements %get3A_310, 1 {pack_format = #tpu.pack_format<interleaved>} : vector<32xbf16> -> vector<16xf32>
        %mul3A_313 = arith.mulf %unpack3A_311, %unpack3A_190 : vector<16xf32>
        %mul3A_314 = arith.mulf %unpack3A_312, %unpack3A_191 : vector<16xf32>
        %add3A_315 = arith.addf %mul3A_313, %mul3A_314 : vector<16xf32>
        %add3A_316 = arith.addf %add3A_307, %add3A_315 : vector<16xf32>
        %broadcast_in_dim3A_317 = arith.constant true
        %broadcast_in_dim3A_318 = vector.broadcast %broadcast_in_dim3A_317 : i1 to vector<16xi1>
        %masked_cumsum3A_319 = tpu.scan <sum>, %add3A_316 masked %broadcast_in_dim3A_318 : vector<16xf32>, vector<16xi1> -> vector<16xf32>
        %lt3A_320 = arith.constant 0 : i32
        %lt3A_321 = vector.broadcast %lt3A_320 : i32 to vector<16xi32>
        %lt3A_322 = arith.cmpi slt, %broadcast_in_dim3A_3, %lt3A_321 : vector<16xi32>
        %add3A_323 = arith.constant 16 : i32
        %add3A_324 = vector.broadcast %add3A_323 : i32 to vector<16xi32>
        %add3A_325 = arith.addi %broadcast_in_dim3A_3, %add3A_324 : vector<16xi32>
        %select_n3A_326 = arith.select %lt3A_322, %add3A_325, %broadcast_in_dim3A_3 : vector<16xi1>, vector<16xi32>
        %broadcast_in_dim3A_327 = vector.shape_cast %select_n3A_326 : vector<16xi32> to vector<16x1xi32>
        %gather3A_328 = vector.shape_cast %broadcast_in_dim3A_327 : vector<16x1xi32> to vector<16xi32>
        %gather3A_329 = tpu.dynamic_gather %masked_cumsum3A_319[%gather3A_328] in [0] : vector<16xf32>, vector<16xi32> -> vector<16xf32>
        %eq3A_330 = arith.constant 2 : i32
        %eq3A_331 = vector.broadcast %eq3A_330 : i32 to vector<16xi32>
        %eq3A_332 = arith.cmpi eq, %iota3A, %eq3A_331 : vector<16xi32>
        %select_n3A_333 = arith.select %eq3A_332, %gather3A_329, %select_n3A_295 : vector<16xi1>, vector<16xf32>
        %mul3A_334 = arith.constant 16 : i32
        %mul3A_335 = arith.muli %scan3A_221, %mul3A_334 : i32
        %add3A_336 = arith.constant 3 : i32
        %add3A_337 = arith.addi %mul3A_335, %add3A_336 : i32
        %get3A_338 = arith.index_cast %add3A_337 : i32 to index
        %get3A_339 = arith.constant 0 : index
        %get3A_340 = tpu.vector_load %arg13[%get3A_338, %get3A_339] {strides = array<i32>} : memref<512x64xbf16, #tpu.memory_space<vmem>>, vector<32xbf16>,
        %unpack3A_341 = tpu.unpack_subelements %get3A_340, 0 {pack_format = #tpu.pack_format<interleaved>} : vector<32xbf16> -> vector<16xf32>
        %unpack3A_342 = tpu.unpack_subelements %get3A_340, 1 {pack_format = #tpu.pack_format<interleaved>} : vector<32xbf16> -> vector<16xf32>
        %mul3A_343 = arith.mulf %unpack3A_341, %unpack3A_185 : vector<16xf32>
        %mul3A_344 = arith.mulf %unpack3A_342, %unpack3A_186 : vector<16xf32>
        %add3A_345 = arith.addf %mul3A_343, %mul3A_344 : vector<16xf32>
        %get3A_346 = arith.index_cast %add3A_337 : i32 to index
        %get3A_347 = arith.constant 32 : index
        %get3A_348 = tpu.vector_load %arg13[%get3A_346, %get3A_347] {strides = array<i32>} : memref<512x64xbf16, #tpu.memory_space<vmem>>, vector<32xbf16>,
        %unpack3A_349 = tpu.unpack_subelements %get3A_348, 0 {pack_format = #tpu.pack_format<interleaved>} : vector<32xbf16> -> vector<16xf32>
        %unpack3A_350 = tpu.unpack_subelements %get3A_348, 1 {pack_format = #tpu.pack_format<interleaved>} : vector<32xbf16> -> vector<16xf32>
        %mul3A_351 = arith.mulf %unpack3A_349, %unpack3A_190 : vector<16xf32>
        %mul3A_352 = arith.mulf %unpack3A_350, %unpack3A_191 : vector<16xf32>
        %add3A_353 = arith.addf %mul3A_351, %mul3A_352 : vector<16xf32>
        %add3A_354 = arith.addf %add3A_345, %add3A_353 : vector<16xf32>
        %broadcast_in_dim3A_355 = arith.constant true
        %broadcast_in_dim3A_356 = vector.broadcast %broadcast_in_dim3A_355 : i1 to vector<16xi1>
        %masked_cumsum3A_357 = tpu.scan <sum>, %add3A_354 masked %broadcast_in_dim3A_356 : vector<16xf32>, vector<16xi1> -> vector<16xf32>
        %lt3A_358 = arith.constant 0 : i32
        %lt3A_359 = vector.broadcast %lt3A_358 : i32 to vector<16xi32>
        %lt3A_360 = arith.cmpi slt, %broadcast_in_dim3A_3, %lt3A_359 : vector<16xi32>
        %add3A_361 = arith.constant 16 : i32
        %add3A_362 = vector.broadcast %add3A_361 : i32 to vector<16xi32>
        %add3A_363 = arith.addi %broadcast_in_dim3A_3, %add3A_362 : vector<16xi32>
        %select_n3A_364 = arith.select %lt3A_360, %add3A_363, %broadcast_in_dim3A_3 : vector<16xi1>, vector<16xi32>
        %broadcast_in_dim3A_365 = vector.shape_cast %select_n3A_364 : vector<16xi32> to vector<16x1xi32>
        %gather3A_366 = vector.shape_cast %broadcast_in_dim3A_365 : vector<16x1xi32> to vector<16xi32>
        %gather3A_367 = tpu.dynamic_gather %masked_cumsum3A_357[%gather3A_366] in [0] : vector<16xf32>, vector<16xi32> -> vector<16xf32>
        %eq3A_368 = arith.constant 3 : i32
        %eq3A_369 = vector.broadcast %eq3A_368 : i32 to vector<16xi32>
        %eq3A_370 = arith.cmpi eq, %iota3A, %eq3A_369 : vector<16xi32>
        %select_n3A_371 = arith.select %eq3A_370, %gather3A_367, %select_n3A_333 : vector<16xi1>, vector<16xf32>
        %mul3A_372 = arith.constant 16 : i32
        %mul3A_373 = arith.muli %scan3A_221, %mul3A_372 : i32
        %add3A_374 = arith.constant 4 : i32
        %add3A_375 = arith.addi %mul3A_373, %add3A_374 : i32
        %get3A_376 = arith.index_cast %add3A_375 : i32 to index
        %get3A_377 = arith.constant 0 : index
        %get3A_378 = tpu.vector_load %arg13[%get3A_376, %get3A_377] {strides = array<i32>} : memref<512x64xbf16, #tpu.memory_space<vmem>>, vector<32xbf16>,
        %unpack3A_379 = tpu.unpack_subelements %get3A_378, 0 {pack_format = #tpu.pack_format<interleaved>} : vector<32xbf16> -> vector<16xf32>
        %unpack3A_380 = tpu.unpack_subelements %get3A_378, 1 {pack_format = #tpu.pack_format<interleaved>} : vector<32xbf16> -> vector<16xf32>
        %mul3A_381 = arith.mulf %unpack3A_379, %unpack3A_185 : vector<16xf32>
        %mul3A_382 = arith.mulf %unpack3A_380, %unpack3A_186 : vector<16xf32>
        %add3A_383 = arith.addf %mul3A_381, %mul3A_382 : vector<16xf32>
        %get3A_384 = arith.index_cast %add3A_375 : i32 to index
        %get3A_385 = arith.constant 32 : index
        %get3A_386 = tpu.vector_load %arg13[%get3A_384, %get3A_385] {strides = array<i32>} : memref<512x64xbf16, #tpu.memory_space<vmem>>, vector<32xbf16>,
        %unpack3A_387 = tpu.unpack_subelements %get3A_386, 0 {pack_format = #tpu.pack_format<interleaved>} : vector<32xbf16> -> vector<16xf32>
        %unpack3A_388 = tpu.unpack_subelements %get3A_386, 1 {pack_format = #tpu.pack_format<interleaved>} : vector<32xbf16> -> vector<16xf32>
        %mul3A_389 = arith.mulf %unpack3A_387, %unpack3A_190 : vector<16xf32>
        %mul3A_390 = arith.mulf %unpack3A_388, %unpack3A_191 : vector<16xf32>
        %add3A_391 = arith.addf %mul3A_389, %mul3A_390 : vector<16xf32>
        %add3A_392 = arith.addf %add3A_383, %add3A_391 : vector<16xf32>
        %broadcast_in_dim3A_393 = arith.constant true
        %broadcast_in_dim3A_394 = vector.broadcast %broadcast_in_dim3A_393 : i1 to vector<16xi1>
        %masked_cumsum3A_395 = tpu.scan <sum>, %add3A_392 masked %broadcast_in_dim3A_394 : vector<16xf32>, vector<16xi1> -> vector<16xf32>
        %lt3A_396 = arith.constant 0 : i32
        %lt3A_397 = vector.broadcast %lt3A_396 : i32 to vector<16xi32>
        %lt3A_398 = arith.cmpi slt, %broadcast_in_dim3A_3, %lt3A_397 : vector<16xi32>
        %add3A_399 = arith.constant 16 : i32
        %add3A_400 = vector.broadcast %add3A_399 : i32 to vector<16xi32>
        %add3A_401 = arith.addi %broadcast_in_dim3A_3, %add3A_400 : vector<16xi32>
        %select_n3A_402 = arith.select %lt3A_398, %add3A_401, %broadcast_in_dim3A_3 : vector<16xi1>, vector<16xi32>
        %broadcast_in_dim3A_403 = vector.shape_cast %select_n3A_402 : vector<16xi32> to vector<16x1xi32>
        %gather3A_404 = vector.shape_cast %broadcast_in_dim3A_403 : vector<16x1xi32> to vector<16xi32>
        %gather3A_405 = tpu.dynamic_gather %masked_cumsum3A_395[%gather3A_404] in [0] : vector<16xf32>, vector<16xi32> -> vector<16xf32>
        %eq3A_406 = arith.constant 4 : i32
        %eq3A_407 = vector.broadcast %eq3A_406 : i32 to vector<16xi32>
        %eq3A_408 = arith.cmpi eq, %iota3A, %eq3A_407 : vector<16xi32>
        %select_n3A_409 = arith.select %eq3A_408, %gather3A_405, %select_n3A_371 : vector<16xi1>, vector<16xf32>
        %mul3A_410 = arith.constant 16 : i32
        %mul3A_411 = arith.muli %scan3A_221, %mul3A_410 : i32
        %add3A_412 = arith.constant 5 : i32
        %add3A_413 = arith.addi %mul3A_411, %add3A_412 : i32
        %get3A_414 = arith.index_cast %add3A_413 : i32 to index
        %get3A_415 = arith.constant 0 : index
        %get3A_416 = tpu.vector_load %arg13[%get3A_414, %get3A_415] {strides = array<i32>} : memref<512x64xbf16, #tpu.memory_space<vmem>>, vector<32xbf16>,
        %unpack3A_417 = tpu.unpack_subelements %get3A_416, 0 {pack_format = #tpu.pack_format<interleaved>} : vector<32xbf16> -> vector<16xf32>
        %unpack3A_418 = tpu.unpack_subelements %get3A_416, 1 {pack_format = #tpu.pack_format<interleaved>} : vector<32xbf16> -> vector<16xf32>
        %mul3A_419 = arith.mulf %unpack3A_417, %unpack3A_185 : vector<16xf32>
        %mul3A_420 = arith.mulf %unpack3A_418, %unpack3A_186 : vector<16xf32>
        %add3A_421 = arith.addf %mul3A_419, %mul3A_420 : vector<16xf32>
        %get3A_422 = arith.index_cast %add3A_413 : i32 to index
        %get3A_423 = arith.constant 32 : index
        %get3A_424 = tpu.vector_load %arg13[%get3A_422, %get3A_423] {strides = array<i32>} : memref<512x64xbf16, #tpu.memory_space<vmem>>, vector<32xbf16>,
        %unpack3A_425 = tpu.unpack_subelements %get3A_424, 0 {pack_format = #tpu.pack_format<interleaved>} : vector<32xbf16> -> vector<16xf32>
        %unpack3A_426 = tpu.unpack_subelements %get3A_424, 1 {pack_format = #tpu.pack_format<interleaved>} : vector<32xbf16> -> vector<16xf32>
        %mul3A_427 = arith.mulf %unpack3A_425, %unpack3A_190 : vector<16xf32>
        %mul3A_428 = arith.mulf %unpack3A_426, %unpack3A_191 : vector<16xf32>
        %add3A_429 = arith.addf %mul3A_427, %mul3A_428 : vector<16xf32>
        %add3A_430 = arith.addf %add3A_421, %add3A_429 : vector<16xf32>
        %broadcast_in_dim3A_431 = arith.constant true
        %broadcast_in_dim3A_432 = vector.broadcast %broadcast_in_dim3A_431 : i1 to vector<16xi1>
        %masked_cumsum3A_433 = tpu.scan <sum>, %add3A_430 masked %broadcast_in_dim3A_432 : vector<16xf32>, vector<16xi1> -> vector<16xf32>
        %lt3A_434 = arith.constant 0 : i32
        %lt3A_435 = vector.broadcast %lt3A_434 : i32 to vector<16xi32>
        %lt3A_436 = arith.cmpi slt, %broadcast_in_dim3A_3, %lt3A_435 : vector<16xi32>
        %add3A_437 = arith.constant 16 : i32
        %add3A_438 = vector.broadcast %add3A_437 : i32 to vector<16xi32>
        %add3A_439 = arith.addi %broadcast_in_dim3A_3, %add3A_438 : vector<16xi32>
        %select_n3A_440 = arith.select %lt3A_436, %add3A_439, %broadcast_in_dim3A_3 : vector<16xi1>, vector<16xi32>
        %broadcast_in_dim3A_441 = vector.shape_cast %select_n3A_440 : vector<16xi32> to vector<16x1xi32>
        %gather3A_442 = vector.shape_cast %broadcast_in_dim3A_441 : vector<16x1xi32> to vector<16xi32>
        %gather3A_443 = tpu.dynamic_gather %masked_cumsum3A_433[%gather3A_442] in [0] : vector<16xf32>, vector<16xi32> -> vector<16xf32>
        %eq3A_444 = arith.constant 5 : i32
        %eq3A_445 = vector.broadcast %eq3A_444 : i32 to vector<16xi32>
        %eq3A_446 = arith.cmpi eq, %iota3A, %eq3A_445 : vector<16xi32>
        %select_n3A_447 = arith.select %eq3A_446, %gather3A_443, %select_n3A_409 : vector<16xi1>, vector<16xf32>
        %mul3A_448 = arith.constant 16 : i32
        %mul3A_449 = arith.muli %scan3A_221, %mul3A_448 : i32
        %add3A_450 = arith.constant 6 : i32
        %add3A_451 = arith.addi %mul3A_449, %add3A_450 : i32
        %get3A_452 = arith.index_cast %add3A_451 : i32 to index
        %get3A_453 = arith.constant 0 : index
        %get3A_454 = tpu.vector_load %arg13[%get3A_452, %get3A_453] {strides = array<i32>} : memref<512x64xbf16, #tpu.memory_space<vmem>>, vector<32xbf16>,
        %unpack3A_455 = tpu.unpack_subelements %get3A_454, 0 {pack_format = #tpu.pack_format<interleaved>} : vector<32xbf16> -> vector<16xf32>
        %unpack3A_456 = tpu.unpack_subelements %get3A_454, 1 {pack_format = #tpu.pack_format<interleaved>} : vector<32xbf16> -> vector<16xf32>
        %mul3A_457 = arith.mulf %unpack3A_455, %unpack3A_185 : vector<16xf32>
        %mul3A_458 = arith.mulf %unpack3A_456, %unpack3A_186 : vector<16xf32>
        %add3A_459 = arith.addf %mul3A_457, %mul3A_458 : vector<16xf32>
        %get3A_460 = arith.index_cast %add3A_451 : i32 to index
        %get3A_461 = arith.constant 32 : index
        %get3A_462 = tpu.vector_load %arg13[%get3A_460, %get3A_461] {strides = array<i32>} : memref<512x64xbf16, #tpu.memory_space<vmem>>, vector<32xbf16>,
        %unpack3A_463 = tpu.unpack_subelements %get3A_462, 0 {pack_format = #tpu.pack_format<interleaved>} : vector<32xbf16> -> vector<16xf32>
        %unpack3A_464 = tpu.unpack_subelements %get3A_462, 1 {pack_format = #tpu.pack_format<interleaved>} : vector<32xbf16> -> vector<16xf32>
        %mul3A_465 = arith.mulf %unpack3A_463, %unpack3A_190 : vector<16xf32>
        %mul3A_466 = arith.mulf %unpack3A_464, %unpack3A_191 : vector<16xf32>
        %add3A_467 = arith.addf %mul3A_465, %mul3A_466 : vector<16xf32>
        %add3A_468 = arith.addf %add3A_459, %add3A_467 : vector<16xf32>
        %broadcast_in_dim3A_469 = arith.constant true
        %broadcast_in_dim3A_470 = vector.broadcast %broadcast_in_dim3A_469 : i1 to vector<16xi1>
        %masked_cumsum3A_471 = tpu.scan <sum>, %add3A_468 masked %broadcast_in_dim3A_470 : vector<16xf32>, vector<16xi1> -> vector<16xf32>
        %lt3A_472 = arith.constant 0 : i32
        %lt3A_473 = vector.broadcast %lt3A_472 : i32 to vector<16xi32>
        %lt3A_474 = arith.cmpi slt, %broadcast_in_dim3A_3, %lt3A_473 : vector<16xi32>
        %add3A_475 = arith.constant 16 : i32
        %add3A_476 = vector.broadcast %add3A_475 : i32 to vector<16xi32>
        %add3A_477 = arith.addi %broadcast_in_dim3A_3, %add3A_476 : vector<16xi32>
        %select_n3A_478 = arith.select %lt3A_474, %add3A_477, %broadcast_in_dim3A_3 : vector<16xi1>, vector<16xi32>
        %broadcast_in_dim3A_479 = vector.shape_cast %select_n3A_478 : vector<16xi32> to vector<16x1xi32>
        %gather3A_480 = vector.shape_cast %broadcast_in_dim3A_479 : vector<16x1xi32> to vector<16xi32>
        %gather3A_481 = tpu.dynamic_gather %masked_cumsum3A_471[%gather3A_480] in [0] : vector<16xf32>, vector<16xi32> -> vector<16xf32>
        %eq3A_482 = arith.constant 6 : i32
        %eq3A_483 = vector.broadcast %eq3A_482 : i32 to vector<16xi32>
        %eq3A_484 = arith.cmpi eq, %iota3A, %eq3A_483 : vector<16xi32>
        %select_n3A_485 = arith.select %eq3A_484, %gather3A_481, %select_n3A_447 : vector<16xi1>, vector<16xf32>
        %mul3A_486 = arith.constant 16 : i32
        %mul3A_487 = arith.muli %scan3A_221, %mul3A_486 : i32
        %add3A_488 = arith.constant 7 : i32
        %add3A_489 = arith.addi %mul3A_487, %add3A_488 : i32
        %get3A_490 = arith.index_cast %add3A_489 : i32 to index
        %get3A_491 = arith.constant 0 : index
        %get3A_492 = tpu.vector_load %arg13[%get3A_490, %get3A_491] {strides = array<i32>} : memref<512x64xbf16, #tpu.memory_space<vmem>>, vector<32xbf16>,
        %unpack3A_493 = tpu.unpack_subelements %get3A_492, 0 {pack_format = #tpu.pack_format<interleaved>} : vector<32xbf16> -> vector<16xf32>
        %unpack3A_494 = tpu.unpack_subelements %get3A_492, 1 {pack_format = #tpu.pack_format<interleaved>} : vector<32xbf16> -> vector<16xf32>
        %mul3A_495 = arith.mulf %unpack3A_493, %unpack3A_185 : vector<16xf32>
        %mul3A_496 = arith.mulf %unpack3A_494, %unpack3A_186 : vector<16xf32>
        %add3A_497 = arith.addf %mul3A_495, %mul3A_496 : vector<16xf32>
        %get3A_498 = arith.index_cast %add3A_489 : i32 to index
        %get3A_499 = arith.constant 32 : index
        %get3A_500 = tpu.vector_load %arg13[%get3A_498, %get3A_499] {strides = array<i32>} : memref<512x64xbf16, #tpu.memory_space<vmem>>, vector<32xbf16>,
        %unpack3A_501 = tpu.unpack_subelements %get3A_500, 0 {pack_format = #tpu.pack_format<interleaved>} : vector<32xbf16> -> vector<16xf32>
        %unpack3A_502 = tpu.unpack_subelements %get3A_500, 1 {pack_format = #tpu.pack_format<interleaved>} : vector<32xbf16> -> vector<16xf32>
        %mul3A_503 = arith.mulf %unpack3A_501, %unpack3A_190 : vector<16xf32>
        %mul3A_504 = arith.mulf %unpack3A_502, %unpack3A_191 : vector<16xf32>
        %add3A_505 = arith.addf %mul3A_503, %mul3A_504 : vector<16xf32>
        %add3A_506 = arith.addf %add3A_497, %add3A_505 : vector<16xf32>
        %broadcast_in_dim3A_507 = arith.constant true
        %broadcast_in_dim3A_508 = vector.broadcast %broadcast_in_dim3A_507 : i1 to vector<16xi1>
        %masked_cumsum3A_509 = tpu.scan <sum>, %add3A_506 masked %broadcast_in_dim3A_508 : vector<16xf32>, vector<16xi1> -> vector<16xf32>
        %lt3A_510 = arith.constant 0 : i32
        %lt3A_511 = vector.broadcast %lt3A_510 : i32 to vector<16xi32>
        %lt3A_512 = arith.cmpi slt, %broadcast_in_dim3A_3, %lt3A_511 : vector<16xi32>
        %add3A_513 = arith.constant 16 : i32
        %add3A_514 = vector.broadcast %add3A_513 : i32 to vector<16xi32>
        %add3A_515 = arith.addi %broadcast_in_dim3A_3, %add3A_514 : vector<16xi32>
        %select_n3A_516 = arith.select %lt3A_512, %add3A_515, %broadcast_in_dim3A_3 : vector<16xi1>, vector<16xi32>
        %broadcast_in_dim3A_517 = vector.shape_cast %select_n3A_516 : vector<16xi32> to vector<16x1xi32>
        %gather3A_518 = vector.shape_cast %broadcast_in_dim3A_517 : vector<16x1xi32> to vector<16xi32>
        %gather3A_519 = tpu.dynamic_gather %masked_cumsum3A_509[%gather3A_518] in [0] : vector<16xf32>, vector<16xi32> -> vector<16xf32>
        %eq3A_520 = arith.constant 7 : i32
        %eq3A_521 = vector.broadcast %eq3A_520 : i32 to vector<16xi32>
        %eq3A_522 = arith.cmpi eq, %iota3A, %eq3A_521 : vector<16xi32>
        %select_n3A_523 = arith.select %eq3A_522, %gather3A_519, %select_n3A_485 : vector<16xi1>, vector<16xf32>
        %mul3A_524 = arith.constant 16 : i32
        %mul3A_525 = arith.muli %scan3A_221, %mul3A_524 : i32
        %add3A_526 = arith.constant 8 : i32
        %add3A_527 = arith.addi %mul3A_525, %add3A_526 : i32
        %get3A_528 = arith.index_cast %add3A_527 : i32 to index
        %get3A_529 = arith.constant 0 : index
        %get3A_530 = tpu.vector_load %arg13[%get3A_528, %get3A_529] {strides = array<i32>} : memref<512x64xbf16, #tpu.memory_space<vmem>>, vector<32xbf16>,
        %unpack3A_531 = tpu.unpack_subelements %get3A_530, 0 {pack_format = #tpu.pack_format<interleaved>} : vector<32xbf16> -> vector<16xf32>
        %unpack3A_532 = tpu.unpack_subelements %get3A_530, 1 {pack_format = #tpu.pack_format<interleaved>} : vector<32xbf16> -> vector<16xf32>
        %mul3A_533 = arith.mulf %unpack3A_531, %unpack3A_185 : vector<16xf32>
        %mul3A_534 = arith.mulf %unpack3A_532, %unpack3A_186 : vector<16xf32>
        %add3A_535 = arith.addf %mul3A_533, %mul3A_534 : vector<16xf32>
        %get3A_536 = arith.index_cast %add3A_527 : i32 to index
        %get3A_537 = arith.constant 32 : index
        %get3A_538 = tpu.vector_load %arg13[%get3A_536, %get3A_537] {strides = array<i32>} : memref<512x64xbf16, #tpu.memory_space<vmem>>, vector<32xbf16>,
        %unpack3A_539 = tpu.unpack_subelements %get3A_538, 0 {pack_format = #tpu.pack_format<interleaved>} : vector<32xbf16> -> vector<16xf32>
        %unpack3A_540 = tpu.unpack_subelements %get3A_538, 1 {pack_format = #tpu.pack_format<interleaved>} : vector<32xbf16> -> vector<16xf32>
        %mul3A_541 = arith.mulf %unpack3A_539, %unpack3A_190 : vector<16xf32>
        %mul3A_542 = arith.mulf %unpack3A_540, %unpack3A_191 : vector<16xf32>
        %add3A_543 = arith.addf %mul3A_541, %mul3A_542 : vector<16xf32>
        %add3A_544 = arith.addf %add3A_535, %add3A_543 : vector<16xf32>
        %broadcast_in_dim3A_545 = arith.constant true
        %broadcast_in_dim3A_546 = vector.broadcast %broadcast_in_dim3A_545 : i1 to vector<16xi1>
        %masked_cumsum3A_547 = tpu.scan <sum>, %add3A_544 masked %broadcast_in_dim3A_546 : vector<16xf32>, vector<16xi1> -> vector<16xf32>
        %lt3A_548 = arith.constant 0 : i32
        %lt3A_549 = vector.broadcast %lt3A_548 : i32 to vector<16xi32>
        %lt3A_550 = arith.cmpi slt, %broadcast_in_dim3A_3, %lt3A_549 : vector<16xi32>
        %add3A_551 = arith.constant 16 : i32
        %add3A_552 = vector.broadcast %add3A_551 : i32 to vector<16xi32>
        %add3A_553 = arith.addi %broadcast_in_dim3A_3, %add3A_552 : vector<16xi32>
        %select_n3A_554 = arith.select %lt3A_550, %add3A_553, %broadcast_in_dim3A_3 : vector<16xi1>, vector<16xi32>
        %broadcast_in_dim3A_555 = vector.shape_cast %select_n3A_554 : vector<16xi32> to vector<16x1xi32>
        %gather3A_556 = vector.shape_cast %broadcast_in_dim3A_555 : vector<16x1xi32> to vector<16xi32>
        %gather3A_557 = tpu.dynamic_gather %masked_cumsum3A_547[%gather3A_556] in [0] : vector<16xf32>, vector<16xi32> -> vector<16xf32>
        %eq3A_558 = arith.constant 8 : i32
        %eq3A_559 = vector.broadcast %eq3A_558 : i32 to vector<16xi32>
        %eq3A_560 = arith.cmpi eq, %iota3A, %eq3A_559 : vector<16xi32>
        %select_n3A_561 = arith.select %eq3A_560, %gather3A_557, %select_n3A_523 : vector<16xi1>, vector<16xf32>
        %mul3A_562 = arith.constant 16 : i32
        %mul3A_563 = arith.muli %scan3A_221, %mul3A_562 : i32
        %add3A_564 = arith.constant 9 : i32
        %add3A_565 = arith.addi %mul3A_563, %add3A_564 : i32
        %get3A_566 = arith.index_cast %add3A_565 : i32 to index
        %get3A_567 = arith.constant 0 : index
        %get3A_568 = tpu.vector_load %arg13[%get3A_566, %get3A_567] {strides = array<i32>} : memref<512x64xbf16, #tpu.memory_space<vmem>>, vector<32xbf16>,
        %unpack3A_569 = tpu.unpack_subelements %get3A_568, 0 {pack_format = #tpu.pack_format<interleaved>} : vector<32xbf16> -> vector<16xf32>
        %unpack3A_570 = tpu.unpack_subelements %get3A_568, 1 {pack_format = #tpu.pack_format<interleaved>} : vector<32xbf16> -> vector<16xf32>
        %mul3A_571 = arith.mulf %unpack3A_569, %unpack3A_185 : vector<16xf32>
        %mul3A_572 = arith.mulf %unpack3A_570, %unpack3A_186 : vector<16xf32>
        %add3A_573 = arith.addf %mul3A_571, %mul3A_572 : vector<16xf32>
        %get3A_574 = arith.index_cast %add3A_565 : i32 to index
        %get3A_575 = arith.constant 32 : index
        %get3A_576 = tpu.vector_load %arg13[%get3A_574, %get3A_575] {strides = array<i32>} : memref<512x64xbf16, #tpu.memory_space<vmem>>, vector<32xbf16>,
        %unpack3A_577 = tpu.unpack_subelements %get3A_576, 0 {pack_format = #tpu.pack_format<interleaved>} : vector<32xbf16> -> vector<16xf32>
        %unpack3A_578 = tpu.unpack_subelements %get3A_576, 1 {pack_format = #tpu.pack_format<interleaved>} : vector<32xbf16> -> vector<16xf32>
        %mul3A_579 = arith.mulf %unpack3A_577, %unpack3A_190 : vector<16xf32>
        %mul3A_580 = arith.mulf %unpack3A_578, %unpack3A_191 : vector<16xf32>
        %add3A_581 = arith.addf %mul3A_579, %mul3A_580 : vector<16xf32>
        %add3A_582 = arith.addf %add3A_573, %add3A_581 : vector<16xf32>
        %broadcast_in_dim3A_583 = arith.constant true
        %broadcast_in_dim3A_584 = vector.broadcast %broadcast_in_dim3A_583 : i1 to vector<16xi1>
        %masked_cumsum3A_585 = tpu.scan <sum>, %add3A_582 masked %broadcast_in_dim3A_584 : vector<16xf32>, vector<16xi1> -> vector<16xf32>
        %lt3A_586 = arith.constant 0 : i32
        %lt3A_587 = vector.broadcast %lt3A_586 : i32 to vector<16xi32>
        %lt3A_588 = arith.cmpi slt, %broadcast_in_dim3A_3, %lt3A_587 : vector<16xi32>
        %add3A_589 = arith.constant 16 : i32
        %add3A_590 = vector.broadcast %add3A_589 : i32 to vector<16xi32>
        %add3A_591 = arith.addi %broadcast_in_dim3A_3, %add3A_590 : vector<16xi32>
        %select_n3A_592 = arith.select %lt3A_588, %add3A_591, %broadcast_in_dim3A_3 : vector<16xi1>, vector<16xi32>
        %broadcast_in_dim3A_593 = vector.shape_cast %select_n3A_592 : vector<16xi32> to vector<16x1xi32>
        %gather3A_594 = vector.shape_cast %broadcast_in_dim3A_593 : vector<16x1xi32> to vector<16xi32>
        %gather3A_595 = tpu.dynamic_gather %masked_cumsum3A_585[%gather3A_594] in [0] : vector<16xf32>, vector<16xi32> -> vector<16xf32>
        %eq3A_596 = arith.constant 9 : i32
        %eq3A_597 = vector.broadcast %eq3A_596 : i32 to vector<16xi32>
        %eq3A_598 = arith.cmpi eq, %iota3A, %eq3A_597 : vector<16xi32>
        %select_n3A_599 = arith.select %eq3A_598, %gather3A_595, %select_n3A_561 : vector<16xi1>, vector<16xf32>
        %mul3A_600 = arith.constant 16 : i32
        %mul3A_601 = arith.muli %scan3A_221, %mul3A_600 : i32
        %add3A_602 = arith.constant 10 : i32
        %add3A_603 = arith.addi %mul3A_601, %add3A_602 : i32
        %get3A_604 = arith.index_cast %add3A_603 : i32 to index
        %get3A_605 = arith.constant 0 : index
        %get3A_606 = tpu.vector_load %arg13[%get3A_604, %get3A_605] {strides = array<i32>} : memref<512x64xbf16, #tpu.memory_space<vmem>>, vector<32xbf16>,
        %unpack3A_607 = tpu.unpack_subelements %get3A_606, 0 {pack_format = #tpu.pack_format<interleaved>} : vector<32xbf16> -> vector<16xf32>
        %unpack3A_608 = tpu.unpack_subelements %get3A_606, 1 {pack_format = #tpu.pack_format<interleaved>} : vector<32xbf16> -> vector<16xf32>
        %mul3A_609 = arith.mulf %unpack3A_607, %unpack3A_185 : vector<16xf32>
        %mul3A_610 = arith.mulf %unpack3A_608, %unpack3A_186 : vector<16xf32>
        %add3A_611 = arith.addf %mul3A_609, %mul3A_610 : vector<16xf32>
        %get3A_612 = arith.index_cast %add3A_603 : i32 to index
        %get3A_613 = arith.constant 32 : index
        %get3A_614 = tpu.vector_load %arg13[%get3A_612, %get3A_613] {strides = array<i32>} : memref<512x64xbf16, #tpu.memory_space<vmem>>, vector<32xbf16>,
        %unpack3A_615 = tpu.unpack_subelements %get3A_614, 0 {pack_format = #tpu.pack_format<interleaved>} : vector<32xbf16> -> vector<16xf32>
        %unpack3A_616 = tpu.unpack_subelements %get3A_614, 1 {pack_format = #tpu.pack_format<interleaved>} : vector<32xbf16> -> vector<16xf32>
        %mul3A_617 = arith.mulf %unpack3A_615, %unpack3A_190 : vector<16xf32>
        %mul3A_618 = arith.mulf %unpack3A_616, %unpack3A_191 : vector<16xf32>
        %add3A_619 = arith.addf %mul3A_617, %mul3A_618 : vector<16xf32>
        %add3A_620 = arith.addf %add3A_611, %add3A_619 : vector<16xf32>
        %broadcast_in_dim3A_621 = arith.constant true
        %broadcast_in_dim3A_622 = vector.broadcast %broadcast_in_dim3A_621 : i1 to vector<16xi1>
        %masked_cumsum3A_623 = tpu.scan <sum>, %add3A_620 masked %broadcast_in_dim3A_622 : vector<16xf32>, vector<16xi1> -> vector<16xf32>
        %lt3A_624 = arith.constant 0 : i32
        %lt3A_625 = vector.broadcast %lt3A_624 : i32 to vector<16xi32>
        %lt3A_626 = arith.cmpi slt, %broadcast_in_dim3A_3, %lt3A_625 : vector<16xi32>
        %add3A_627 = arith.constant 16 : i32
        %add3A_628 = vector.broadcast %add3A_627 : i32 to vector<16xi32>
        %add3A_629 = arith.addi %broadcast_in_dim3A_3, %add3A_628 : vector<16xi32>
        %select_n3A_630 = arith.select %lt3A_626, %add3A_629, %broadcast_in_dim3A_3 : vector<16xi1>, vector<16xi32>
        %broadcast_in_dim3A_631 = vector.shape_cast %select_n3A_630 : vector<16xi32> to vector<16x1xi32>
        %gather3A_632 = vector.shape_cast %broadcast_in_dim3A_631 : vector<16x1xi32> to vector<16xi32>
        %gather3A_633 = tpu.dynamic_gather %masked_cumsum3A_623[%gather3A_632] in [0] : vector<16xf32>, vector<16xi32> -> vector<16xf32>
        %eq3A_634 = arith.constant 10 : i32
        %eq3A_635 = vector.broadcast %eq3A_634 : i32 to vector<16xi32>
        %eq3A_636 = arith.cmpi eq, %iota3A, %eq3A_635 : vector<16xi32>
        %select_n3A_637 = arith.select %eq3A_636, %gather3A_633, %select_n3A_599 : vector<16xi1>, vector<16xf32>
        %mul3A_638 = arith.constant 16 : i32
        %mul3A_639 = arith.muli %scan3A_221, %mul3A_638 : i32
        %add3A_640 = arith.constant 11 : i32
        %add3A_641 = arith.addi %mul3A_639, %add3A_640 : i32
        %get3A_642 = arith.index_cast %add3A_641 : i32 to index
        %get3A_643 = arith.constant 0 : index
        %get3A_644 = tpu.vector_load %arg13[%get3A_642, %get3A_643] {strides = array<i32>} : memref<512x64xbf16, #tpu.memory_space<vmem>>, vector<32xbf16>,
        %unpack3A_645 = tpu.unpack_subelements %get3A_644, 0 {pack_format = #tpu.pack_format<interleaved>} : vector<32xbf16> -> vector<16xf32>
        %unpack3A_646 = tpu.unpack_subelements %get3A_644, 1 {pack_format = #tpu.pack_format<interleaved>} : vector<32xbf16> -> vector<16xf32>
        %mul3A_647 = arith.mulf %unpack3A_645, %unpack3A_185 : vector<16xf32>
        %mul3A_648 = arith.mulf %unpack3A_646, %unpack3A_186 : vector<16xf32>
        %add3A_649 = arith.addf %mul3A_647, %mul3A_648 : vector<16xf32>
        %get3A_650 = arith.index_cast %add3A_641 : i32 to index
        %get3A_651 = arith.constant 32 : index
        %get3A_652 = tpu.vector_load %arg13[%get3A_650, %get3A_651] {strides = array<i32>} : memref<512x64xbf16, #tpu.memory_space<vmem>>, vector<32xbf16>,
        %unpack3A_653 = tpu.unpack_subelements %get3A_652, 0 {pack_format = #tpu.pack_format<interleaved>} : vector<32xbf16> -> vector<16xf32>
        %unpack3A_654 = tpu.unpack_subelements %get3A_652, 1 {pack_format = #tpu.pack_format<interleaved>} : vector<32xbf16> -> vector<16xf32>
        %mul3A_655 = arith.mulf %unpack3A_653, %unpack3A_190 : vector<16xf32>
        %mul3A_656 = arith.mulf %unpack3A_654, %unpack3A_191 : vector<16xf32>
        %add3A_657 = arith.addf %mul3A_655, %mul3A_656 : vector<16xf32>
        %add3A_658 = arith.addf %add3A_649, %add3A_657 : vector<16xf32>
        %broadcast_in_dim3A_659 = arith.constant true
        %broadcast_in_dim3A_660 = vector.broadcast %broadcast_in_dim3A_659 : i1 to vector<16xi1>
        %masked_cumsum3A_661 = tpu.scan <sum>, %add3A_658 masked %broadcast_in_dim3A_660 : vector<16xf32>, vector<16xi1> -> vector<16xf32>
        %lt3A_662 = arith.constant 0 : i32
        %lt3A_663 = vector.broadcast %lt3A_662 : i32 to vector<16xi32>
        %lt3A_664 = arith.cmpi slt, %broadcast_in_dim3A_3, %lt3A_663 : vector<16xi32>
        %add3A_665 = arith.constant 16 : i32
        %add3A_666 = vector.broadcast %add3A_665 : i32 to vector<16xi32>
        %add3A_667 = arith.addi %broadcast_in_dim3A_3, %add3A_666 : vector<16xi32>
        %select_n3A_668 = arith.select %lt3A_664, %add3A_667, %broadcast_in_dim3A_3 : vector<16xi1>, vector<16xi32>
        %broadcast_in_dim3A_669 = vector.shape_cast %select_n3A_668 : vector<16xi32> to vector<16x1xi32>
        %gather3A_670 = vector.shape_cast %broadcast_in_dim3A_669 : vector<16x1xi32> to vector<16xi32>
        %gather3A_671 = tpu.dynamic_gather %masked_cumsum3A_661[%gather3A_670] in [0] : vector<16xf32>, vector<16xi32> -> vector<16xf32>
        %eq3A_672 = arith.constant 11 : i32
        %eq3A_673 = vector.broadcast %eq3A_672 : i32 to vector<16xi32>
        %eq3A_674 = arith.cmpi eq, %iota3A, %eq3A_673 : vector<16xi32>
        %select_n3A_675 = arith.select %eq3A_674, %gather3A_671, %select_n3A_637 : vector<16xi1>, vector<16xf32>
        %mul3A_676 = arith.constant 16 : i32
        %mul3A_677 = arith.muli %scan3A_221, %mul3A_676 : i32
        %add3A_678 = arith.constant 12 : i32
        %add3A_679 = arith.addi %mul3A_677, %add3A_678 : i32
        %get3A_680 = arith.index_cast %add3A_679 : i32 to index
        %get3A_681 = arith.constant 0 : index
        %get3A_682 = tpu.vector_load %arg13[%get3A_680, %get3A_681] {strides = array<i32>} : memref<512x64xbf16, #tpu.memory_space<vmem>>, vector<32xbf16>,
        %unpack3A_683 = tpu.unpack_subelements %get3A_682, 0 {pack_format = #tpu.pack_format<interleaved>} : vector<32xbf16> -> vector<16xf32>
        %unpack3A_684 = tpu.unpack_subelements %get3A_682, 1 {pack_format = #tpu.pack_format<interleaved>} : vector<32xbf16> -> vector<16xf32>
        %mul3A_685 = arith.mulf %unpack3A_683, %unpack3A_185 : vector<16xf32>
        %mul3A_686 = arith.mulf %unpack3A_684, %unpack3A_186 : vector<16xf32>
        %add3A_687 = arith.addf %mul3A_685, %mul3A_686 : vector<16xf32>
        %get3A_688 = arith.index_cast %add3A_679 : i32 to index
        %get3A_689 = arith.constant 32 : index
        %get3A_690 = tpu.vector_load %arg13[%get3A_688, %get3A_689] {strides = array<i32>} : memref<512x64xbf16, #tpu.memory_space<vmem>>, vector<32xbf16>,
        %unpack3A_691 = tpu.unpack_subelements %get3A_690, 0 {pack_format = #tpu.pack_format<interleaved>} : vector<32xbf16> -> vector<16xf32>
        %unpack3A_692 = tpu.unpack_subelements %get3A_690, 1 {pack_format = #tpu.pack_format<interleaved>} : vector<32xbf16> -> vector<16xf32>
        %mul3A_693 = arith.mulf %unpack3A_691, %unpack3A_190 : vector<16xf32>
        %mul3A_694 = arith.mulf %unpack3A_692, %unpack3A_191 : vector<16xf32>
        %add3A_695 = arith.addf %mul3A_693, %mul3A_694 : vector<16xf32>
        %add3A_696 = arith.addf %add3A_687, %add3A_695 : vector<16xf32>
        %broadcast_in_dim3A_697 = arith.constant true
        %broadcast_in_dim3A_698 = vector.broadcast %broadcast_in_dim3A_697 : i1 to vector<16xi1>
        %masked_cumsum3A_699 = tpu.scan <sum>, %add3A_696 masked %broadcast_in_dim3A_698 : vector<16xf32>, vector<16xi1> -> vector<16xf32>
        %lt3A_700 = arith.constant 0 : i32
        %lt3A_701 = vector.broadcast %lt3A_700 : i32 to vector<16xi32>
        %lt3A_702 = arith.cmpi slt, %broadcast_in_dim3A_3, %lt3A_701 : vector<16xi32>
        %add3A_703 = arith.constant 16 : i32
        %add3A_704 = vector.broadcast %add3A_703 : i32 to vector<16xi32>
        %add3A_705 = arith.addi %broadcast_in_dim3A_3, %add3A_704 : vector<16xi32>
        %select_n3A_706 = arith.select %lt3A_702, %add3A_705, %broadcast_in_dim3A_3 : vector<16xi1>, vector<16xi32>
        %broadcast_in_dim3A_707 = vector.shape_cast %select_n3A_706 : vector<16xi32> to vector<16x1xi32>
        %gather3A_708 = vector.shape_cast %broadcast_in_dim3A_707 : vector<16x1xi32> to vector<16xi32>
        %gather3A_709 = tpu.dynamic_gather %masked_cumsum3A_699[%gather3A_708] in [0] : vector<16xf32>, vector<16xi32> -> vector<16xf32>
        %eq3A_710 = arith.constant 12 : i32
        %eq3A_711 = vector.broadcast %eq3A_710 : i32 to vector<16xi32>
        %eq3A_712 = arith.cmpi eq, %iota3A, %eq3A_711 : vector<16xi32>
        %select_n3A_713 = arith.select %eq3A_712, %gather3A_709, %select_n3A_675 : vector<16xi1>, vector<16xf32>
        %mul3A_714 = arith.constant 16 : i32
        %mul3A_715 = arith.muli %scan3A_221, %mul3A_714 : i32
        %add3A_716 = arith.constant 13 : i32
        %add3A_717 = arith.addi %mul3A_715, %add3A_716 : i32
        %get3A_718 = arith.index_cast %add3A_717 : i32 to index
        %get3A_719 = arith.constant 0 : index
        %get3A_720 = tpu.vector_load %arg13[%get3A_718, %get3A_719] {strides = array<i32>} : memref<512x64xbf16, #tpu.memory_space<vmem>>, vector<32xbf16>,
        %unpack3A_721 = tpu.unpack_subelements %get3A_720, 0 {pack_format = #tpu.pack_format<interleaved>} : vector<32xbf16> -> vector<16xf32>
        %unpack3A_722 = tpu.unpack_subelements %get3A_720, 1 {pack_format = #tpu.pack_format<interleaved>} : vector<32xbf16> -> vector<16xf32>
        %mul3A_723 = arith.mulf %unpack3A_721, %unpack3A_185 : vector<16xf32>
        %mul3A_724 = arith.mulf %unpack3A_722, %unpack3A_186 : vector<16xf32>
        %add3A_725 = arith.addf %mul3A_723, %mul3A_724 : vector<16xf32>
        %get3A_726 = arith.index_cast %add3A_717 : i32 to index
        %get3A_727 = arith.constant 32 : index
        %get3A_728 = tpu.vector_load %arg13[%get3A_726, %get3A_727] {strides = array<i32>} : memref<512x64xbf16, #tpu.memory_space<vmem>>, vector<32xbf16>,
        %unpack3A_729 = tpu.unpack_subelements %get3A_728, 0 {pack_format = #tpu.pack_format<interleaved>} : vector<32xbf16> -> vector<16xf32>
        %unpack3A_730 = tpu.unpack_subelements %get3A_728, 1 {pack_format = #tpu.pack_format<interleaved>} : vector<32xbf16> -> vector<16xf32>
        %mul3A_731 = arith.mulf %unpack3A_729, %unpack3A_190 : vector<16xf32>
        %mul3A_732 = arith.mulf %unpack3A_730, %unpack3A_191 : vector<16xf32>
        %add3A_733 = arith.addf %mul3A_731, %mul3A_732 : vector<16xf32>
        %add3A_734 = arith.addf %add3A_725, %add3A_733 : vector<16xf32>
        %broadcast_in_dim3A_735 = arith.constant true
        %broadcast_in_dim3A_736 = vector.broadcast %broadcast_in_dim3A_735 : i1 to vector<16xi1>
        %masked_cumsum3A_737 = tpu.scan <sum>, %add3A_734 masked %broadcast_in_dim3A_736 : vector<16xf32>, vector<16xi1> -> vector<16xf32>
        %lt3A_738 = arith.constant 0 : i32
        %lt3A_739 = vector.broadcast %lt3A_738 : i32 to vector<16xi32>
        %lt3A_740 = arith.cmpi slt, %broadcast_in_dim3A_3, %lt3A_739 : vector<16xi32>
        %add3A_741 = arith.constant 16 : i32
        %add3A_742 = vector.broadcast %add3A_741 : i32 to vector<16xi32>
        %add3A_743 = arith.addi %broadcast_in_dim3A_3, %add3A_742 : vector<16xi32>
        %select_n3A_744 = arith.select %lt3A_740, %add3A_743, %broadcast_in_dim3A_3 : vector<16xi1>, vector<16xi32>
        %broadcast_in_dim3A_745 = vector.shape_cast %select_n3A_744 : vector<16xi32> to vector<16x1xi32>
        %gather3A_746 = vector.shape_cast %broadcast_in_dim3A_745 : vector<16x1xi32> to vector<16xi32>
        %gather3A_747 = tpu.dynamic_gather %masked_cumsum3A_737[%gather3A_746] in [0] : vector<16xf32>, vector<16xi32> -> vector<16xf32>
        %eq3A_748 = arith.constant 13 : i32
        %eq3A_749 = vector.broadcast %eq3A_748 : i32 to vector<16xi32>
        %eq3A_750 = arith.cmpi eq, %iota3A, %eq3A_749 : vector<16xi32>
        %select_n3A_751 = arith.select %eq3A_750, %gather3A_747, %select_n3A_713 : vector<16xi1>, vector<16xf32>
        %mul3A_752 = arith.constant 16 : i32
        %mul3A_753 = arith.muli %scan3A_221, %mul3A_752 : i32
        %add3A_754 = arith.constant 14 : i32
        %add3A_755 = arith.addi %mul3A_753, %add3A_754 : i32
        %get3A_756 = arith.index_cast %add3A_755 : i32 to index
        %get3A_757 = arith.constant 0 : index
        %get3A_758 = tpu.vector_load %arg13[%get3A_756, %get3A_757] {strides = array<i32>} : memref<512x64xbf16, #tpu.memory_space<vmem>>, vector<32xbf16>,
        %unpack3A_759 = tpu.unpack_subelements %get3A_758, 0 {pack_format = #tpu.pack_format<interleaved>} : vector<32xbf16> -> vector<16xf32>
        %unpack3A_760 = tpu.unpack_subelements %get3A_758, 1 {pack_format = #tpu.pack_format<interleaved>} : vector<32xbf16> -> vector<16xf32>
        %mul3A_761 = arith.mulf %unpack3A_759, %unpack3A_185 : vector<16xf32>
        %mul3A_762 = arith.mulf %unpack3A_760, %unpack3A_186 : vector<16xf32>
        %add3A_763 = arith.addf %mul3A_761, %mul3A_762 : vector<16xf32>
        %get3A_764 = arith.index_cast %add3A_755 : i32 to index
        %get3A_765 = arith.constant 32 : index
        %get3A_766 = tpu.vector_load %arg13[%get3A_764, %get3A_765] {strides = array<i32>} : memref<512x64xbf16, #tpu.memory_space<vmem>>, vector<32xbf16>,
        %unpack3A_767 = tpu.unpack_subelements %get3A_766, 0 {pack_format = #tpu.pack_format<interleaved>} : vector<32xbf16> -> vector<16xf32>
        %unpack3A_768 = tpu.unpack_subelements %get3A_766, 1 {pack_format = #tpu.pack_format<interleaved>} : vector<32xbf16> -> vector<16xf32>
        %mul3A_769 = arith.mulf %unpack3A_767, %unpack3A_190 : vector<16xf32>
        %mul3A_770 = arith.mulf %unpack3A_768, %unpack3A_191 : vector<16xf32>
        %add3A_771 = arith.addf %mul3A_769, %mul3A_770 : vector<16xf32>
        %add3A_772 = arith.addf %add3A_763, %add3A_771 : vector<16xf32>
        %broadcast_in_dim3A_773 = arith.constant true
        %broadcast_in_dim3A_774 = vector.broadcast %broadcast_in_dim3A_773 : i1 to vector<16xi1>
        %masked_cumsum3A_775 = tpu.scan <sum>, %add3A_772 masked %broadcast_in_dim3A_774 : vector<16xf32>, vector<16xi1> -> vector<16xf32>
        %lt3A_776 = arith.constant 0 : i32
        %lt3A_777 = vector.broadcast %lt3A_776 : i32 to vector<16xi32>
        %lt3A_778 = arith.cmpi slt, %broadcast_in_dim3A_3, %lt3A_777 : vector<16xi32>
        %add3A_779 = arith.constant 16 : i32
        %add3A_780 = vector.broadcast %add3A_779 : i32 to vector<16xi32>
        %add3A_781 = arith.addi %broadcast_in_dim3A_3, %add3A_780 : vector<16xi32>
        %select_n3A_782 = arith.select %lt3A_778, %add3A_781, %broadcast_in_dim3A_3 : vector<16xi1>, vector<16xi32>
        %broadcast_in_dim3A_783 = vector.shape_cast %select_n3A_782 : vector<16xi32> to vector<16x1xi32>
        %gather3A_784 = vector.shape_cast %broadcast_in_dim3A_783 : vector<16x1xi32> to vector<16xi32>
        %gather3A_785 = tpu.dynamic_gather %masked_cumsum3A_775[%gather3A_784] in [0] : vector<16xf32>, vector<16xi32> -> vector<16xf32>
        %eq3A_786 = arith.constant 14 : i32
        %eq3A_787 = vector.broadcast %eq3A_786 : i32 to vector<16xi32>
        %eq3A_788 = arith.cmpi eq, %iota3A, %eq3A_787 : vector<16xi32>
        %select_n3A_789 = arith.select %eq3A_788, %gather3A_785, %select_n3A_751 : vector<16xi1>, vector<16xf32>
        %mul3A_790 = arith.constant 16 : i32
        %mul3A_791 = arith.muli %scan3A_221, %mul3A_790 : i32
        %add3A_792 = arith.constant 15 : i32
        %add3A_793 = arith.addi %mul3A_791, %add3A_792 : i32
        %get3A_794 = arith.index_cast %add3A_793 : i32 to index
        %get3A_795 = arith.constant 0 : index
        %get3A_796 = tpu.vector_load %arg13[%get3A_794, %get3A_795] {strides = array<i32>} : memref<512x64xbf16, #tpu.memory_space<vmem>>, vector<32xbf16>,
        %unpack3A_797 = tpu.unpack_subelements %get3A_796, 0 {pack_format = #tpu.pack_format<interleaved>} : vector<32xbf16> -> vector<16xf32>
        %unpack3A_798 = tpu.unpack_subelements %get3A_796, 1 {pack_format = #tpu.pack_format<interleaved>} : vector<32xbf16> -> vector<16xf32>
        %mul3A_799 = arith.mulf %unpack3A_797, %unpack3A_185 : vector<16xf32>
        %mul3A_800 = arith.mulf %unpack3A_798, %unpack3A_186 : vector<16xf32>
        %add3A_801 = arith.addf %mul3A_799, %mul3A_800 : vector<16xf32>
        %get3A_802 = arith.index_cast %add3A_793 : i32 to index
        %get3A_803 = arith.constant 32 : index
        %get3A_804 = tpu.vector_load %arg13[%get3A_802, %get3A_803] {strides = array<i32>} : memref<512x64xbf16, #tpu.memory_space<vmem>>, vector<32xbf16>,
        %unpack3A_805 = tpu.unpack_subelements %get3A_804, 0 {pack_format = #tpu.pack_format<interleaved>} : vector<32xbf16> -> vector<16xf32>
        %unpack3A_806 = tpu.unpack_subelements %get3A_804, 1 {pack_format = #tpu.pack_format<interleaved>} : vector<32xbf16> -> vector<16xf32>
        %mul3A_807 = arith.mulf %unpack3A_805, %unpack3A_190 : vector<16xf32>
        %mul3A_808 = arith.mulf %unpack3A_806, %unpack3A_191 : vector<16xf32>
        %add3A_809 = arith.addf %mul3A_807, %mul3A_808 : vector<16xf32>
        %add3A_810 = arith.addf %add3A_801, %add3A_809 : vector<16xf32>
        %broadcast_in_dim3A_811 = arith.constant true
        %broadcast_in_dim3A_812 = vector.broadcast %broadcast_in_dim3A_811 : i1 to vector<16xi1>
        %masked_cumsum3A_813 = tpu.scan <sum>, %add3A_810 masked %broadcast_in_dim3A_812 : vector<16xf32>, vector<16xi1> -> vector<16xf32>
        %lt3A_814 = arith.constant 0 : i32
        %lt3A_815 = vector.broadcast %lt3A_814 : i32 to vector<16xi32>
        %lt3A_816 = arith.cmpi slt, %broadcast_in_dim3A_3, %lt3A_815 : vector<16xi32>
        %add3A_817 = arith.constant 16 : i32
        %add3A_818 = vector.broadcast %add3A_817 : i32 to vector<16xi32>
        %add3A_819 = arith.addi %broadcast_in_dim3A_3, %add3A_818 : vector<16xi32>
        %select_n3A_820 = arith.select %lt3A_816, %add3A_819, %broadcast_in_dim3A_3 : vector<16xi1>, vector<16xi32>
        %broadcast_in_dim3A_821 = vector.shape_cast %select_n3A_820 : vector<16xi32> to vector<16x1xi32>
        %gather3A_822 = vector.shape_cast %broadcast_in_dim3A_821 : vector<16x1xi32> to vector<16xi32>
        %gather3A_823 = tpu.dynamic_gather %masked_cumsum3A_813[%gather3A_822] in [0] : vector<16xf32>, vector<16xi32> -> vector<16xf32>
        %eq3A_824 = arith.constant 15 : i32
        %eq3A_825 = vector.broadcast %eq3A_824 : i32 to vector<16xi32>
        %eq3A_826 = arith.cmpi eq, %iota3A, %eq3A_825 : vector<16xi32>
        %select_n3A_827 = arith.select %eq3A_826, %gather3A_823, %select_n3A_789 : vector<16xi1>, vector<16xf32>
        %mul3A_828 = arith.constant 512 : i32
        %mul3A_829 = arith.muli %rem3A_145, %mul3A_828 : i32
        %mul3A_830 = arith.constant 16 : i32
        %mul3A_831 = arith.muli %scan3A_221, %mul3A_830 : i32
        %add3A_832 = arith.addi %mul3A_829, %mul3A_831 : i32
        %add3A_833 = vector.broadcast %add3A_832 : i32 to vector<16xi32>
        %add3A_834 = arith.addi %add3A_833, %iota3A : vector<16xi32>
        tpu.vector_store_idx %arg14[%add3A_834], %select_n3A_827 : memref<1024xf32, #tpu.memory_space<vmem>>[vector<16xi32>], vector<16xf32>,
      }
      %scan3A_197 = arith.constant 32 : i32
      %add3A_198 = arith.constant 1 : i32
      %add3A_199 = arith.addi %scan3A_143, %add3A_198 : i32
      %lt3A_200 = arith.constant 32 : i32
      %lt3A_201 = arith.cmpi slt, %add3A_199, %lt3A_200 : i32
      %convert_element_type3A_202 = arith.extui %lt3A_201 : i1 to i32
      %cond3A_203 = arith.constant 0 : i32
      %cond3A_204 = arith.cmpi ne, %convert_element_type3A_202, %cond3A_203 : i32
      scf.if %cond3A_204 {
        %add3A_221 = arith.constant 1 : i32
        %add3A_222 = arith.addi %scan3A_143, %add3A_221 : i32
        %dma_start3A_223 = arith.constant 0 : i32
        %dma_start3A_224 = arith.constant 0 : i32
        %dma_start3A_225 = arith.constant 0 : i32
        %dma_start3A_226 = tpu.memref_slice %arg13[%dma_start3A_224, %dma_start3A_225] : memref<512x64xbf16, #tpu.memory_space<vmem>> -> memref<128x64xbf16, #tpu.memory_space<vmem>>
        %dma_start3A_227 = arith.constant 0 : i32
        %dma_start3A_228 = tpu.memref_slice %arg9[%add3A_222, %dma_start3A_223, %dma_start3A_227] : memref<32x4x128xi32, #tpu.memory_space<vmem>> -> memref<1x1x128xi32, #tpu.memory_space<vmem>>
        %dma_start3A_229 = tpu.memref_squeeze %dma_start3A_228 : memref<1x1x128xi32, #tpu.memory_space<vmem>> -> memref<128xi32, #tpu.memory_space<vmem>>
        %dma_start3A_230 = arith.constant 0 : i32
        %dma_start3A_231 = arith.constant 0 : i32
        %dma_start3A_232 = tpu.memref_slice %arg3[%dma_start3A_230, %dma_start3A_231] : memref<100000x64xbf16, #tpu.memory_space<hbm>> -> memref<100000x64xbf16, #tpu.memory_space<hbm>>
        tpu.enqueue_indirect_dma source(%dma_start3A_232 : memref<100000x64xbf16, #tpu.memory_space<hbm>>) target(%dma_start3A_226 : memref<128x64xbf16, #tpu.memory_space<vmem>>) offsets(%dma_start3A_229 : memref<128xi32, #tpu.memory_space<vmem>>) semaphore(%arg17 : memref<!tpu.dma_semaphore, #tpu.memory_space<semaphore_mem>>)
        %dma_start3A_233 = arith.constant 1 : i32
        %dma_start3A_234 = arith.constant 128 : i32
        %dma_start3A_235 = arith.constant 0 : i32
        %dma_start3A_236 = tpu.memref_slice %arg13[%dma_start3A_234, %dma_start3A_235] : memref<512x64xbf16, #tpu.memory_space<vmem>> -> memref<128x64xbf16, #tpu.memory_space<vmem>>
        %dma_start3A_237 = arith.constant 0 : i32
        %dma_start3A_238 = tpu.memref_slice %arg9[%add3A_222, %dma_start3A_233, %dma_start3A_237] : memref<32x4x128xi32, #tpu.memory_space<vmem>> -> memref<1x1x128xi32, #tpu.memory_space<vmem>>
        %dma_start3A_239 = tpu.memref_squeeze %dma_start3A_238 : memref<1x1x128xi32, #tpu.memory_space<vmem>> -> memref<128xi32, #tpu.memory_space<vmem>>
        %dma_start3A_240 = arith.constant 0 : i32
        %dma_start3A_241 = arith.constant 0 : i32
        %dma_start3A_242 = tpu.memref_slice %arg3[%dma_start3A_240, %dma_start3A_241] : memref<100000x64xbf16, #tpu.memory_space<hbm>> -> memref<100000x64xbf16, #tpu.memory_space<hbm>>
        tpu.enqueue_indirect_dma source(%dma_start3A_242 : memref<100000x64xbf16, #tpu.memory_space<hbm>>) target(%dma_start3A_236 : memref<128x64xbf16, #tpu.memory_space<vmem>>) offsets(%dma_start3A_239 : memref<128xi32, #tpu.memory_space<vmem>>) semaphore(%arg17 : memref<!tpu.dma_semaphore, #tpu.memory_space<semaphore_mem>>)
        %dma_start3A_243 = arith.constant 2 : i32
        %dma_start3A_244 = arith.constant 256 : i32
        %dma_start3A_245 = arith.constant 0 : i32
        %dma_start3A_246 = tpu.memref_slice %arg13[%dma_start3A_244, %dma_start3A_245] : memref<512x64xbf16, #tpu.memory_space<vmem>> -> memref<128x64xbf16, #tpu.memory_space<vmem>>
        %dma_start3A_247 = arith.constant 0 : i32
        %dma_start3A_248 = tpu.memref_slice %arg9[%add3A_222, %dma_start3A_243, %dma_start3A_247] : memref<32x4x128xi32, #tpu.memory_space<vmem>> -> memref<1x1x128xi32, #tpu.memory_space<vmem>>
        %dma_start3A_249 = tpu.memref_squeeze %dma_start3A_248 : memref<1x1x128xi32, #tpu.memory_space<vmem>> -> memref<128xi32, #tpu.memory_space<vmem>>
        %dma_start3A_250 = arith.constant 0 : i32
        %dma_start3A_251 = arith.constant 0 : i32
        %dma_start3A_252 = tpu.memref_slice %arg3[%dma_start3A_250, %dma_start3A_251] : memref<100000x64xbf16, #tpu.memory_space<hbm>> -> memref<100000x64xbf16, #tpu.memory_space<hbm>>
        tpu.enqueue_indirect_dma source(%dma_start3A_252 : memref<100000x64xbf16, #tpu.memory_space<hbm>>) target(%dma_start3A_246 : memref<128x64xbf16, #tpu.memory_space<vmem>>) offsets(%dma_start3A_249 : memref<128xi32, #tpu.memory_space<vmem>>) semaphore(%arg17 : memref<!tpu.dma_semaphore, #tpu.memory_space<semaphore_mem>>)
        %dma_start3A_253 = arith.constant 3 : i32
        %dma_start3A_254 = arith.constant 384 : i32
        %dma_start3A_255 = arith.constant 0 : i32
        %dma_start3A_256 = tpu.memref_slice %arg13[%dma_start3A_254, %dma_start3A_255] : memref<512x64xbf16, #tpu.memory_space<vmem>> -> memref<128x64xbf16, #tpu.memory_space<vmem>>
        %dma_start3A_257 = arith.constant 0 : i32
        %dma_start3A_258 = tpu.memref_slice %arg9[%add3A_222, %dma_start3A_253, %dma_start3A_257] : memref<32x4x128xi32, #tpu.memory_space<vmem>> -> memref<1x1x128xi32, #tpu.memory_space<vmem>>
        %dma_start3A_259 = tpu.memref_squeeze %dma_start3A_258 : memref<1x1x128xi32, #tpu.memory_space<vmem>> -> memref<128xi32, #tpu.memory_space<vmem>>
        %dma_start3A_260 = arith.constant 0 : i32
        %dma_start3A_261 = arith.constant 0 : i32
        %dma_start3A_262 = tpu.memref_slice %arg3[%dma_start3A_260, %dma_start3A_261] : memref<100000x64xbf16, #tpu.memory_space<hbm>> -> memref<100000x64xbf16, #tpu.memory_space<hbm>>
        tpu.enqueue_indirect_dma source(%dma_start3A_262 : memref<100000x64xbf16, #tpu.memory_space<hbm>>) target(%dma_start3A_256 : memref<128x64xbf16, #tpu.memory_space<vmem>>) offsets(%dma_start3A_259 : memref<128xi32, #tpu.memory_space<vmem>>) semaphore(%arg17 : memref<!tpu.dma_semaphore, #tpu.memory_space<semaphore_mem>>)
      } else {
      }
      %dma_start3A_205 = tpu.memref_slice %arg14[%mul3A_147] : memref<1024xf32, #tpu.memory_space<vmem>> -> memref<512xf32, #tpu.memory_space<vmem>>
      %dma_start3A_206 = arith.constant 0 : i32
      %dma_start3A_207 = tpu.memref_slice %arg7[%add3A_144, %dma_start3A_206] : memref<1024x512xf32, #tpu.memory_space<hbm>> -> memref<1x512xf32, #tpu.memory_space<hbm>>
      %dma_start3A_208 = tpu.memref_squeeze %dma_start3A_207 : memref<1x512xf32, #tpu.memory_space<hbm>> -> memref<512xf32, #tpu.memory_space<hbm>>
      %dma_start3A_209 = arith.constant 0 : i32
      %dma_start3A_210 = tpu.memref_slice %arg7[%add3A_144, %dma_start3A_209] : memref<1024x512xf32, #tpu.memory_space<hbm>> -> memref<1x512xf32, #tpu.memory_space<hbm>>
      %dma_start3A_211 = tpu.memref_squeeze %dma_start3A_210 : memref<1x512xf32, #tpu.memory_space<hbm>> -> memref<512xf32, #tpu.memory_space<hbm>>
      %dma_start3A_212 = tpu.memref_slice %arg14[%mul3A_147] : memref<1024xf32, #tpu.memory_space<vmem>> -> memref<512xf32, #tpu.memory_space<vmem>>
      tpu.enqueue_dma source(%dma_start3A_212 : memref<512xf32, #tpu.memory_space<vmem>>) target(%dma_start3A_211 : memref<512xf32, #tpu.memory_space<hbm>>) target_semaphore(%arg18 : memref<!tpu.dma_semaphore, #tpu.memory_space<semaphore_mem>>)
      %dma_start3A_213 = tpu.memref_slice %arg15[%mul3A_147] : memref<1024xf32, #tpu.memory_space<vmem>> -> memref<512xf32, #tpu.memory_space<vmem>>
      %dma_start3A_214 = arith.constant 0 : i32
      %dma_start3A_215 = tpu.memref_slice %arg8[%add3A_144, %dma_start3A_214] : memref<1024x512xf32, #tpu.memory_space<hbm>> -> memref<1x512xf32, #tpu.memory_space<hbm>>
      %dma_start3A_216 = tpu.memref_squeeze %dma_start3A_215 : memref<1x512xf32, #tpu.memory_space<hbm>> -> memref<512xf32, #tpu.memory_space<hbm>>
      %dma_start3A_217 = arith.constant 0 : i32
      %dma_start3A_218 = tpu.memref_slice %arg8[%add3A_144, %dma_start3A_217] : memref<1024x512xf32, #tpu.memory_space<hbm>> -> memref<1x512xf32, #tpu.memory_space<hbm>>
      %dma_start3A_219 = tpu.memref_squeeze %dma_start3A_218 : memref<1x512xf32, #tpu.memory_space<hbm>> -> memref<512xf32, #tpu.memory_space<hbm>>
      %dma_start3A_220 = tpu.memref_slice %arg15[%mul3A_147] : memref<1024xf32, #tpu.memory_space<vmem>> -> memref<512xf32, #tpu.memory_space<vmem>>
      tpu.enqueue_dma source(%dma_start3A_220 : memref<512xf32, #tpu.memory_space<vmem>>) target(%dma_start3A_219 : memref<512xf32, #tpu.memory_space<hbm>>) target_semaphore(%arg18 : memref<!tpu.dma_semaphore, #tpu.memory_space<semaphore_mem>>)
    }
    %scan3A_95 = arith.constant 32 : i32
    %add3A_96 = arith.constant 30 : i32
    %add3A_97 = arith.addi %mul3A_2, %add3A_96 : i32
    %dma_wait3A = arith.constant 0 : i32
    %dma_wait3A_98 = tpu.memref_slice %arg14[%dma_wait3A] : memref<1024xf32, #tpu.memory_space<vmem>> -> memref<512xf32, #tpu.memory_space<vmem>>
    %dma_wait3A_99 = arith.constant 0 : i32
    %dma_wait3A_100 = tpu.memref_slice %arg7[%add3A_97, %dma_wait3A_99] : memref<1024x512xf32, #tpu.memory_space<hbm>> -> memref<1x512xf32, #tpu.memory_space<hbm>>
    %dma_wait3A_101 = tpu.memref_squeeze %dma_wait3A_100 : memref<1x512xf32, #tpu.memory_space<hbm>> -> memref<512xf32, #tpu.memory_space<hbm>>
    %dma_wait3A_102 = arith.constant 0 : i32
    %dma_wait3A_103 = tpu.memref_slice %arg14[%dma_wait3A_102] : memref<1024xf32, #tpu.memory_space<vmem>> -> memref<512xf32, #tpu.memory_space<vmem>>
    %dma_wait3A_104 = arith.constant 0 : i32
    %dma_wait3A_105 = tpu.memref_slice %arg7[%add3A_97, %dma_wait3A_104] : memref<1024x512xf32, #tpu.memory_space<hbm>> -> memref<1x512xf32, #tpu.memory_space<hbm>>
    %dma_wait3A_106 = tpu.memref_squeeze %dma_wait3A_105 : memref<1x512xf32, #tpu.memory_space<hbm>> -> memref<512xf32, #tpu.memory_space<hbm>>
    tpu.wait_dma2 semaphore(%arg18 : memref<!tpu.dma_semaphore, #tpu.memory_space<semaphore_mem>>) src(%dma_wait3A_106 : memref<512xf32, #tpu.memory_space<hbm>>) dst(%dma_wait3A_103 : memref<512xf32, #tpu.memory_space<vmem>>)
    %add3A_107 = arith.constant 30 : i32
    %add3A_108 = arith.addi %mul3A_2, %add3A_107 : i32
    %dma_wait3A_109 = arith.constant 0 : i32
    %dma_wait3A_110 = tpu.memref_slice %arg15[%dma_wait3A_109] : memref<1024xf32, #tpu.memory_space<vmem>> -> memref<512xf32, #tpu.memory_space<vmem>>
    %dma_wait3A_111 = arith.constant 0 : i32
    %dma_wait3A_112 = tpu.memref_slice %arg8[%add3A_108, %dma_wait3A_111] : memref<1024x512xf32, #tpu.memory_space<hbm>> -> memref<1x512xf32, #tpu.memory_space<hbm>>
    %dma_wait3A_113 = tpu.memref_squeeze %dma_wait3A_112 : memref<1x512xf32, #tpu.memory_space<hbm>> -> memref<512xf32, #tpu.memory_space<hbm>>
    %dma_wait3A_114 = arith.constant 0 : i32
    %dma_wait3A_115 = tpu.memref_slice %arg15[%dma_wait3A_114] : memref<1024xf32, #tpu.memory_space<vmem>> -> memref<512xf32, #tpu.memory_space<vmem>>
    %dma_wait3A_116 = arith.constant 0 : i32
    %dma_wait3A_117 = tpu.memref_slice %arg8[%add3A_108, %dma_wait3A_116] : memref<1024x512xf32, #tpu.memory_space<hbm>> -> memref<1x512xf32, #tpu.memory_space<hbm>>
    %dma_wait3A_118 = tpu.memref_squeeze %dma_wait3A_117 : memref<1x512xf32, #tpu.memory_space<hbm>> -> memref<512xf32, #tpu.memory_space<hbm>>
    tpu.wait_dma2 semaphore(%arg18 : memref<!tpu.dma_semaphore, #tpu.memory_space<semaphore_mem>>) src(%dma_wait3A_118 : memref<512xf32, #tpu.memory_space<hbm>>) dst(%dma_wait3A_115 : memref<512xf32, #tpu.memory_space<vmem>>)
    %add3A_119 = arith.constant 31 : i32
    %add3A_120 = arith.addi %mul3A_2, %add3A_119 : i32
    %dma_wait3A_121 = arith.constant 512 : i32
    %dma_wait3A_122 = tpu.memref_slice %arg14[%dma_wait3A_121] : memref<1024xf32, #tpu.memory_space<vmem>> -> memref<512xf32, #tpu.memory_space<vmem>>
    %dma_wait3A_123 = arith.constant 0 : i32
    %dma_wait3A_124 = tpu.memref_slice %arg7[%add3A_120, %dma_wait3A_123] : memref<1024x512xf32, #tpu.memory_space<hbm>> -> memref<1x512xf32, #tpu.memory_space<hbm>>
    %dma_wait3A_125 = tpu.memref_squeeze %dma_wait3A_124 : memref<1x512xf32, #tpu.memory_space<hbm>> -> memref<512xf32, #tpu.memory_space<hbm>>
    %dma_wait3A_126 = arith.constant 512 : i32
    %dma_wait3A_127 = tpu.memref_slice %arg14[%dma_wait3A_126] : memref<1024xf32, #tpu.memory_space<vmem>> -> memref<512xf32, #tpu.memory_space<vmem>>
    %dma_wait3A_128 = arith.constant 0 : i32
    %dma_wait3A_129 = tpu.memref_slice %arg7[%add3A_120, %dma_wait3A_128] : memref<1024x512xf32, #tpu.memory_space<hbm>> -> memref<1x512xf32, #tpu.memory_space<hbm>>
    %dma_wait3A_130 = tpu.memref_squeeze %dma_wait3A_129 : memref<1x512xf32, #tpu.memory_space<hbm>> -> memref<512xf32, #tpu.memory_space<hbm>>
    tpu.wait_dma2 semaphore(%arg18 : memref<!tpu.dma_semaphore, #tpu.memory_space<semaphore_mem>>) src(%dma_wait3A_130 : memref<512xf32, #tpu.memory_space<hbm>>) dst(%dma_wait3A_127 : memref<512xf32, #tpu.memory_space<vmem>>)
    %add3A_131 = arith.constant 31 : i32
    %add3A_132 = arith.addi %mul3A_2, %add3A_131 : i32
    %dma_wait3A_133 = arith.constant 512 : i32
    %dma_wait3A_134 = tpu.memref_slice %arg15[%dma_wait3A_133] : memref<1024xf32, #tpu.memory_space<vmem>> -> memref<512xf32, #tpu.memory_space<vmem>>
    %dma_wait3A_135 = arith.constant 0 : i32
    %dma_wait3A_136 = tpu.memref_slice %arg8[%add3A_132, %dma_wait3A_135] : memref<1024x512xf32, #tpu.memory_space<hbm>> -> memref<1x512xf32, #tpu.memory_space<hbm>>
    %dma_wait3A_137 = tpu.memref_squeeze %dma_wait3A_136 : memref<1x512xf32, #tpu.memory_space<hbm>> -> memref<512xf32, #tpu.memory_space<hbm>>
    %dma_wait3A_138 = arith.constant 512 : i32
    %dma_wait3A_139 = tpu.memref_slice %arg15[%dma_wait3A_138] : memref<1024xf32, #tpu.memory_space<vmem>> -> memref<512xf32, #tpu.memory_space<vmem>>
    %dma_wait3A_140 = arith.constant 0 : i32
    %dma_wait3A_141 = tpu.memref_slice %arg8[%add3A_132, %dma_wait3A_140] : memref<1024x512xf32, #tpu.memory_space<hbm>> -> memref<1x512xf32, #tpu.memory_space<hbm>>
    %dma_wait3A_142 = tpu.memref_squeeze %dma_wait3A_141 : memref<1x512xf32, #tpu.memory_space<hbm>> -> memref<512xf32, #tpu.memory_space<hbm>>
    tpu.wait_dma2 semaphore(%arg18 : memref<!tpu.dma_semaphore, #tpu.memory_space<semaphore_mem>>) src(%dma_wait3A_142 : memref<512xf32, #tpu.memory_space<hbm>>) dst(%dma_wait3A_139 : memref<512xf32, #tpu.memory_space<vmem>>)
    return
  }
}

module attributes {stable_mosaic.version = 14 : i64} {
  func.func @body(%arg0: memref<1024x512xf32, #tpu.memory_space<vmem>>, %arg1: memref<1024x512xf32, #tpu.memory_space<vmem>>, %arg2: memref<1024x512xf32, #tpu.memory_space<vmem>>, %arg3: memref<1024x512xf32, #tpu.memory_space<vmem>>) attributes {dimension_semantics = [], scalar_prefetch = 0 : i64, scratch_operands = 0 : i64, tpu.core_type = #tpu.core_type<tc>} {
    %get3A = arith.constant 0 : index
    %get3A_0 = arith.constant 0 : index
    %get3A_1 = vector.load %arg0[%get3A, %get3A_0] : memref<1024x512xf32, #tpu.memory_space<vmem>>, vector<1024x512xf32>
    %mul3A = arith.constant 14.2857141 : f32
    %mul3A_2 = vector.broadcast %mul3A : f32 to vector<1024x512xf32>
    %mul3A_3 = arith.mulf %get3A_1, %mul3A_2 : vector<1024x512xf32>
    %exp3A = math.exp %mul3A_3 : vector<1024x512xf32>
    %get3A_4 = arith.constant 0 : index
    %get3A_5 = arith.constant 0 : index
    %get3A_6 = vector.load %arg1[%get3A_4, %get3A_5] : memref<1024x512xf32, #tpu.memory_space<vmem>>, vector<1024x512xf32>
    %mul3A_7 = arith.constant 14.2857141 : f32
    %mul3A_8 = vector.broadcast %mul3A_7 : f32 to vector<1024x512xf32>
    %mul3A_9 = arith.mulf %get3A_6, %mul3A_8 : vector<1024x512xf32>
    %exp3A_10 = math.exp %mul3A_9 : vector<1024x512xf32>
    %reduce_sum3A = vector.shape_cast %exp3A : vector<1024x512xf32> to vector<1x1024x512xf32>
    %reduce_sum3A_11 = arith.constant dense<0.000000e+00> : vector<1xf32>
    %reduce_sum3A_12 = vector.multi_reduction <add>, %reduce_sum3A, %reduce_sum3A_11 [1, 2] : vector<1x1024x512xf32> to vector<1xf32>
    %reduce_sum3A_13 = vector.shape_cast %reduce_sum3A_12 : vector<1xf32> to vector<1x1x1xf32>
    %reduce_sum3A_14 = vector.extract %reduce_sum3A_13[0, 0, 0] : f32 from vector<1x1x1xf32>
    %div3A = arith.constant 5.242880e+05 : f32
    %div3A_15 = arith.divf %reduce_sum3A_14, %div3A : f32
    %mul3A_16 = arith.constant 1.000000e+05 : f32
    %mul3A_17 = arith.mulf %div3A_15, %mul3A_16 : f32
    %reduce_sum3A_18 = vector.shape_cast %exp3A_10 : vector<1024x512xf32> to vector<1x1024x512xf32>
    %reduce_sum3A_19 = arith.constant dense<0.000000e+00> : vector<1xf32>
    %reduce_sum3A_20 = vector.multi_reduction <add>, %reduce_sum3A_18, %reduce_sum3A_19 [1, 2] : vector<1x1024x512xf32> to vector<1xf32>
    %reduce_sum3A_21 = vector.shape_cast %reduce_sum3A_20 : vector<1xf32> to vector<1x1x1xf32>
    %reduce_sum3A_22 = vector.extract %reduce_sum3A_21[0, 0, 0] : f32 from vector<1x1x1xf32>
    %div3A_23 = arith.constant 5.242880e+05 : f32
    %div3A_24 = arith.divf %reduce_sum3A_22, %div3A_23 : f32
    %mul3A_25 = arith.constant 1.000000e+05 : f32
    %mul3A_26 = arith.mulf %div3A_24, %mul3A_25 : f32
    %div3A_27 = vector.broadcast %mul3A_17 : f32 to vector<1024x512xf32>
    %div3A_28 = arith.divf %exp3A, %div3A_27 : vector<1024x512xf32>
    %swap3A = arith.constant 0 : index
    %swap3A_29 = arith.constant 0 : index
    %swap3A_30 = vector.load %arg2[%swap3A, %swap3A_29] : memref<1024x512xf32, #tpu.memory_space<vmem>>, vector<1024x512xf32>
    tpu.vector_store %arg2[%swap3A, %swap3A_29], %div3A_28 {strides = array<i32>} : memref<1024x512xf32, #tpu.memory_space<vmem>>, vector<1024x512xf32>,
    %div3A_31 = vector.broadcast %mul3A_26 : f32 to vector<1024x512xf32>
    %div3A_32 = arith.divf %exp3A_10, %div3A_31 : vector<1024x512xf32>
    %swap3A_33 = arith.constant 0 : index
    %swap3A_34 = arith.constant 0 : index
    %swap3A_35 = vector.load %arg3[%swap3A_33, %swap3A_34] : memref<1024x512xf32, #tpu.memory_space<vmem>>, vector<1024x512xf32>
    tpu.vector_store %arg3[%swap3A_33, %swap3A_34], %div3A_32 {strides = array<i32>} : memref<1024x512xf32, #tpu.memory_space<vmem>>, vector<1024x512xf32>,
    return
  }
}

</mosaic_0001>

<sc_bundles>
// kernel: kernel.4.cloned.1.call-start
scs
__scs_entry_jumppad:
0x0: {  	(pc) =	sbr.rel $0x88, $3  }
0x1: {  	(tag) =	ssettag $0x0;
	lr =	simm.s32 $0x1  }
0x2: {  	[smem:$0x3F9C] =	sst lr;
	_ =	strace $0xD0000000  }
0x3: {  	_ = 	snop  }
0x4: {  	_ = 	snop  }
0x5: {  	_ = 	snop  }
0x6: {  	_ = 	snop  }
0x7: {  	_ = 	snop  }
__scs_overlays_trampoline_lowered:
0x8: {  	[smem:$0x3FAB] =	sst s0  }
0x9: {  	[smem:$0x3FAC] =	sst s1  }
0xa: {  	[smem:$0x3FAD] =	sst s2  }
0xb: {  	[smem:$0x3FAE] =	sst s3  }
0xc: {  	[smem:$0x3FAF] =	sst s4  }
0xd: {  	[smem:$0x3FB0] =	sst s5  }
0xe: {  	[smem:$0x3FB1] =	sst s6  }
0xf: {  	[smem:$0x3FB2] =	sst s7  }
0x10: {  	[smem:$0x3FB3] =	sst s8  }
0x11: {  	[smem:$0x3FB4] =	sst s9;
	s0 =	simm.s32 @!p0 $0x0  }
0x12: {  	s1 =	sld [smem:$0x3F9A];
	s0 =	simm.s32 @p0 $0x1  }
0x13: {  	[smem:$0x3FB5] =	sst s0;
	s0 =	simm.s32 @!p1 $0x0  }
0x14: {  	s2 =	sld [smem:$0x3F99];
	s0 =	simm.s32 @p1 $0x1  }
0x15: {  	[smem:$0x3FB6] =	sst s0;
	s0 =	simm.s32 @!p2 $0x0  }
0x16: {  	s3 =	sld [smem:$0x3FDB];
	s0 =	simm.s32 @p2 $0x1  }
0x17: {  	s4 =	simm.s32 $0x1BF5;
	[smem:$0x3FB8] =	sst s0  }
0x18: {  	s0 =	sld [smem:$0x3F9B];
	_ =	swait.ge [sflag:s4], $0x0  }
0x19: {  	s7 =	sld [smem:$0x3F9C]  }
0x1a: {  	s8 =	sadd.s32 $0xFFFFE003, lr  }
0x1b: {  	s9 =	sadd.s32 $0xFFFFFEF7, lr;
	s5 =	simm.s32 $0xFFFFFFFF;
	p2 =	slt.u32 s8, $0xFFFFF086  }
0x1c: {  	p1 =	slt.u32 s9, $0xF7A;
	s5 =	simm.s32 @!p2 $0x0  }
0x1d: {  	s5 =	simm.s32 @p1 $0x1;
	p0 =	seq.s32 s7, s2  }
0x1e: {  	s7 =	smul.u32 @!p0 $0xF7A, s2;
	p2 =	seq.s32 @!p0 s5, $0x0  }
0x1f: {  	s9 =	smul.u32 $0xF7A, s1;
	s8 =	simm.s32 @!p0 $0x1BF5;
	p2 =	por !p2, p0  }
0x20: {  	[sflag:s8] =	ssyncset.s32 @!p0 $0xFFFFF086;
	s6 =	sadd.s32 @!p0 s3, s7;
	s7 =	simm.s32 @!p0 $0x108  }
0x21: {  	s3 =	sadd.s32 s3, s9;
	s6 =	sadd.s32 @!p0 $0x88, s6;
	s7 =	simm.s32 @p2 $0x1082  }
0x22: {  	[simem:s7], [sflag:s8] =	dma.local @!p0 [hbm:s6], $0xF7A  }
0x23: {  	s9 =	sor.u32 $0xD0000000, s2;
	s6 =	simm.s32 $0x108;
	_ =	swait.ge @!p0 [sflag:s8], $0x0  }
0x24: {  	s3 =	sadd.s32 $0x88, s3;
	s6 =	simm.s32 @!p1 $0x1082;
	[sflag:s4] =	ssyncset.s32 $0xFFFFF086  }
0x25: {  	[simem:s6], [sflag:s4] =	dma.local [hbm:s3], $0xF7A  }
0x26: {  	[smem:$0x3F9C] =	sst s1;
	(tag) =	ssettag s2;
	_ =	strace s9  }
0x27: {  	s1 =	sld [smem:$0x3FAC]  }
0x28: {  	s2 =	sld [smem:$0x3FAD]  }
0x29: {  	s4 =	sld [smem:$0x3FAF]  }
0x2a: {  	p0 =	seq.s32 s5, $0x0;
	s5 =	sld [smem:$0x3FB0]  }
0x2b: {  	s6 =	sld [smem:$0x3FB1]  }
0x2c: {  	s7 =	sld [smem:$0x3FB2]  }
0x2d: {  	s3 =	simm.s32 $0x108;
	s8 =	sld [smem:$0x3FB3]  }
0x2e: {  	s3 =	simm.s32 @!p0 $0x1082;
	s9 =	sld [smem:$0x3FB4]  }
0x2f: {  	lr =	sadd.s32 s0, s3;
	s0 =	sld [smem:$0x3FAB]  }
0x30: {  	s3 =	sld [smem:$0x3FAE]  }
0x31: {  	[smem:$0x3FB7] =	sst s10  }
0x32: {  	s10 =	sld [smem:$0x3FB5];
	_ =	sdelay $0x3  }
0x33: {  	p0 =	seq.s32 s10, $0x1;
	s10 =	sld [smem:$0x3FB7];
	_ =	sdelay $0x3  }
0x34: {  	[smem:$0x3FB7] =	sst s10  }
0x35: {  	s10 =	sld [smem:$0x3FB6];
	_ =	sdelay $0x3  }
0x36: {  	p1 =	seq.s32 s10, $0x1;
	s10 =	sld [smem:$0x3FB7];
	_ =	sdelay $0x3  }
0x37: {  	[smem:$0x3FB7] =	sst s10  }
0x38: {  	s10 =	sld [smem:$0x3FB8]  }
0x39: {  	_ = 	snop;
	(pc) =	sbr.ind lr, $3  }
0x3a: {  	_ = 	snop  }
0x3b: {  	_ = 	snop  }
0x3c: {  	p2 =	seq.s32 s10, $0x1;
	s10 =	sld [smem:$0x3FB7]  }
0x3d: {  	_ =	shalt  }
0x3e: {  	_ =	shalt  }
0x3f: {  	_ =	shalt  }
0x40: {  	_ =	shalt  }
0x41: {  	_ =	shalt  }
0x42: {  	_ =	shalt  }
0x43: {  	_ =	shalt  }
0x44: {  	_ =	shalt  }
0x45: {  	_ =	shalt  }
0x46: {  	_ =	shalt  }
0x47: {  	_ =	shalt  }
0x48: {  	_ =	shalt  }
0x49: {  	_ =	shalt  }
0x4a: {  	_ =	shalt  }
0x4b: {  	_ =	shalt  }
0x4c: {  	_ =	shalt  }
0x4d: {  	_ =	shalt  }
0x4e: {  	_ =	shalt  }
0x4f: {  	_ =	shalt  }
0x50: {  	_ =	shalt  }
0x51: {  	_ =	shalt  }
0x52: {  	_ =	shalt  }
0x53: {  	_ =	shalt  }
0x54: {  	_ =	shalt  }
0x55: {  	_ =	shalt  }
0x56: {  	_ =	shalt  }
0x57: {  	_ =	shalt  }
0x58: {  	_ =	shalt  }
0x59: {  	_ =	shalt  }
0x5a: {  	_ =	shalt  }
0x5b: {  	_ =	shalt  }
0x5c: {  	_ =	shalt  }
0x5d: {  	_ =	shalt  }
0x5e: {  	_ =	shalt  }
0x5f: {  	_ =	shalt  }
0x60: {  	_ =	shalt  }
0x61: {  	_ =	shalt  }
0x62: {  	_ =	shalt  }
0x63: {  	_ =	shalt  }
0x64: {  	_ =	shalt  }
0x65: {  	_ =	shalt  }
0x66: {  	_ =	shalt  }
0x67: {  	_ =	shalt  }
0x68: {  	_ =	shalt  }
0x69: {  	_ =	shalt  }
0x6a: {  	_ =	shalt  }
0x6b: {  	_ =	shalt  }
0x6c: {  	_ =	shalt  }
0x6d: {  	_ =	shalt  }
0x6e: {  	_ =	shalt  }
0x6f: {  	_ =	shalt  }
0x70: {  	_ =	shalt  }
0x71: {  	_ =	shalt  }
0x72: {  	_ =	shalt  }
0x73: {  	_ =	shalt  }
0x74: {  	_ =	shalt  }
0x75: {  	_ =	shalt  }
0x76: {  	_ =	shalt  }
0x77: {  	_ =	shalt  }
0x78: {  	_ =	shalt  }
0x79: {  	_ =	shalt  }
0x7a: {  	_ =	shalt  }
0x7b: {  	_ =	shalt  }
0x7c: {  	_ =	shalt  }
0x7d: {  	_ =	shalt  }
0x7e: {  	_ =	shalt  }
0x7f: {  	_ =	shalt  }
0x80: {  	_ =	shalt  }
0x81: {  	_ =	shalt  }
0x82: {  	_ =	shalt  }
0x83: {  	_ =	shalt  }
0x84: {  	_ =	shalt  }
0x85: {  	_ =	shalt  }
0x86: {  	_ =	shalt  }
0x87: {  	_ =	shalt  }
.Lfunc_end0:
.L_simem_size_0:
called_computation_lowered:
.L_overlay_start_0:
0x88: {  	s2 =	sld [smem:$0x3FD9]  }
0x89: {  	s3 =	sld [smem:$0x3FFE];
	_ =	sdelay $0x1  }
0x8a: {  	s1 =	srdreg.scid  }
0x8b: {  	s0 =	sand.u32 $0x1, s1  }
0x8c: {  	s14 =	sshll.u32 s0, $0xA;
	s2 =	sadd.s32 s3, s2  }
0x8d: {  	s2 =	sadd.s32 s2, s14  }
0x8e: {  	[smem:$0x3FC3] =	sst s2  }
0x8f: {  	_ = 	snop  }
0x90: {  	s2 =	sld [smem:$0x3FD0];
	_ =	sdelay $0x2  }
0x91: {  	s15 =	simm.s32 $0xA;
	s4 =	simm.s32 $0x10  }
0x92: {  	[smem:s4], [sflag:s15] =	dma.local [hbm:s2], $0x1  }
0x93: {  	_ =	swait.eq [sflag:s15], $0x1  }
0x94: {  	[sflag:s15] =	ssyncset.done $0x0  }
0x95: {  	s16 =	sld [smem:$0x10];
	[sflag:s15] =	ssyncadd.s32 $0xFFFFFFFF  }
0x96: {  	s17 =	sld [smem:$0x11];
	(tm) =	ssettm $0x1  }
0x97: {  	s18 =	sld [smem:$0x3FFB];
	_ =	sdelay $0x3  }
0x98: {  	_ =	strace s18  }
0x99: {  	s4 =	sld [smem:$0x3FFC];
	_ =	sdelay $0x3  }
0x9a: {  	_ =	strace s4  }
0x9b: {  	s4 =	sld [smem:$0x3FFD];
	_ =	sdelay $0x3  }
0x9c: {  	_ =	strace s4  }
0x9d: {  	_ =	strace $0x8FFFFFFF  }
0x9e: {  	s19 =	sld [smem:$0x3FDB];
	_ =	sdelay $0x1  }
0x9f: {  	s5 =	simm.s32 $_scs_section_size  }
0xa0: {  	s6 =	simm.s32 $_size__tile_overlayer_lowered;
	s7 =	simm.s32 $_tile_overlayer_lowered  }
0xa1: {  	s22 =	simm.s32 $0x1BFF;
	s21 =	sshll.u32 s7, $0x1;
	s4 =	sadd.s32 s5, s19  }
0xa2: {  	s8 =	simm.s32 $0x0;
	s20 =	sshll.u32 s6, $0x1;
	s6 =	sadd.s32 s21, s4  }
0xa3: {  	[timem:s8], [sflag:s22] =	dma.local [hbm:s6], s20  }
0xa4: {  	_ =	swait.ge [sflag:s22], s20  }
0xa5: {  	s5 =	ssub.s32 $0x0, s20;
	[sflag:s22] =	ssyncset.done $0x0  }
0xa6: {  	[sflag:s22] =	ssyncadd.s32 s5;
	_ =	sdelay $0x1  }
0xa7: {  	s23 =	simm.s32 $0x1B8B  }
0xa8: {  	_ =	swait.ge [sflag:s23], $0x1  }
0xa9: {  	[sflag:s23] =	ssyncset.done $0x0  }
0xaa: {  	s25 =	simm.s32 $0x1B8E;
	s24 =	sld [smem:$0x3FFE];
	[sflag:s23] =	ssyncadd.s32 $0xFFFFFFFF  }
0xab: {  	s26 =	simm.s32 $execute0_lowered;
	[smem:$0x3FD2] =	sst s25  }
0xac: {  	s6 =	sshll.u32 s26, $0x1;
	_ =	strace $0x80000046;
	[dreg:$0x1] =	wrdreg $0xFFFFFFFF  }
0xad: {  	s28 =	simm.s32 $_size_execute0_lowered;
	s4 =	sadd.s32 s4, s6;
	[dreg:$0x0] =	wrdreg $0x0  }
0xae: {  	s6 =	sshll.u32 s28, $0x1;
	[dreg:$0x2] =	wrdreg s4  }
0xaf: {  	[dreg:$0x3] =	wrdreg s6  }
0xb0: {  	[dreg:$0x4] =	wrdreg $0xC0  }
0xb1: {  	_ =	task [dreg:s8], $0x5FFFF  }
0xb2: {  	[dreg:$0x1] =	wrdreg $0xFFFFFFFF  }
0xb3: {  	[dreg:$0x0] =	wrdreg $0x60  }
0xb4: {  	[dreg:$0x2] =	wrdreg s24  }
0xb5: {  	[dreg:$0x3] =	wrdreg s17  }
0xb6: {  	[dreg:$0x4] =	wrdreg s16  }
0xb7: {  	[dreg:$0x5] =	wrdreg $0x9  }
0xb8: {  	_ =	task.clear_ibuf [dreg:s8], $0x6FFFF;
	_ =	strace $0x90000046  }
0xb9: {  	s29 =	simm.s32 $0x9;
	_ =	strace $0x80000048  }
0xba: {  	_ =	swait.ge [sflag:s29], $0x1  }
0xbb: {  	[sflag:s29] =	ssyncadd.s32 $0xFFFFFFFF  }
0xbc: {  	_ =	strace $0x90000048  }
0xbd: {  	_ =	sfence  }
0xbe: {  	s30 =	sld [smem:$0x0];
	_ =	sdelay $0x2  }
0xbf: {  	s31 =	sshll.u32 s1, $0xD;
	s1 =	sshrl.u32 s1, $0x2  }
0xc0: {  	s3 =	sand.u32 $0x4000, s31;
	s1 =	sadd.s32 s1, s30  }
0xc1: {  	s0 =	sor.u32 s3, s0;
	s1 =	sshll.u32 s1, $0x11  }
0xc2: {  	s0 =	sor.u32 s1, s0  }
0xc3: {  	s0 =	sadd.s32 $0x8F2B, s0  }
0xc4: {  	[sflag:s0] =	ssyncadd.remote.s32 $0x1  }
0xc5: {  	_ =	sfence.sel $0xFFFF  }
0xc6: {  	[dreg:$0x0] =	wrdreg $0xFFFFFFFF;
	(pc) =	sbr.abs _section_cstart, $3  }
0xc7: {  	[dreg:$0x1] =	wrdreg $0xFFFFFFFF  }
0xc8: {  	_ =	task.clear_ibuf [dreg:s8], $0x2FFFF;
	_ =	strace $0x9FFFFFFF  }
0xc9: {  	(tm) =	ssettm $0x7FFFFFFF  }
tec
execute0_lowered:
.L_overlay_start_1:
0x0: {  	(tag) =	ssettag $0x1  }
0x1: {  	s0 =	rddreg [dreg:$0x0]  }
0x2: {  	s1 =	rddreg [dreg:$0x1]  }
0x3: {  	s2 =	rddreg [dreg:$0x2];
	s4 =	srdreg.scid  }
0x4: {  	s3 =	simm.s32 $0x0;
	s5 =	stileid.u32;
	s12 =	simm.s32 $0x4  }
0x5: {  	s15 =	simm.s32 $0x80;
	s20 =	simm.s32 $0x180;
	s28 =	simm.s32 $0xCC00  }
0x6: {  	s29 =	simm.s32 $0x2;
	s30 =	simm.s32 $0xC800;
	s31 =	simm.s32 $0x3  }
0x7: {  	s6 =	sand.u32 $0x1, s4;
	[smem:$0x7FF] =	sst s3;
	s23 =	sshll.u32 s5, $0x6  }
0x8: {  	v0 =	vimm.s32 $0xF;
	vm0 =	vmmov $0x1;
	s5 =	sadd.s32 $0x64800, s0;
	s24 =	sshll.u32 s6, $0x5;
	s8 =	ssub.s32 $0x2, s6  }
0x9: {  	vm1 =	vmmov $0x3;
	vm2 =	vmmov $0x7;
	vm3 =	vmmov $0xf;
	_ =	strace $0x80000047;
	s4 =	sor.u32 s24, s23;
	s9 =	sshrl.u32 s8, $0x1  }
0xa: {  	vm4 =	vmmov $0x1f;
	vm5 =	vmmov $0x3f;
	vm6 =	vmmov $0x7f;
	s6 =	sadd.s32 $0x2C00, s0;
	s7 =	sshll.u32 s4, $0x2;
	s25 =	ssub.s32 s8, s9  }
0xb: {  	vm7 =	vmmov $0xff;
	vm8 =	vmmov $0x1ff;
	vm9 =	vmmov $0x3ff;
	s26 =	sshll.u32 s4, $0x6;
	s10 =	sadd.s32 s7, s0;
	s7 =	sadd.s32 $0xC8400, s0  }
0xc: {  	vm10 =	vmmov $0x7ff;
	vm11 =	vmmov $0xfff;
	vm12 =	vmmov $0x1fff;
	s8 =	sadd.s32 s1, s26;
	s11 =	smax.u32 s25, $0x1;
	s26 =	simm.s32 $0x1  }
0xd: {  	vm13 =	vmmov $0x3fff;
	vm14 =	vmmov $0x7fff;
	v1 =	vlaneseq.u32;
	s0 =	simm.s32 $0x0;
	s9 =	sadd.s32 $0xC7400, s10;
	s10 =	sadd.s32 $0xC6400, s10  }
.LBB2_1:
0xe: {  	[tilespmem:s3], [sflag:$0x4] =	stream.linear.gather [hbm4b:s8+s3], $0x4000, $0x38;
	[tilespmem:$0xD000] =	vst v63  }
0xf: {  	_ =	swait.ge [sflag:s12], $0x4000  }
0x10: {  	[sflag:s12] =	ssyncset.done $0x0  }
0x11: {  	s1 =	simm.s32 $0x4000;
	[sflag:s12] =	ssyncadd.s32 $0xFFFFC000  }
0x12: {  	[tilespmem:s1], [sflag:$0x4] =	stream.linear.gather [hbm4b:s9+s3], $0x400, $0x38;
	[tilespmem:$0xD000] =	vst v63  }
0x13: {  	_ =	swait.ge [sflag:s12], $0x400  }
0x14: {  	[sflag:s12] =	ssyncset.done $0x0  }
0x15: {  	s16 =	simm.s32 $0x4400;
	[sflag:s12] =	ssyncadd.s32 $0xFFFFFC00  }
0x16: {  	[tilespmem:s16], [sflag:$0x4] =	stream.linear.gather [hbm4b:s10+s3], $0x400, $0x38;
	[tilespmem:$0xD000] =	vst v63  }
0x17: {  	_ =	swait.ge [sflag:s12], $0x400  }
0x18: {  	[sflag:s12] =	ssyncset.done $0x0  }
0x19: {  	s17 =	simm.s32 $0x4800;
	[sflag:s12] =	ssyncadd.s32 $0xFFFFFC00  }
0x1a: {  	[tilespmem:s17], [sflag:$0x1] =	stream.indirect.gather [hbm4b:s5+s15], $0x20, s3, s15, $0xb8;
	[tilespmem:$0xD000] =	vst v63  }
0x1b: {  	s18 =	simm.s32 $0x5800  }
0x1c: {  	[tilespmem:s18], [sflag:$0x1] =	stream.indirect.gather [hbm4b:s5+s15], $0x20, s15, s15, $0xb8;
	[tilespmem:$0xD000] =	vst v63  }
0x1d: {  	s19 =	simm.s32 $0x100;
	s13 =	simm.s32 $0x6800  }
0x1e: {  	[tilespmem:s13], [sflag:$0x1] =	stream.indirect.gather [hbm4b:s5+s15], $0x20, s19, s15, $0xb8;
	[tilespmem:$0xD000] =	vst v63  }
0x1f: {  	s21 =	simm.s32 $0x7800  }
0x20: {  	[tilespmem:s21], [sflag:$0x1] =	stream.indirect.gather [hbm4b:s5+s15], $0x20, s20, s15, $0xb8;
	[tilespmem:$0xD000] =	vst v63  }
0x21: {  	s22 =	simm.s32 $0x8800  }
0x22: {  	[tilespmem:s22], [sflag:$0x2] =	stream.indirect.gather [hbm4b:s6+s15], $0x20, s3, s15, $0xb8;
	[tilespmem:$0xD000] =	vst v63  }
0x23: {  	s23 =	simm.s32 $0x9800  }
0x24: {  	[tilespmem:s23], [sflag:$0x2] =	stream.indirect.gather [hbm4b:s6+s15], $0x20, s15, s15, $0xb8;
	[tilespmem:$0xD000] =	vst v63  }
0x25: {  	s24 =	simm.s32 $0xA800  }
0x26: {  	[tilespmem:s24], [sflag:$0x2] =	stream.indirect.gather [hbm4b:s6+s15], $0x20, s19, s15, $0xb8;
	[tilespmem:$0xD000] =	vst v63  }
0x27: {  	s25 =	simm.s32 $0xB800;
	p0 =	por $0x0, $0x0;
	s16 =	simm.s32 $0x0  }
0x28: {  	[tilespmem:s25], [sflag:$0x2] =	stream.indirect.gather [hbm4b:s6+s15], $0x20, s20, s15, $0xb8;
	[tilespmem:$0xD000] =	vst v63  }
.LBB2_2:
0x29: {  	p1 =	slt.u32 s16, $0x2  }
0x2a: {  	s1 =	simm.s32 @!p1 $0x3  }
0x2b: {  	_ =	swait.ge @!p1 [sflag:s1], $0x200  }
0x2c: {  	[sflag:s1] =	ssyncset.done @!p1 $0x0  }
0x2d: {  	[sflag:s1] =	ssyncadd.s32 @!p1 $0xFFFFFE00  }
0x2e: {  	_ =	swait.ge @!p1 [sflag:s1], $0x200  }
0x2f: {  	[sflag:s1] =	ssyncset.done @!p1 $0x0  }
0x30: {  	[sflag:s1] =	ssyncadd.s32 @!p1 $0xFFFFFE00  }
0x31: {  	_ =	swait.ge [sflag:s26], $0x4000  }
0x32: {  	s25 =	sshll.u32 s16, $0x6;
	[sflag:s26] =	ssyncset.done $0x0  }
0x33: {  	s17 =	sshrl.u32 s25, $0x1;
	s1 =	sor.u32 $0x20, s25;
	[sflag:s26] =	ssyncadd.s32 $0xFFFFC000  }
0x34: {  	s19 =	sshrl.u32 s1, $0x1;
	v2 =	vld [tilespmem:s17+$0x4400]  }
0x35: {  	s21 =	simm.s32 $0x4900;
	v3 =	vld [tilespmem:s19+$0x4400]  }
0x36: {  	v6 =	vld [tilespmem:s21+$0xE0]  }
0x37: {  	v7 =	vld [tilespmem:s21+$0xF0]  }
0x38: {  	v8 =	vld [tilespmem:s21+$0xC0];
	_ =	sdelay $0x1  }
0x39: {  	v12 =	vld [tilespmem:s21+$0x80]  }
0x3a: {  	v15 =	vld [tilespmem:s21+$0x60];
	v4 =	vunpack.i.u.bf16.f32 v2;
	v5 =	vunpack.i.l.bf16.f32 v2;
	v2 =	vunpack.i.u.bf16.f32 v3  }
0x3b: {  	v10 =	vld [tilespmem:s21+$0xD0];
	v9 =	vunpack.i.l.bf16.f32 v6;
	v3 =	vunpack.i.l.bf16.f32 v3;
	v6 =	vunpack.i.u.bf16.f32 v6  }
0x3c: {  	v11 =	vunpack.i.u.bf16.f32 v7;
	v7 =	vunpack.i.l.bf16.f32 v7;
	v13 =	vunpack.i.l.bf16.f32 v8  }
0x3d: {  	v8 =	vunpack.i.u.bf16.f32 v8;
	v9 =	vmul.f32 v9, v5;
	v6 =	vmul.f32 v6, v4  }
0x3e: {  	v14 =	vld [tilespmem:s21+$0x90];
	v16 =	vunpack.i.l.bf16.f32 v12;
	v7 =	vmul.f32 v7, v3;
	v11 =	vmul.f32 v11, v2  }
0x3f: {  	v18 =	vunpack.i.l.bf16.f32 v15;
	v13 =	vmul.f32 v13, v5;
	v8 =	vmul.f32 v8, v4  }
0x40: {  	v20 =	vld [tilespmem:s21+$0x0];
	v9 =	vadd.f32 v9, v6;
	v7 =	vadd.f32 v7, v11;
	v11 =	vunpack.i.u.bf16.f32 v10  }
0x41: {  	v6 =	vld [tilespmem:s21+$0xA0];
	v10 =	vunpack.i.l.bf16.f32 v10;
	v13 =	vadd.f32 v13, v8;
	v8 =	vmul.f32 v16, v5  }
0x42: {  	v15 =	vunpack.i.u.bf16.f32 v15;
	v10 =	vmul.f32 v10, v3;
	v11 =	vmul.f32 v11, v2  }
0x43: {  	v17 =	vld [tilespmem:s21+$0x70];
	v9 =	vadd.f32 v7, v9;
	v7 =	vunpack.i.u.bf16.f32 v12;
	v12 =	vunpack.i.l.bf16.f32 v14  }
0x44: {  	v10 =	vadd.f32 v10, v11;
	v7 =	vmul.f32 v7, v4;
	v11 =	vunpack.i.u.bf16.f32 v14  }
0x45: {  	v22 =	vunpack.i.l.bf16.f32 v20;
	v14 =	vld [tilespmem:s21+$0x20];
	v12 =	vmul.f32 v12, v3;
	v11 =	vmul.f32 v11, v2  }
0x46: {  	v20 =	vunpack.i.u.bf16.f32 v20;
	v18 =	vmul.f32 v18, v5;
	v16 =	vunpack.i.l.bf16.f32 v6  }
0x47: {  	v19 =	vadd.f32 v8, v7;
	v7 =	vmul.f32 v16, v5;
	v16 =	vld [tilespmem:s21+$0x30];
	v11 =	vadd.f32 v12, v11  }
0x48: {  	v8 =	vld [tilespmem:s21+$0x40];
	v12 =	vmul.f32 v15, v4;
	v15 =	vunpack.i.u.bf16.f32 v17;
	v17 =	vunpack.i.l.bf16.f32 v17  }
0x49: {  	v21 =	vadd.f32 v10, v13;
	v17 =	vmul.f32 v17, v3;
	v15 =	vmul.f32 v15, v2  }
0x4a: {  	v24 =	vld [tilespmem:s21+$0xFFFFFFA0];
	v10 =	vunpack.i.l.bf16.f32 v14;
	v12 =	vadd.f32 v18, v12;
	v11 =	vadd.f32 v11, v19  }
0x4b: {  	v18 =	vld [tilespmem:s21+$0x10];
	v13 =	vunpack.i.u.bf16.f32 v14;
	v10 =	vmul.f32 v10, v5;
	v14 =	vadd.f32 v17, v15  }
0x4c: {  	v13 =	vmul.f32 v13, v4;
	v17 =	vld [tilespmem:s21+$0xFFFFFFC0];
	v15 =	vunpack.i.u.bf16.f32 v16;
	v16 =	vunpack.i.l.bf16.f32 v16  }
0x4d: {  	v19 =	vunpack.i.l.bf16.f32 v8;
	v16 =	vmul.f32 v16, v3;
	v15 =	vmul.f32 v15, v2  }
0x4e: {  	v22 =	vmul.f32 v22, v5;
	v23 =	vadd.f32 v10, v13;
	v10 =	vmul.f32 v19, v5;
	v19 =	vld [tilespmem:s21+$0xFFFFFFD0]  }
0x4f: {  	(xrf2) =	vadd.scan.msk.f32 $0xffff, v9;
	v9 =	vunpack.i.l.bf16.f32 v24;
	v12 =	vadd.f32 v14, v12;
	v15 =	vadd.f32 v16, v15  }
0x50: {  	v25 =	vld [tilespmem:s21+$0xFFFFFFB0];
	v16 =	vmul.f32 v20, v4;
	v20 =	vunpack.i.u.bf16.f32 v18;
	v18 =	vunpack.i.l.bf16.f32 v18  }
0x51: {  	v13 =	vld [tilespmem:s21+$0xFFFFFFE0];
	v14 =	vunpack.i.l.bf16.f32 v17;
	v18 =	vmul.f32 v18, v3;
	v20 =	vmul.f32 v20, v2  }
0x52: {  	v22 =	vadd.f32 v22, v16;
	v23 =	vadd.f32 v15, v23;
	v15 =	vunpack.i.u.bf16.f32 v17  }
0x53: {  	v16 =	vunpack.i.u.bf16.f32 v19;
	v17 =	vadd.f32 v18, v20;
	v18 =	vunpack.i.l.bf16.f32 v19;
	v19 =	vld [tilespmem:s21+$0xFFFFFF60]  }
0x54: {  	v9 =	vmul.f32 v9, v5;
	(xrf2) =	vadd.scan.msk.f32 $0xffff, v21;
	v21 =	vunpack.i.u.bf16.f32 v24  }
0x55: {  	v24 =	vunpack.i.l.bf16.f32 v25;
	(xrf2) =	vadd.scan.msk.f32 $0xffff, v11;
	v14 =	vmul.f32 v14, v5;
	v15 =	vmul.f32 v15, v4  }
0x56: {  	v11 =	vmul.f32 v21, v4;
	(xrf2) =	vadd.scan.msk.f32 $0xffff, v12;
	v12 =	vld [tilespmem:s21+$0xFFFFFF40];
	v16 =	vmul.f32 v16, v2;
	v20 =	vunpack.i.l.bf16.f32 v13  }
0x57: {  	v18 =	vmul.f32 v18, v3;
	v14 =	vadd.f32 v14, v15;
	v15 =	vmul.f32 v20, v5;
	v20 =	vld [tilespmem:s21+$0xFFFFFF70]  }
0x58: {  	v21 =	vunpack.i.u.bf16.f32 v25;
	v25 =	vadd.f32 v9, v11;
	v9 =	vunpack.i.u.bf16.f32 v19  }
0x59: {  	v18 =	vadd.f32 v18, v16;
	v16 =	vld [tilespmem:s21+$0xFFFFFF80];
	v9 =	vmul.f32 v9, v4  }
0x5a: {  	v24 =	vmul.f32 v24, v3;
	v22 =	vadd.f32 v17, v22;
	v17 =	vunpack.i.l.bf16.f32 v19  }
0x5b: {  	v21 =	vmul.f32 v21, v2;
	v11 =	vld [tilespmem:s21+$0xFFFFFF50];
	v26 =	vunpack.i.l.bf16.f32 v12;
	v17 =	vmul.f32 v17, v5  }
0x5c: {  	v12 =	vunpack.i.u.bf16.f32 v12;
	v19 =	vunpack.i.u.bf16.f32 v20;
	v20 =	vunpack.i.l.bf16.f32 v20  }
0x5d: {  	v20 =	vmul.f32 v20, v3;
	v19 =	vmul.f32 v19, v2;
	v27 =	vadd.f32 v17, v9;
	v9, _, _ =	vpop (xrf2);
	(xrf2) =	vadd.scan.msk.f32 $0xffff, v23  }
0x5e: {  	v14 =	vadd.f32 v18, v14;
	v18 =	vadd.f32 v24, v21;
	v24 =	vunpack.i.l.bf16.f32 v16  }
0x5f: {  	v17 =	vmul.f32 v24, v5;
	v24 =	vmul.f32 v26, v5;
	v26 =	vadd.f32 v20, v19  }
0x60: {  	v21 =	vld [tilespmem:s21+$0xFFFFFF00];
	v23 =	vmul.f32 v12, v4;
	v12 =	vunpack.i.u.bf16.f32 v11;
	v19 =	vunpack.i.l.bf16.f32 v11;
	v11, _, _ =	vpop (xrf2);
	(xrf2) =	vadd.scan.msk.f32 $0xffff, v22;
	_ =	sdelay $0x1  }
0x61: {  	v20 =	vld [tilespmem:s21+$0xFFFFFF10]  }
0x62: {  	v29 =	vmul.f32 v12, v2;
	v12, _, _ =	vpop (xrf2);
	(xrf2) =	vadd.scan.msk.f32 $0xffff, v14  }
0x63: {  	s13 =	sshll.u32 s16, $0x9;
	s1 =	simm.s32 $0x1;
	v30 =	vadd.f32 v18, v25;
	v28 =	vmul.f32 v19, v3;
	v19 =	vld [tilespmem:s21+$0xFFFFFF20]  }
0x64: {  	s22 =	simm.s32 $0x0;
	s23 =	simm.s32 $0x10;
	s1 =	simm.s32 @!p0 $0x0;
	v31 =	vunpack.i.l.bf16.f32 v21;
	v25 =	vunpack.i.u.bf16.f32 v21;
	v22 =	vadd.f32 v24, v23  }
0x65: {  	s13 =	sand.u32 $0x200, s13;
	s14 =	sshll.u32 s1, $0x9;
	s1 =	sor.u32 s4, s16;
	v21 =	vld [tilespmem:s21+$0xFFFFFF30];
	v18 =	vadd.f32 v26, v27;
	v23 =	vmul.f32 v31, v5;
	v24 =	vadd.f32 v28, v29;
	v14, _, _ =	vpop (xrf2);
	(xrf2) =	vadd.scan.msk.f32 $0xffff, v30  }
.LBB2_3:
0x66: {  	p1 =	sne.s32 s23, $0x1F0;
	v25 =	vmul.f32 v25, v4;
	v26 =	vunpack.i.u.bf16.f32 v20;
	v20 =	vunpack.i.l.bf16.f32 v20;
	v27, _, _ =	vpop (xrf2)  }
0x67: {  	v20 =	vmul.f32 v20, v3;
	v26 =	vmul.f32 v26, v2;
	v28 =	vld [tilespmem:s21+$0xFFFFFF90]  }
0x68: {  	v22 =	vadd.f32 v24, v22;
	v23 =	vadd.f32 v23, v25;
	v25 =	vunpack.i.l.bf16.f32 v19;
	(xrf2) =	vadd.scan.msk.f32 $0xffff, v18  }
0x69: {  	v19 =	vunpack.i.u.bf16.f32 v19;
	v18 =	vadd.f32 v20, v26;
	v20 =	vmul.f32 v25, v5;
	v24, _, _ =	vpop (xrf2)  }
0x6a: {  	v19 =	vmul.f32 v19, v4;
	v25 =	vunpack.i.u.bf16.f32 v21;
	v21 =	vunpack.i.l.bf16.f32 v21;
	v26 =	vld [tilespmem:s21+$0xFFFFFFF0]  }
0x6b: {  	v16 =	vunpack.i.u.bf16.f32 v16;
	v21 =	vmul.f32 v21, v3;
	v25 =	vmul.f32 v25, v2;
	(xrf2) =	vadd.scan.msk.f32 $0xffff, v22  }
0x6c: {  	v16 =	vmul.f32 v16, v4;
	v18 =	vadd.f32 v18, v23;
	v22 =	vunpack.i.u.bf16.f32 v28;
	v23, _, _ =	vpop (xrf2)  }
0x6d: {  	v19 =	vadd.f32 v20, v19;
	v29 =	vadd.f32 v21, v25;
	v21 =	vunpack.i.l.bf16.f32 v28;
	v25 =	vld [tilespmem:s21+$0x50]  }
0x6e: {  	v13 =	vunpack.i.u.bf16.f32 v13;
	v22 =	vmul.f32 v22, v2;
	v21 =	vmul.f32 v21, v3;
	(xrf2) =	vadd.scan.msk.f32 $0xffff, v18  }
0x6f: {  	v13 =	vmul.f32 v13, v4;
	v28 =	vadd.f32 v29, v19;
	v19 =	vunpack.i.u.bf16.f32 v26;
	v20, _, _ =	vpop (xrf2)  }
0x70: {  	v16 =	vadd.f32 v17, v16;
	v17 =	vadd.f32 v21, v22;
	v21 =	vunpack.i.l.bf16.f32 v26;
	v22 =	vld [tilespmem:s21+$0xB0]  }
0x71: {  	v8 =	vunpack.i.u.bf16.f32 v8;
	v19 =	vmul.f32 v19, v2;
	v21 =	vmul.f32 v21, v3;
	(xrf2) =	vadd.scan.msk.f32 $0xffff, v28  }
0x72: {  	v8 =	vmul.f32 v8, v4;
	v26 =	vadd.f32 v17, v16;
	v17 =	vunpack.i.u.bf16.f32 v25;
	v18, _, _ =	vpop (xrf2)  }
0x73: {  	v13 =	vadd.f32 v15, v13;
	v15 =	vadd.f32 v21, v19;
	v19 =	vunpack.i.l.bf16.f32 v25  }
0x74: {  	v6 =	vunpack.i.u.bf16.f32 v6;
	v17 =	vmul.f32 v17, v2;
	v19 =	vmul.f32 v19, v3;
	(xrf2) =	vadd.scan.msk.f32 $0xffff, v26  }
0x75: {  	v6 =	vmul.f32 v6, v4;
	v13 =	vadd.f32 v15, v13;
	v15 =	vunpack.i.u.bf16.f32 v22;
	v16, _, _ =	vpop (xrf2)  }
0x76: {  	v8 =	vadd.f32 v10, v8;
	v19 =	vadd.f32 v19, v17;
	v17 =	vunpack.i.l.bf16.f32 v22  }
0x77: {  	v15 =	vmul.f32 v15, v2;
	v17 =	vmul.f32 v17, v3;
	(xrf2) =	vadd.scan.msk.f32 $0xffff, v13  }
0x78: {  	v8 =	vadd.f32 v19, v8;
	v10, _, _ =	vpop (xrf2)  }
0x79: {  	v6 =	vadd.f32 v7, v6;
	v13 =	vadd.f32 v17, v15  }
0x7a: {  	(xrf2) =	vadd.scan.msk.f32 $0xffff, v8  }
0x7b: {  	v6 =	vadd.f32 v13, v6;
	v7, _, _ =	vpop (xrf2)  }
0x7c: {  	v13 =	vperm.xlane v10, v0;
	v7 =	vperm.xlane v7, v0  }
0x7d: {  	v10 =	vperm.xlane v16, v0;
	(xrf2) =	vadd.scan.msk.f32 $0xffff, v6  }
0x7e: {  	v6 =	vsel vm0, v13, v7;
	v7 =	vperm.xlane v18, v0;
	v8, _, _ =	vpop (xrf2)  }
0x7f: {  	v6 =	vsel vm1, v6, v10;
	v8 =	vperm.xlane v8, v0  }
0x80: {  	v6 =	vsel vm2, v6, v7;
	v7 =	vperm.xlane v20, v0  }
0x81: {  	v6 =	vsel vm3, v6, v8;
	v8 =	vperm.xlane v23, v0;
	v10, _, _ =	vpop (xrf2)  }
0x82: {  	v6 =	vsel vm4, v6, v7;
	v7 =	vperm.xlane v10, v0  }
0x83: {  	v6 =	vsel vm5, v6, v8;
	v8 =	vperm.xlane v24, v0  }
0x84: {  	v6 =	vsel vm6, v6, v7;
	v7 =	vperm.xlane v27, v0;
	v10, _, _ =	vpop (xrf2)  }
0x85: {  	v6 =	vsel vm7, v6, v8;
	v8 =	vperm.xlane v10, v0  }
0x86: {  	v6 =	vsel vm8, v6, v7;
	v7 =	vperm.xlane v14, v0  }
0x87: {  	s24 =	sadd.s32 s22, s14;
	s22 =	smov.u32 s23;
	v6 =	vsel vm9, v6, v8;
	v8 =	vperm.xlane v12, v0;
	v10, _, _ =	vpop (xrf2)  }
0x88: {  	v6 =	vsel vm10, v6, v7;
	v7 =	vperm.xlane v10, v0;
	v10 =	vor.u32 s24, v1  }
0x89: {  	v6 =	vsel vm11, v6, v8;
	v8 =	vperm.xlane v11, v0  }
0x8a: {  	v6 =	vsel vm12, v6, v7;
	v7 =	vperm.xlane v9, v0  }
0x8b: {  	v6 =	vsel vm13, v6, v8  }
0x8c: {  	v6 =	vsel vm14, v6, v7  }
0x8d: {  	s21 =	sadd.s32 $0x200, s21;
	[tilespmem:v10+s28+$0x0] =	vst.idx.msk $0xffff, v6  }
0x8e: {  	v6 =	vld [tilespmem:s21+$0xE0];
	_ =	sdelay $0x1  }
0x8f: {  	v7 =	vld [tilespmem:s21+$0xF0];
	_ =	sdelay $0x1  }
0x90: {  	v8 =	vld [tilespmem:s21+$0xC0]  }
0x91: {  	v9 =	vunpack.i.l.bf16.f32 v6  }
0x92: {  	v6 =	vunpack.i.u.bf16.f32 v6;
	v10 =	vld [tilespmem:s21+$0xD0];
	v9 =	vmul.f32 v9, v5  }
0x93: {  	v6 =	vmul.f32 v6, v4;
	v11 =	vunpack.i.u.bf16.f32 v7;
	v7 =	vunpack.i.l.bf16.f32 v7  }
0x94: {  	v12 =	vld [tilespmem:s21+$0x80];
	v7 =	vmul.f32 v7, v3;
	v11 =	vmul.f32 v11, v2  }
0x95: {  	v9 =	vadd.f32 v9, v6;
	v13 =	vunpack.i.l.bf16.f32 v8  }
0x96: {  	v8 =	vunpack.i.u.bf16.f32 v8;
	v14 =	vld [tilespmem:s21+$0x90];
	v13 =	vmul.f32 v13, v5;
	v7 =	vadd.f32 v7, v11  }
0x97: {  	v8 =	vmul.f32 v8, v4;
	v6 =	vld [tilespmem:s21+$0xA0];
	v11 =	vunpack.i.u.bf16.f32 v10;
	v10 =	vunpack.i.l.bf16.f32 v10  }
0x98: {  	v15 =	vld [tilespmem:s21+$0x60];
	v10 =	vmul.f32 v10, v3;
	v11 =	vmul.f32 v11, v2  }
0x99: {  	v13 =	vadd.f32 v13, v8;
	v9 =	vadd.f32 v7, v9;
	v16 =	vunpack.i.l.bf16.f32 v12  }
0x9a: {  	v7 =	vunpack.i.u.bf16.f32 v12;
	v17 =	vld [tilespmem:s21+$0x70];
	v8 =	vmul.f32 v16, v5;
	v10 =	vadd.f32 v10, v11  }
0x9b: {  	v7 =	vmul.f32 v7, v4;
	v11 =	vunpack.i.u.bf16.f32 v14;
	v12 =	vunpack.i.l.bf16.f32 v14  }
0x9c: {  	v14 =	vld [tilespmem:s21+$0x20];
	v12 =	vmul.f32 v12, v3;
	v11 =	vmul.f32 v11, v2;
	v16 =	vunpack.i.l.bf16.f32 v6  }
0x9d: {  	v19 =	vadd.f32 v8, v7;
	v18 =	vunpack.i.l.bf16.f32 v15;
	v7 =	vmul.f32 v16, v5  }
0x9e: {  	v15 =	vunpack.i.u.bf16.f32 v15;
	v16 =	vld [tilespmem:s21+$0x30];
	v18 =	vmul.f32 v18, v5;
	v11 =	vadd.f32 v12, v11  }
0x9f: {  	v12 =	vmul.f32 v15, v4;
	v8 =	vld [tilespmem:s21+$0x40];
	v15 =	vunpack.i.u.bf16.f32 v17;
	v17 =	vunpack.i.l.bf16.f32 v17  }
0xa0: {  	v21 =	vadd.f32 v10, v13;
	v20 =	vld [tilespmem:s21+$0x0];
	v17 =	vmul.f32 v17, v3;
	v15 =	vmul.f32 v15, v2  }
0xa1: {  	v12 =	vadd.f32 v18, v12;
	v11 =	vadd.f32 v11, v19;
	v10 =	vunpack.i.l.bf16.f32 v14  }
0xa2: {  	v13 =	vunpack.i.u.bf16.f32 v14;
	v18 =	vld [tilespmem:s21+$0x10];
	v10 =	vmul.f32 v10, v5;
	v14 =	vadd.f32 v17, v15  }
0xa3: {  	v13 =	vmul.f32 v13, v4;
	v15 =	vunpack.i.u.bf16.f32 v16;
	v16 =	vunpack.i.l.bf16.f32 v16  }
0xa4: {  	v17 =	vld [tilespmem:s21+$0xFFFFFFC0];
	v16 =	vmul.f32 v16, v3;
	v15 =	vmul.f32 v15, v2;
	v19 =	vunpack.i.l.bf16.f32 v8  }
0xa5: {  	v23 =	vadd.f32 v10, v13;
	v22 =	vunpack.i.l.bf16.f32 v20;
	v10 =	vmul.f32 v19, v5;
	(xrf2) =	vadd.scan.msk.f32 $0xffff, v9  }
0xa6: {  	v19 =	vunpack.i.u.bf16.f32 v20;
	v9 =	vld [tilespmem:s21+$0xFFFFFFD0];
	v20 =	vmul.f32 v22, v5;
	v15 =	vadd.f32 v16, v15  }
0xa7: {  	v16 =	vmul.f32 v19, v4;
	v13 =	vld [tilespmem:s21+$0xFFFFFFE0];
	v19 =	vunpack.i.u.bf16.f32 v18;
	v18 =	vunpack.i.l.bf16.f32 v18  }
0xa8: {  	v12 =	vadd.f32 v14, v12;
	v22 =	vld [tilespmem:s21+$0xFFFFFFA0];
	v18 =	vmul.f32 v18, v3;
	v19 =	vmul.f32 v19, v2;
	(xrf2) =	vadd.scan.msk.f32 $0xffff, v21  }
0xa9: {  	v20 =	vadd.f32 v20, v16;
	v21 =	vadd.f32 v15, v23;
	v14 =	vunpack.i.l.bf16.f32 v17  }
0xaa: {  	v15 =	vunpack.i.u.bf16.f32 v17;
	v23 =	vld [tilespmem:s21+$0xFFFFFFB0];
	v14 =	vmul.f32 v14, v5;
	v17 =	vadd.f32 v18, v19  }
0xab: {  	v15 =	vmul.f32 v15, v4;
	v16 =	vunpack.i.u.bf16.f32 v9;
	v9 =	vunpack.i.l.bf16.f32 v9;
	(xrf2) =	vadd.scan.msk.f32 $0xffff, v11  }
0xac: {  	v11 =	vld [tilespmem:s21+$0xFFFFFF60];
	v25 =	vmul.f32 v9, v3;
	v16 =	vmul.f32 v16, v2;
	v18 =	vunpack.i.l.bf16.f32 v13  }
0xad: {  	v14 =	vadd.f32 v14, v15;
	v19 =	vunpack.i.l.bf16.f32 v22;
	v15 =	vmul.f32 v18, v5  }
0xae: {  	v22 =	vunpack.i.u.bf16.f32 v22;
	v18 =	vld [tilespmem:s21+$0xFFFFFF70];
	v19 =	vmul.f32 v19, v5;
	v24 =	vadd.f32 v25, v16;
	(xrf2) =	vadd.scan.msk.f32 $0xffff, v12  }
0xaf: {  	v12 =	vmul.f32 v22, v4;
	v16 =	vld [tilespmem:s21+$0xFFFFFF80];
	v22 =	vunpack.i.u.bf16.f32 v23;
	v23 =	vunpack.i.l.bf16.f32 v23;
	v9, _, _ =	vpop (xrf2)  }
0xb0: {  	v17 =	vadd.f32 v17, v20;
	v25 =	vld [tilespmem:s21+$0xFFFFFF40];
	v23 =	vmul.f32 v23, v3;
	v22 =	vmul.f32 v22, v2  }
0xb1: {  	v26 =	vadd.f32 v19, v12;
	v14 =	vadd.f32 v24, v14;
	v20 =	vunpack.i.l.bf16.f32 v11;
	(xrf2) =	vadd.scan.msk.f32 $0xffff, v21  }
0xb2: {  	v12 =	vunpack.i.u.bf16.f32 v11;
	v19 =	vld [tilespmem:s21+$0xFFFFFF50];
	v20 =	vmul.f32 v20, v5;
	v21 =	vadd.f32 v23, v22;
	v11, _, _ =	vpop (xrf2)  }
0xb3: {  	v29 =	vmul.f32 v12, v4;
	v22 =	vunpack.i.u.bf16.f32 v18;
	v18 =	vunpack.i.l.bf16.f32 v18  }
0xb4: {  	v23 =	vld [tilespmem:s21+$0xFFFFFF00];
	v18 =	vmul.f32 v18, v3;
	v22 =	vmul.f32 v22, v2;
	v24 =	vunpack.i.l.bf16.f32 v16;
	(xrf2) =	vadd.scan.msk.f32 $0xffff, v17  }
0xb5: {  	v28 =	vadd.f32 v20, v29;
	v27 =	vunpack.i.l.bf16.f32 v25;
	v17 =	vmul.f32 v24, v5;
	v12, _, _ =	vpop (xrf2)  }
.Ltmp0:
0xb6: {  	v24 =	vunpack.i.u.bf16.f32 v25;
	v20 =	vld [tilespmem:s21+$0xFFFFFF10];
	v25 =	vmul.f32 v27, v5;
	v18 =	vadd.f32 v18, v22;
	(pc) =	sbr.rel @p1 .LBB2_3-.Ltmp0, $4  }
0xb7: {  	v22 =	vmul.f32 v24, v4;
	v24 =	vunpack.i.u.bf16.f32 v19;
	v27 =	vunpack.i.l.bf16.f32 v19;
	(xrf2) =	vadd.scan.msk.f32 $0xffff, v14  }
0xb8: {  	v26 =	vadd.f32 v21, v26;
	v19 =	vld [tilespmem:s21+$0xFFFFFF20];
	v27 =	vmul.f32 v27, v3;
	v24 =	vmul.f32 v24, v2;
	v14, _, _ =	vpop (xrf2)  }
0xb9: {  	v22 =	vadd.f32 v25, v22;
	v18 =	vadd.f32 v18, v28;
	v21 =	vunpack.i.l.bf16.f32 v23  }
0xba: {  	s23 =	sadd.s32 $0x10, s23;
	v25 =	vunpack.i.u.bf16.f32 v23;
	v23 =	vmul.f32 v21, v5;
	v21 =	vld [tilespmem:s21+$0xFFFFFF30];
	v24 =	vadd.f32 v27, v24;
	(xrf2) =	vadd.scan.msk.f32 $0xffff, v26  }
0xbb: {  	v25 =	vmul.f32 v25, v4;
	v26 =	vunpack.i.u.bf16.f32 v20;
	v20 =	vunpack.i.l.bf16.f32 v20  }
0xbc: {  	v27 =	vld [tilespmem:s21+$0xFFFFFF90];
	v20 =	vmul.f32 v20, v3;
	v26 =	vmul.f32 v26, v2  }
0xbd: {  	v22 =	vadd.f32 v24, v22;
	v23 =	vadd.f32 v23, v25;
	v25 =	vunpack.i.l.bf16.f32 v19  }
0xbe: {  	v19 =	vunpack.i.u.bf16.f32 v19;
	v20 =	vadd.f32 v20, v26;
	v5 =	vmul.f32 v25, v5  }
0xbf: {  	v19 =	vmul.f32 v19, v4;
	v24 =	vunpack.i.u.bf16.f32 v21;
	v21 =	vunpack.i.l.bf16.f32 v21  }
0xc0: {  	v16 =	vunpack.i.u.bf16.f32 v16;
	v25 =	vld [tilespmem:s21+$0xFFFFFFF0];
	v21 =	vmul.f32 v21, v3;
	v24 =	vmul.f32 v24, v2  }
0xc1: {  	v16 =	vmul.f32 v16, v4;
	v20 =	vadd.f32 v20, v23;
	v23 =	vunpack.i.u.bf16.f32 v27  }
0xc2: {  	v5 =	vadd.f32 v5, v19;
	v19 =	vadd.f32 v21, v24;
	v21 =	vunpack.i.l.bf16.f32 v27  }
0xc3: {  	(xrf2) =	vadd.scan.msk.f32 $0xffff, v18;
	v13 =	vunpack.i.u.bf16.f32 v13;
	v24 =	vld [tilespmem:s21+$0x50];
	v18 =	vmul.f32 v21, v3;
	v21 =	vmul.f32 v23, v2  }
0xc4: {  	v13 =	vmul.f32 v13, v4;
	v16 =	vadd.f32 v17, v16;
	v5 =	vadd.f32 v19, v5  }
0xc5: {  	(xrf2) =	vadd.scan.msk.f32 $0xffff, v22;
	v19 =	vunpack.i.u.bf16.f32 v25;
	v17 =	vadd.f32 v18, v21;
	v18 =	vunpack.i.l.bf16.f32 v25  }
0xc6: {  	v8 =	vunpack.i.u.bf16.f32 v8;
	(xrf2) =	vadd.scan.msk.f32 $0xffff, v20;
	v20 =	vld [tilespmem:s21+$0xB0];
	v19 =	vmul.f32 v19, v2;
	v18 =	vmul.f32 v18, v3  }
0xc7: {  	v8 =	vmul.f32 v8, v4;
	v13 =	vadd.f32 v15, v13;
	(xrf2) =	vadd.scan.msk.f32 $0xffff, v5;
	v5 =	vadd.f32 v17, v16  }
0xc8: {  	v16 =	vunpack.i.u.bf16.f32 v24;
	v17 =	vunpack.i.l.bf16.f32 v24;
	v15 =	vadd.f32 v18, v19  }
0xc9: {  	v6 =	vunpack.i.u.bf16.f32 v6;
	v17 =	vmul.f32 v17, v3;
	v16 =	vmul.f32 v16, v2  }
0xca: {  	v4 =	vmul.f32 v6, v4;
	v8 =	vadd.f32 v10, v8;
	v18, _, _ =	vpop (xrf2)  }
0xcb: {  	v6 =	vunpack.i.u.bf16.f32 v20;
	(xrf2) =	vadd.scan.msk.f32 $0xffff, v5;
	v10 =	vadd.f32 v17, v16;
	v16 =	vunpack.i.l.bf16.f32 v20;
	v5, _, _ =	vpop (xrf2)  }
0xcc: {  	v13 =	vadd.f32 v15, v13;
	v3 =	vmul.f32 v16, v3;
	v15, _, _ =	vpop (xrf2)  }
0xcd: {  	v4 =	vadd.f32 v7, v4;
	v2 =	vmul.f32 v6, v2;
	v17, _, _ =	vpop (xrf2)  }
0xce: {  	v6, _, _ =	vpop (xrf2)  }
0xcf: {  	(xrf2) =	vadd.scan.msk.f32 $0xffff, v13;
	v8 =	vadd.f32 v10, v8;
	v2 =	vadd.f32 v3, v2;
	v10, _, _ =	vpop (xrf2)  }
0xd0: {  	v3, _, _ =	vpop (xrf2)  }
0xd1: {  	v2 =	vadd.f32 v2, v4;
	v4, _, _ =	vpop (xrf2)  }
0xd2: {  	(xrf2) =	vadd.scan.msk.f32 $0xffff, v8;
	v4 =	vperm.xlane v4, v0;
	_ =	sdelay $0x1  }
0xd3: {  	v3 =	vperm.xlane v3, v0  }
0xd4: {  	v7 =	vperm.xlane v10, v0;
	(xrf2) =	vadd.scan.msk.f32 $0xffff, v2  }
0xd5: {  	v2 =	vsel vm0, v3, v4;
	v3 =	vperm.xlane v6, v0;
	v4, _, _ =	vpop (xrf2)  }
0xd6: {  	v2 =	vsel vm1, v2, v7;
	v4 =	vperm.xlane v4, v0  }
0xd7: {  	v2 =	vsel vm2, v2, v3;
	v3 =	vperm.xlane v17, v0  }
0xd8: {  	v6, _, _ =	vpop (xrf2);
	v2 =	vsel vm3, v2, v4;
	v4 =	vperm.xlane v15, v0  }
0xd9: {  	v2 =	vsel vm4, v2, v3;
	v3 =	vperm.xlane v6, v0  }
0xda: {  	v2 =	vsel vm5, v2, v4;
	v4 =	vperm.xlane v5, v0  }
0xdb: {  	v5, _, _ =	vpop (xrf2);
	v2 =	vsel vm6, v2, v3;
	v3 =	vperm.xlane v18, v0  }
0xdc: {  	v2 =	vsel vm7, v2, v4;
	v4 =	vperm.xlane v5, v0  }
0xdd: {  	v2 =	vsel vm8, v2, v3;
	v3 =	vperm.xlane v14, v0  }
0xde: {  	s25 =	sadd.s32 s22, s14;
	v5, _, _ =	vpop (xrf2);
	v2 =	vsel vm9, v2, v4;
	v4 =	vperm.xlane v12, v0  }
0xdf: {  	v2 =	vsel vm10, v2, v3;
	v3 =	vperm.xlane v5, v0;
	v5 =	vor.u32 s25, v1  }
0xe0: {  	v2 =	vsel vm11, v2, v4;
	v4 =	vperm.xlane v11, v0  }
0xe1: {  	v2 =	vsel vm12, v2, v3;
	v3 =	vperm.xlane v9, v0  }
0xe2: {  	p1 =	seq.s32 s16, $0x1F;
	s21 =	sadd.s32 $0x1, s16;
	v2 =	vsel vm13, v2, v4  }
0xe3: {  	s16 =	sshll.u32 @!p1 s21, $0x9;
	v2 =	vsel vm14, v2, v3  }
0xe4: {  	s22 =	simm.s32 @!p1 $0x4800;
	s16 =	sand.u32 @!p1 $0x3FFFFE00, s16;
	s25 =	simm.s32 @!p1 $0x80;
	[tilespmem:v5+s28+$0x0] =	vst.idx.msk $0xffff, v2  }
0xe5: {  	[tilespmem:s22], [sflag:$0x1] =	stream.indirect.gather @!p1 [hbm4b:s5+s25], $0x20, s16, s25, $0xb8;
	[tilespmem:$0xD000] =	vst v63  }
0xe6: {  	s23 =	simm.s32 @!p1 $0x5800;
	s22 =	sor.u32 @!p1 $0x80, s16  }
0xe7: {  	[tilespmem:s23], [sflag:$0x1] =	stream.indirect.gather @!p1 [hbm4b:s5+s25], $0x20, s22, s25, $0xb8;
	[tilespmem:$0xD000] =	vst v63  }
0xe8: {  	s24 =	simm.s32 @!p1 $0x6800;
	s23 =	sor.u32 @!p1 $0x100, s16  }
0xe9: {  	[tilespmem:s24], [sflag:$0x1] =	stream.indirect.gather @!p1 [hbm4b:s5+s25], $0x20, s23, s25, $0xb8;
	[tilespmem:$0xD000] =	vst v63  }
0xea: {  	s18 =	simm.s32 @!p1 $0x7800;
	s24 =	sor.u32 @!p1 $0x180, s16  }
0xeb: {  	[tilespmem:s18], [sflag:$0x1] =	stream.indirect.gather @!p1 [hbm4b:s5+s25], $0x20, s24, s25, $0xb8;
	[tilespmem:$0xD000] =	vst v63  }
0xec: {  	_ =	swait.ge [sflag:s29], $0x4000  }
0xed: {  	[sflag:s29] =	ssyncset.done $0x0  }
0xee: {  	[sflag:s29] =	ssyncadd.s32 $0xFFFFC000  }
0xef: {  	v2 =	vld [tilespmem:s17+$0x4000]  }
0xf0: {  	v3 =	vld [tilespmem:s19+$0x4000];
	s17 =	simm.s32 $0x8900  }
0xf1: {  	v6 =	vld [tilespmem:s17+$0xE0]  }
0xf2: {  	v7 =	vld [tilespmem:s17+$0xF0]  }
0xf3: {  	v8 =	vld [tilespmem:s17+$0xC0];
	_ =	sdelay $0x1  }
0xf4: {  	v12 =	vld [tilespmem:s17+$0x80]  }
0xf5: {  	v15 =	vld [tilespmem:s17+$0x60];
	v4 =	vunpack.i.u.bf16.f32 v2;
	v5 =	vunpack.i.l.bf16.f32 v2;
	v2 =	vunpack.i.u.bf16.f32 v3  }
0xf6: {  	v10 =	vld [tilespmem:s17+$0xD0];
	v3 =	vunpack.i.l.bf16.f32 v3;
	v9 =	vunpack.i.l.bf16.f32 v6;
	v6 =	vunpack.i.u.bf16.f32 v6  }
0xf7: {  	v11 =	vunpack.i.u.bf16.f32 v7;
	v7 =	vunpack.i.l.bf16.f32 v7;
	v13 =	vunpack.i.l.bf16.f32 v8  }
0xf8: {  	v8 =	vunpack.i.u.bf16.f32 v8;
	v9 =	vmul.f32 v9, v5;
	v6 =	vmul.f32 v6, v4  }
0xf9: {  	v14 =	vld [tilespmem:s17+$0x90];
	v16 =	vunpack.i.l.bf16.f32 v12;
	v7 =	vmul.f32 v7, v3;
	v11 =	vmul.f32 v11, v2  }
0xfa: {  	v18 =	vunpack.i.l.bf16.f32 v15;
	v13 =	vmul.f32 v13, v5;
	v8 =	vmul.f32 v8, v4  }
0xfb: {  	v20 =	vld [tilespmem:s17+$0x0];
	v9 =	vadd.f32 v9, v6;
	v7 =	vadd.f32 v7, v11;
	v11 =	vunpack.i.u.bf16.f32 v10  }
0xfc: {  	v6 =	vld [tilespmem:s17+$0xA0];
	v10 =	vunpack.i.l.bf16.f32 v10;
	v13 =	vadd.f32 v13, v8;
	v8 =	vmul.f32 v16, v5  }
0xfd: {  	v15 =	vunpack.i.u.bf16.f32 v15;
	v10 =	vmul.f32 v10, v3;
	v11 =	vmul.f32 v11, v2  }
0xfe: {  	v17 =	vld [tilespmem:s17+$0x70];
	v9 =	vadd.f32 v7, v9;
	v7 =	vunpack.i.u.bf16.f32 v12;
	v12 =	vunpack.i.l.bf16.f32 v14  }
0xff: {  	v10 =	vadd.f32 v10, v11;
	v7 =	vmul.f32 v7, v4;
	v11 =	vunpack.i.u.bf16.f32 v14  }
0x100: {  	v22 =	vunpack.i.l.bf16.f32 v20;
	v14 =	vld [tilespmem:s17+$0x20];
	v12 =	vmul.f32 v12, v3;
	v11 =	vmul.f32 v11, v2  }
0x101: {  	v20 =	vunpack.i.u.bf16.f32 v20;
	v18 =	vmul.f32 v18, v5;
	v16 =	vunpack.i.l.bf16.f32 v6  }
0x102: {  	v19 =	vadd.f32 v8, v7;
	v7 =	vmul.f32 v16, v5;
	v16 =	vld [tilespmem:s17+$0x30];
	v11 =	vadd.f32 v12, v11  }
0x103: {  	v8 =	vld [tilespmem:s17+$0x40];
	v12 =	vmul.f32 v15, v4;
	v15 =	vunpack.i.u.bf16.f32 v17;
	v17 =	vunpack.i.l.bf16.f32 v17  }
0x104: {  	v21 =	vadd.f32 v10, v13;
	v17 =	vmul.f32 v17, v3;
	v15 =	vmul.f32 v15, v2  }
0x105: {  	v24 =	vld [tilespmem:s17+$0xFFFFFFA0];
	v10 =	vunpack.i.l.bf16.f32 v14;
	v12 =	vadd.f32 v18, v12;
	v11 =	vadd.f32 v11, v19  }
0x106: {  	v18 =	vld [tilespmem:s17+$0x10];
	v13 =	vunpack.i.u.bf16.f32 v14;
	v10 =	vmul.f32 v10, v5;
	v14 =	vadd.f32 v17, v15  }
0x107: {  	v13 =	vmul.f32 v13, v4;
	v17 =	vld [tilespmem:s17+$0xFFFFFFC0];
	v15 =	vunpack.i.u.bf16.f32 v16;
	v16 =	vunpack.i.l.bf16.f32 v16  }
0x108: {  	v19 =	vunpack.i.l.bf16.f32 v8;
	v16 =	vmul.f32 v16, v3;
	v15 =	vmul.f32 v15, v2  }
0x109: {  	v22 =	vmul.f32 v22, v5;
	v23 =	vadd.f32 v10, v13;
	v10 =	vmul.f32 v19, v5;
	v19 =	vld [tilespmem:s17+$0xFFFFFFD0]  }
0x10a: {  	(xrf2) =	vadd.scan.msk.f32 $0xffff, v9;
	v9 =	vunpack.i.l.bf16.f32 v24;
	v12 =	vadd.f32 v14, v12;
	v15 =	vadd.f32 v16, v15  }
0x10b: {  	v25 =	vld [tilespmem:s17+$0xFFFFFFB0];
	v16 =	vmul.f32 v20, v4;
	v20 =	vunpack.i.u.bf16.f32 v18;
	v18 =	vunpack.i.l.bf16.f32 v18  }
0x10c: {  	v13 =	vld [tilespmem:s17+$0xFFFFFFE0];
	v14 =	vunpack.i.l.bf16.f32 v17;
	v18 =	vmul.f32 v18, v3;
	v20 =	vmul.f32 v20, v2  }
0x10d: {  	v22 =	vadd.f32 v22, v16;
	v23 =	vadd.f32 v15, v23;
	v15 =	vunpack.i.u.bf16.f32 v17  }
0x10e: {  	v16 =	vunpack.i.u.bf16.f32 v19;
	v17 =	vadd.f32 v18, v20;
	v18 =	vunpack.i.l.bf16.f32 v19;
	v19 =	vld [tilespmem:s17+$0xFFFFFF60]  }
0x10f: {  	v9 =	vmul.f32 v9, v5;
	(xrf2) =	vadd.scan.msk.f32 $0xffff, v21;
	v21 =	vunpack.i.u.bf16.f32 v24  }
0x110: {  	v24 =	vunpack.i.l.bf16.f32 v25;
	(xrf2) =	vadd.scan.msk.f32 $0xffff, v11;
	v14 =	vmul.f32 v14, v5;
	v15 =	vmul.f32 v15, v4  }
0x111: {  	v11 =	vmul.f32 v21, v4;
	(xrf2) =	vadd.scan.msk.f32 $0xffff, v12;
	v12 =	vld [tilespmem:s17+$0xFFFFFF40];
	v16 =	vmul.f32 v16, v2;
	v20 =	vunpack.i.l.bf16.f32 v13  }
0x112: {  	v18 =	vmul.f32 v18, v3;
	v14 =	vadd.f32 v14, v15;
	v15 =	vmul.f32 v20, v5;
	v20 =	vld [tilespmem:s17+$0xFFFFFF70]  }
0x113: {  	v21 =	vunpack.i.u.bf16.f32 v25;
	v25 =	vadd.f32 v9, v11;
	v9 =	vunpack.i.u.bf16.f32 v19  }
0x114: {  	v18 =	vadd.f32 v18, v16;
	v16 =	vld [tilespmem:s17+$0xFFFFFF80];
	v9 =	vmul.f32 v9, v4  }
0x115: {  	v24 =	vmul.f32 v24, v3;
	v22 =	vadd.f32 v17, v22;
	v17 =	vunpack.i.l.bf16.f32 v19  }
0x116: {  	v21 =	vmul.f32 v21, v2;
	v11 =	vld [tilespmem:s17+$0xFFFFFF50];
	v26 =	vunpack.i.l.bf16.f32 v12;
	v17 =	vmul.f32 v17, v5  }
0x117: {  	v12 =	vunpack.i.u.bf16.f32 v12;
	v19 =	vunpack.i.u.bf16.f32 v20;
	v20 =	vunpack.i.l.bf16.f32 v20  }
0x118: {  	v20 =	vmul.f32 v20, v3;
	v19 =	vmul.f32 v19, v2;
	v27 =	vadd.f32 v17, v9;
	v9, _, _ =	vpop (xrf2);
	(xrf2) =	vadd.scan.msk.f32 $0xffff, v23  }
0x119: {  	v14 =	vadd.f32 v18, v14;
	v18 =	vadd.f32 v24, v21;
	v24 =	vunpack.i.l.bf16.f32 v16  }
0x11a: {  	v17 =	vmul.f32 v24, v5;
	v24 =	vmul.f32 v26, v5;
	v26 =	vadd.f32 v20, v19  }
0x11b: {  	v21 =	vld [tilespmem:s17+$0xFFFFFF00];
	v23 =	vmul.f32 v12, v4;
	v12 =	vunpack.i.u.bf16.f32 v11;
	v19 =	vunpack.i.l.bf16.f32 v11;
	v11, _, _ =	vpop (xrf2);
	(xrf2) =	vadd.scan.msk.f32 $0xffff, v22;
	_ =	sdelay $0x1  }
0x11c: {  	v20 =	vld [tilespmem:s17+$0xFFFFFF10]  }
0x11d: {  	v29 =	vmul.f32 v12, v2;
	v12, _, _ =	vpop (xrf2);
	(xrf2) =	vadd.scan.msk.f32 $0xffff, v14  }
0x11e: {  	v30 =	vadd.f32 v18, v25;
	v28 =	vmul.f32 v19, v3;
	v19 =	vld [tilespmem:s17+$0xFFFFFF20]  }
0x11f: {  	v31 =	vunpack.i.l.bf16.f32 v21;
	v25 =	vunpack.i.u.bf16.f32 v21;
	v22 =	vadd.f32 v24, v23  }
0x120: {  	s25 =	simm.s32 $0x10;
	s19 =	simm.s32 $0x0;
	v21 =	vld [tilespmem:s17+$0xFFFFFF30];
	v18 =	vadd.f32 v26, v27;
	v23 =	vmul.f32 v31, v5;
	v24 =	vadd.f32 v28, v29;
	v14, _, _ =	vpop (xrf2);
	(xrf2) =	vadd.scan.msk.f32 $0xffff, v30  }
.LBB2_5:
0x121: {  	p2 =	sne.s32 s25, $0x1F0;
	v25 =	vmul.f32 v25, v4;
	v26 =	vunpack.i.u.bf16.f32 v20;
	v20 =	vunpack.i.l.bf16.f32 v20;
	v27, _, _ =	vpop (xrf2)  }
0x122: {  	v20 =	vmul.f32 v20, v3;
	v26 =	vmul.f32 v26, v2;
	v28 =	vld [tilespmem:s17+$0xFFFFFF90]  }
0x123: {  	v22 =	vadd.f32 v24, v22;
	v23 =	vadd.f32 v23, v25;
	v25 =	vunpack.i.l.bf16.f32 v19;
	(xrf2) =	vadd.scan.msk.f32 $0xffff, v18  }
0x124: {  	v19 =	vunpack.i.u.bf16.f32 v19;
	v18 =	vadd.f32 v20, v26;
	v20 =	vmul.f32 v25, v5;
	v24, _, _ =	vpop (xrf2)  }
0x125: {  	v19 =	vmul.f32 v19, v4;
	v25 =	vunpack.i.u.bf16.f32 v21;
	v21 =	vunpack.i.l.bf16.f32 v21;
	v26 =	vld [tilespmem:s17+$0xFFFFFFF0]  }
0x126: {  	v16 =	vunpack.i.u.bf16.f32 v16;
	v21 =	vmul.f32 v21, v3;
	v25 =	vmul.f32 v25, v2;
	(xrf2) =	vadd.scan.msk.f32 $0xffff, v22  }
0x127: {  	v16 =	vmul.f32 v16, v4;
	v18 =	vadd.f32 v18, v23;
	v22 =	vunpack.i.u.bf16.f32 v28;
	v23, _, _ =	vpop (xrf2)  }
0x128: {  	v19 =	vadd.f32 v20, v19;
	v29 =	vadd.f32 v21, v25;
	v21 =	vunpack.i.l.bf16.f32 v28;
	v25 =	vld [tilespmem:s17+$0x50]  }
0x129: {  	v13 =	vunpack.i.u.bf16.f32 v13;
	v22 =	vmul.f32 v22, v2;
	v21 =	vmul.f32 v21, v3;
	(xrf2) =	vadd.scan.msk.f32 $0xffff, v18  }
0x12a: {  	v13 =	vmul.f32 v13, v4;
	v28 =	vadd.f32 v29, v19;
	v19 =	vunpack.i.u.bf16.f32 v26;
	v20, _, _ =	vpop (xrf2)  }
0x12b: {  	v16 =	vadd.f32 v17, v16;
	v17 =	vadd.f32 v21, v22;
	v21 =	vunpack.i.l.bf16.f32 v26;
	v22 =	vld [tilespmem:s17+$0xB0]  }
0x12c: {  	v8 =	vunpack.i.u.bf16.f32 v8;
	v19 =	vmul.f32 v19, v2;
	v21 =	vmul.f32 v21, v3;
	(xrf2) =	vadd.scan.msk.f32 $0xffff, v28  }
0x12d: {  	v8 =	vmul.f32 v8, v4;
	v26 =	vadd.f32 v17, v16;
	v17 =	vunpack.i.u.bf16.f32 v25;
	v18, _, _ =	vpop (xrf2)  }
0x12e: {  	v13 =	vadd.f32 v15, v13;
	v15 =	vadd.f32 v21, v19;
	v19 =	vunpack.i.l.bf16.f32 v25  }
0x12f: {  	v6 =	vunpack.i.u.bf16.f32 v6;
	v17 =	vmul.f32 v17, v2;
	v19 =	vmul.f32 v19, v3;
	(xrf2) =	vadd.scan.msk.f32 $0xffff, v26  }
0x130: {  	v6 =	vmul.f32 v6, v4;
	v13 =	vadd.f32 v15, v13;
	v15 =	vunpack.i.u.bf16.f32 v22;
	v16, _, _ =	vpop (xrf2)  }
0x131: {  	v8 =	vadd.f32 v10, v8;
	v19 =	vadd.f32 v19, v17;
	v17 =	vunpack.i.l.bf16.f32 v22  }
0x132: {  	v15 =	vmul.f32 v15, v2;
	v17 =	vmul.f32 v17, v3;
	(xrf2) =	vadd.scan.msk.f32 $0xffff, v13  }
0x133: {  	v8 =	vadd.f32 v19, v8;
	v10, _, _ =	vpop (xrf2)  }
0x134: {  	v6 =	vadd.f32 v7, v6;
	v13 =	vadd.f32 v17, v15  }
0x135: {  	(xrf2) =	vadd.scan.msk.f32 $0xffff, v8  }
0x136: {  	v6 =	vadd.f32 v13, v6;
	v7, _, _ =	vpop (xrf2)  }
0x137: {  	v13 =	vperm.xlane v10, v0;
	v7 =	vperm.xlane v7, v0  }
0x138: {  	v10 =	vperm.xlane v16, v0;
	(xrf2) =	vadd.scan.msk.f32 $0xffff, v6  }
0x139: {  	v6 =	vsel vm0, v13, v7;
	v7 =	vperm.xlane v18, v0;
	v8, _, _ =	vpop (xrf2)  }
0x13a: {  	v6 =	vsel vm1, v6, v10;
	v8 =	vperm.xlane v8, v0  }
0x13b: {  	v6 =	vsel vm2, v6, v7;
	v7 =	vperm.xlane v20, v0  }
0x13c: {  	v6 =	vsel vm3, v6, v8;
	v8 =	vperm.xlane v23, v0;
	v10, _, _ =	vpop (xrf2)  }
0x13d: {  	v6 =	vsel vm4, v6, v7;
	v7 =	vperm.xlane v10, v0  }
0x13e: {  	v6 =	vsel vm5, v6, v8;
	v8 =	vperm.xlane v24, v0  }
0x13f: {  	v6 =	vsel vm6, v6, v7;
	v7 =	vperm.xlane v27, v0;
	v10, _, _ =	vpop (xrf2)  }
0x140: {  	v6 =	vsel vm7, v6, v8;
	v8 =	vperm.xlane v10, v0  }
0x141: {  	v6 =	vsel vm8, v6, v7;
	v7 =	vperm.xlane v14, v0  }
0x142: {  	s18 =	sadd.s32 s19, s14;
	s19 =	smov.u32 s25;
	v6 =	vsel vm9, v6, v8;
	v8 =	vperm.xlane v12, v0;
	v10, _, _ =	vpop (xrf2)  }
0x143: {  	v6 =	vsel vm10, v6, v7;
	v7 =	vperm.xlane v10, v0;
	v10 =	vor.u32 s18, v1  }
0x144: {  	v6 =	vsel vm11, v6, v8;
	v8 =	vperm.xlane v11, v0  }
0x145: {  	v6 =	vsel vm12, v6, v7;
	v7 =	vperm.xlane v9, v0  }
0x146: {  	v6 =	vsel vm13, v6, v8  }
0x147: {  	v6 =	vsel vm14, v6, v7  }
0x148: {  	s17 =	sadd.s32 $0x200, s17;
	[tilespmem:v10+s30+$0x0] =	vst.idx.msk $0xffff, v6  }
0x149: {  	v6 =	vld [tilespmem:s17+$0xE0];
	_ =	sdelay $0x1  }
0x14a: {  	v7 =	vld [tilespmem:s17+$0xF0];
	_ =	sdelay $0x1  }
0x14b: {  	v8 =	vld [tilespmem:s17+$0xC0]  }
0x14c: {  	v9 =	vunpack.i.l.bf16.f32 v6  }
0x14d: {  	v6 =	vunpack.i.u.bf16.f32 v6;
	v10 =	vld [tilespmem:s17+$0xD0];
	v9 =	vmul.f32 v9, v5  }
0x14e: {  	v6 =	vmul.f32 v6, v4;
	v11 =	vunpack.i.u.bf16.f32 v7;
	v7 =	vunpack.i.l.bf16.f32 v7  }
0x14f: {  	v12 =	vld [tilespmem:s17+$0x80];
	v7 =	vmul.f32 v7, v3;
	v11 =	vmul.f32 v11, v2  }
0x150: {  	v9 =	vadd.f32 v9, v6;
	v13 =	vunpack.i.l.bf16.f32 v8  }
0x151: {  	v8 =	vunpack.i.u.bf16.f32 v8;
	v14 =	vld [tilespmem:s17+$0x90];
	v13 =	vmul.f32 v13, v5;
	v7 =	vadd.f32 v7, v11  }
0x152: {  	v8 =	vmul.f32 v8, v4;
	v6 =	vld [tilespmem:s17+$0xA0];
	v11 =	vunpack.i.u.bf16.f32 v10;
	v10 =	vunpack.i.l.bf16.f32 v10  }
0x153: {  	v15 =	vld [tilespmem:s17+$0x60];
	v10 =	vmul.f32 v10, v3;
	v11 =	vmul.f32 v11, v2  }
0x154: {  	v13 =	vadd.f32 v13, v8;
	v9 =	vadd.f32 v7, v9;
	v16 =	vunpack.i.l.bf16.f32 v12  }
0x155: {  	v7 =	vunpack.i.u.bf16.f32 v12;
	v17 =	vld [tilespmem:s17+$0x70];
	v8 =	vmul.f32 v16, v5;
	v10 =	vadd.f32 v10, v11  }
0x156: {  	v7 =	vmul.f32 v7, v4;
	v11 =	vunpack.i.u.bf16.f32 v14;
	v12 =	vunpack.i.l.bf16.f32 v14  }
0x157: {  	v14 =	vld [tilespmem:s17+$0x20];
	v12 =	vmul.f32 v12, v3;
	v11 =	vmul.f32 v11, v2;
	v16 =	vunpack.i.l.bf16.f32 v6  }
0x158: {  	v19 =	vadd.f32 v8, v7;
	v18 =	vunpack.i.l.bf16.f32 v15;
	v7 =	vmul.f32 v16, v5  }
0x159: {  	v15 =	vunpack.i.u.bf16.f32 v15;
	v16 =	vld [tilespmem:s17+$0x30];
	v18 =	vmul.f32 v18, v5;
	v11 =	vadd.f32 v12, v11  }
0x15a: {  	v12 =	vmul.f32 v15, v4;
	v8 =	vld [tilespmem:s17+$0x40];
	v15 =	vunpack.i.u.bf16.f32 v17;
	v17 =	vunpack.i.l.bf16.f32 v17  }
0x15b: {  	v21 =	vadd.f32 v10, v13;
	v20 =	vld [tilespmem:s17+$0x0];
	v17 =	vmul.f32 v17, v3;
	v15 =	vmul.f32 v15, v2  }
0x15c: {  	v12 =	vadd.f32 v18, v12;
	v11 =	vadd.f32 v11, v19;
	v10 =	vunpack.i.l.bf16.f32 v14  }
0x15d: {  	v13 =	vunpack.i.u.bf16.f32 v14;
	v18 =	vld [tilespmem:s17+$0x10];
	v10 =	vmul.f32 v10, v5;
	v14 =	vadd.f32 v17, v15  }
0x15e: {  	v13 =	vmul.f32 v13, v4;
	v15 =	vunpack.i.u.bf16.f32 v16;
	v16 =	vunpack.i.l.bf16.f32 v16  }
0x15f: {  	v17 =	vld [tilespmem:s17+$0xFFFFFFC0];
	v16 =	vmul.f32 v16, v3;
	v15 =	vmul.f32 v15, v2;
	v19 =	vunpack.i.l.bf16.f32 v8  }
0x160: {  	v23 =	vadd.f32 v10, v13;
	v22 =	vunpack.i.l.bf16.f32 v20;
	v10 =	vmul.f32 v19, v5;
	(xrf2) =	vadd.scan.msk.f32 $0xffff, v9  }
0x161: {  	v19 =	vunpack.i.u.bf16.f32 v20;
	v9 =	vld [tilespmem:s17+$0xFFFFFFD0];
	v20 =	vmul.f32 v22, v5;
	v15 =	vadd.f32 v16, v15  }
0x162: {  	v16 =	vmul.f32 v19, v4;
	v13 =	vld [tilespmem:s17+$0xFFFFFFE0];
	v19 =	vunpack.i.u.bf16.f32 v18;
	v18 =	vunpack.i.l.bf16.f32 v18  }
0x163: {  	v12 =	vadd.f32 v14, v12;
	v22 =	vld [tilespmem:s17+$0xFFFFFFA0];
	v18 =	vmul.f32 v18, v3;
	v19 =	vmul.f32 v19, v2;
	(xrf2) =	vadd.scan.msk.f32 $0xffff, v21  }
0x164: {  	v20 =	vadd.f32 v20, v16;
	v21 =	vadd.f32 v15, v23;
	v14 =	vunpack.i.l.bf16.f32 v17  }
0x165: {  	v15 =	vunpack.i.u.bf16.f32 v17;
	v23 =	vld [tilespmem:s17+$0xFFFFFFB0];
	v14 =	vmul.f32 v14, v5;
	v17 =	vadd.f32 v18, v19  }
0x166: {  	v15 =	vmul.f32 v15, v4;
	v16 =	vunpack.i.u.bf16.f32 v9;
	v9 =	vunpack.i.l.bf16.f32 v9;
	(xrf2) =	vadd.scan.msk.f32 $0xffff, v11  }
0x167: {  	v11 =	vld [tilespmem:s17+$0xFFFFFF60];
	v25 =	vmul.f32 v9, v3;
	v16 =	vmul.f32 v16, v2;
	v18 =	vunpack.i.l.bf16.f32 v13  }
0x168: {  	v14 =	vadd.f32 v14, v15;
	v19 =	vunpack.i.l.bf16.f32 v22;
	v15 =	vmul.f32 v18, v5  }
0x169: {  	v22 =	vunpack.i.u.bf16.f32 v22;
	v18 =	vld [tilespmem:s17+$0xFFFFFF70];
	v19 =	vmul.f32 v19, v5;
	v24 =	vadd.f32 v25, v16;
	(xrf2) =	vadd.scan.msk.f32 $0xffff, v12  }
0x16a: {  	v12 =	vmul.f32 v22, v4;
	v16 =	vld [tilespmem:s17+$0xFFFFFF80];
	v22 =	vunpack.i.u.bf16.f32 v23;
	v23 =	vunpack.i.l.bf16.f32 v23;
	v9, _, _ =	vpop (xrf2)  }
0x16b: {  	v17 =	vadd.f32 v17, v20;
	v25 =	vld [tilespmem:s17+$0xFFFFFF40];
	v23 =	vmul.f32 v23, v3;
	v22 =	vmul.f32 v22, v2  }
0x16c: {  	v26 =	vadd.f32 v19, v12;
	v14 =	vadd.f32 v24, v14;
	v20 =	vunpack.i.l.bf16.f32 v11;
	(xrf2) =	vadd.scan.msk.f32 $0xffff, v21  }
0x16d: {  	v12 =	vunpack.i.u.bf16.f32 v11;
	v19 =	vld [tilespmem:s17+$0xFFFFFF50];
	v20 =	vmul.f32 v20, v5;
	v21 =	vadd.f32 v23, v22;
	v11, _, _ =	vpop (xrf2)  }
0x16e: {  	v29 =	vmul.f32 v12, v4;
	v22 =	vunpack.i.u.bf16.f32 v18;
	v18 =	vunpack.i.l.bf16.f32 v18  }
0x16f: {  	v23 =	vld [tilespmem:s17+$0xFFFFFF00];
	v18 =	vmul.f32 v18, v3;
	v22 =	vmul.f32 v22, v2;
	v24 =	vunpack.i.l.bf16.f32 v16;
	(xrf2) =	vadd.scan.msk.f32 $0xffff, v17  }
0x170: {  	v28 =	vadd.f32 v20, v29;
	v27 =	vunpack.i.l.bf16.f32 v25;
	v17 =	vmul.f32 v24, v5;
	v12, _, _ =	vpop (xrf2)  }
.Ltmp1:
0x171: {  	v24 =	vunpack.i.u.bf16.f32 v25;
	v20 =	vld [tilespmem:s17+$0xFFFFFF10];
	v25 =	vmul.f32 v27, v5;
	v18 =	vadd.f32 v18, v22;
	(pc) =	sbr.rel @p2 .LBB2_5-.Ltmp1, $4  }
0x172: {  	v22 =	vmul.f32 v24, v4;
	v24 =	vunpack.i.u.bf16.f32 v19;
	v27 =	vunpack.i.l.bf16.f32 v19;
	(xrf2) =	vadd.scan.msk.f32 $0xffff, v14  }
0x173: {  	v26 =	vadd.f32 v21, v26;
	v19 =	vld [tilespmem:s17+$0xFFFFFF20];
	v27 =	vmul.f32 v27, v3;
	v24 =	vmul.f32 v24, v2;
	v14, _, _ =	vpop (xrf2)  }
0x174: {  	v22 =	vadd.f32 v25, v22;
	v18 =	vadd.f32 v18, v28;
	v21 =	vunpack.i.l.bf16.f32 v23  }
0x175: {  	s25 =	sadd.s32 $0x10, s25;
	v25 =	vunpack.i.u.bf16.f32 v23;
	v23 =	vmul.f32 v21, v5;
	v21 =	vld [tilespmem:s17+$0xFFFFFF30];
	v24 =	vadd.f32 v27, v24;
	(xrf2) =	vadd.scan.msk.f32 $0xffff, v26  }
0x176: {  	v25 =	vmul.f32 v25, v4;
	v26 =	vunpack.i.u.bf16.f32 v20  }
0x177: {  	v58 =	vunpack.i.l.bf16.f32 v20;
	v27 =	vld [tilespmem:s17+$0xFFFFFF90];
	v16 =	vunpack.i.u.bf16.f32 v16;
	v13 =	vunpack.i.u.bf16.f32 v13  }
0x178: {  	v20 =	vmul.f32 v58, v3;
	v26 =	vmul.f32 v26, v2;
	v59 =	vunpack.i.l.bf16.f32 v19  }
0x179: {  	v16 =	vmul.f32 v16, v4;
	v60 =	vunpack.i.u.bf16.f32 v19;
	v5 =	vmul.f32 v59, v5  }
0x17a: {  	v19 =	vmul.f32 v60, v4;
	v61 =	vunpack.i.u.bf16.f32 v21;
	v62 =	vunpack.i.l.bf16.f32 v21  }
0x17b: {  	v63 =	vld [tilespmem:s17+$0xFFFFFFF0];
	v22 =	vadd.f32 v24, v22;
	v21 =	vmul.f32 v62, v3;
	v24 =	vmul.f32 v61, v2  }
0x17c: {  	v23 =	vadd.f32 v23, v25;
	v20 =	vadd.f32 v20, v26;
	v28 =	vunpack.i.u.bf16.f32 v27  }
0x17d: {  	v5 =	vadd.f32 v5, v19;
	v30 =	vunpack.i.l.bf16.f32 v27;
	v29 =	vadd.f32 v21, v24  }
0x17e: {  	v31 =	vld [tilespmem:s17+$0x50];
	(xrf2) =	vadd.scan.msk.f32 $0xffff, v18;
	v20 =	vadd.f32 v20, v23;
	v32 =	vmul.f32 v30, v3;
	v33 =	vmul.f32 v28, v2  }
0x17f: {  	v13 =	vmul.f32 v13, v4;
	(xrf2) =	vadd.scan.msk.f32 $0xffff, v22;
	v16 =	vadd.f32 v17, v16;
	v5 =	vadd.f32 v29, v5  }
0x180: {  	v37 =	vld [tilespmem:s17+$0xB0];
	v34 =	vunpack.i.u.bf16.f32 v63;
	v36 =	vunpack.i.l.bf16.f32 v63;
	(xrf2) =	vadd.scan.msk.f32 $0xffff, v20;
	v35 =	vadd.f32 v32, v33  }
0x181: {  	v8 =	vunpack.i.u.bf16.f32 v8;
	v18 =	vmul.f32 v36, v3;
	v19 =	vmul.f32 v34, v2;
	(xrf2) =	vadd.scan.msk.f32 $0xffff, v5  }
0x182: {  	v8 =	vmul.f32 v8, v4;
	v13 =	vadd.f32 v15, v13;
	v38 =	vadd.f32 v35, v16  }
0x183: {  	v39 =	vunpack.i.u.bf16.f32 v31;
	v41 =	vunpack.i.l.bf16.f32 v31;
	v40 =	vadd.f32 v18, v19  }
0x184: {  	v42, _, _ =	vpop (xrf2);
	v6 =	vunpack.i.u.bf16.f32 v6;
	v17 =	vmul.f32 v41, v3;
	v16 =	vmul.f32 v39, v2;
	(xrf2) =	vadd.scan.msk.f32 $0xffff, v38  }
0x185: {  	v43, _, _ =	vpop (xrf2);
	v8 =	vadd.f32 v10, v8;
	v48 =	vunpack.i.l.bf16.f32 v37;
	v13 =	vadd.f32 v40, v13  }
0x186: {  	v45 =	vunpack.i.u.bf16.f32 v37;
	v46, _, _ =	vpop (xrf2);
	v3 =	vmul.f32 v48, v3;
	v47 =	vadd.f32 v17, v16  }
0x187: {  	v44 =	vmul.f32 v6, v4;
	v49, _, _ =	vpop (xrf2);
	v2 =	vmul.f32 v45, v2;
	(xrf2) =	vadd.scan.msk.f32 $0xffff, v13  }
0x188: {  	v50, _, _ =	vpop (xrf2);
	v8 =	vadd.f32 v47, v8  }
0x189: {  	v4 =	vadd.f32 v7, v44;
	v2 =	vadd.f32 v3, v2;
	v51, _, _ =	vpop (xrf2)  }
0x18a: {  	(xrf2) =	vadd.scan.msk.f32 $0xffff, v8;
	v3, _, _ =	vpop (xrf2)  }
0x18b: {  	v2 =	vadd.f32 v2, v4;
	v52, _, _ =	vpop (xrf2)  }
0x18c: {  	v3 =	vperm.xlane v3, v0;
	v4 =	vperm.xlane v52, v0  }
0x18d: {  	v53 =	vperm.xlane v51, v0;
	(xrf2) =	vadd.scan.msk.f32 $0xffff, v2  }
0x18e: {  	v54, _, _ =	vpop (xrf2);
	v2 =	vsel vm0, v3, v4;
	v3 =	vperm.xlane v50, v0  }
0x18f: {  	v4 =	vperm.xlane v54, v0;
	v2 =	vsel vm1, v2, v53  }
0x190: {  	v2 =	vsel vm2, v2, v3;
	v3 =	vperm.xlane v49, v0  }
0x191: {  	v55 =	vperm.xlane v46, v0;
	v56, _, _ =	vpop (xrf2);
	v2 =	vsel vm3, v2, v4  }
0x192: {  	v2 =	vsel vm4, v2, v3;
	v3 =	vperm.xlane v56, v0  }
0x193: {  	v57 =	vperm.xlane v43, v0;
	v2 =	vsel vm5, v2, v55  }
0x194: {  	v58, _, _ =	vpop (xrf2);
	v2 =	vsel vm6, v2, v3;
	v3 =	vperm.xlane v42, v0  }
0x195: {  	v59 =	vperm.xlane v58, v0;
	v2 =	vsel vm7, v2, v57  }
0x196: {  	v2 =	vsel vm8, v2, v3;
	v3 =	vperm.xlane v14, v0  }
0x197: {  	s14 =	sadd.s32 s19, s14;
	v60 =	vperm.xlane v12, v0;
	v61, _, _ =	vpop (xrf2);
	v2 =	vsel vm9, v2, v59  }
0x198: {  	v62 =	vor.u32 s14, v1;
	v2 =	vsel vm10, v2, v3;
	v3 =	vperm.xlane v61, v0  }
0x199: {  	v63 =	vperm.xlane v11, v0;
	v2 =	vsel vm11, v2, v60  }
0x19a: {  	v2 =	vsel vm12, v2, v3;
	v3 =	vperm.xlane v9, v0  }
0x19b: {  	v2 =	vsel vm13, v2, v63  }
0x19c: {  	v2 =	vsel vm14, v2, v3  }
0x19d: {  	s17 =	simm.s32 @!p1 $0x8800;
	s14 =	simm.s32 @!p1 $0x80;
	[tilespmem:v62+s30+$0x0] =	vst.idx.msk $0xffff, v2  }
0x19e: {  	[tilespmem:s17], [sflag:$0x2] =	stream.indirect.gather @!p1 [hbm4b:s6+s14], $0x20, s16, s14, $0xb8;
	[tilespmem:$0xD000] =	vst v63  }
0x19f: {  	s16 =	simm.s32 @!p1 $0x9800  }
0x1a0: {  	[tilespmem:s16], [sflag:$0x2] =	stream.indirect.gather @!p1 [hbm4b:s6+s14], $0x20, s22, s14, $0xb8;
	[tilespmem:$0xD000] =	vst v63  }
0x1a1: {  	s16 =	simm.s32 @!p1 $0xA800  }
0x1a2: {  	[tilespmem:s16], [sflag:$0x2] =	stream.indirect.gather @!p1 [hbm4b:s6+s14], $0x20, s23, s14, $0xb8;
	[tilespmem:$0xD000] =	vst v63  }
0x1a3: {  	s16 =	simm.s32 @!p1 $0xB800  }
0x1a4: {  	[tilespmem:s16], [sflag:$0x2] =	stream.indirect.gather @!p1 [hbm4b:s6+s14], $0x20, s24, s14, $0xb8;
	[tilespmem:$0xD000] =	vst v63  }
0x1a5: {  	p1 =	sne.s32 s21, $0x20  }
.Ltmp2:
0x1a6: {  	s1 =	sshll.u32 s1, $0x6;
	(pc) =	sbr.rel @p1 .LBB2_2-.Ltmp2, $4  }
0x1a7: {  	s25 =	sor.u32 $0xCC00, s13;
	s23 =	sadd.s32 s2, s1;
	s24 =	sor.u32 $0xC800, s13  }
0x1a8: {  	[hbm4b:s23+s3] =	stream.linear.scatter [tilespmem:s24], [sflag:$0x3], $0x200, $0x38;
	[tilespmem:$0xD000] =	vst v63  }
0x1a9: {  	p0 =	por !p0, !p0;
	s1 =	sadd.s32 s7, s1;
	s16 =	smov.u32 s21  }
0x1aa: {  	[hbm4b:s1+s3] =	stream.linear.scatter [tilespmem:s25], [sflag:$0x3], $0x200, $0x38;
	[tilespmem:$0xD000] =	vst v63  }
0x1ab: {  	_ =	swait.ge [sflag:s31], $0x200  }
0x1ac: {  	[sflag:s31] =	ssyncset.done $0x0  }
0x1ad: {  	[sflag:s31] =	ssyncadd.s32 $0xFFFFFE00  }
0x1ae: {  	_ =	swait.ge [sflag:s31], $0x200  }
0x1af: {  	[sflag:s31] =	ssyncset.done $0x0  }
0x1b0: {  	s0 =	sadd.s32 $0x1, s0;
	[sflag:s31] =	ssyncadd.s32 $0xFFFFFE00  }
0x1b1: {  	p0 =	sne.s32 s0, s11;
	_ =	swait.ge [sflag:s31], $0x200  }
.Ltmp3:
0x1b2: {  	[sflag:s31] =	ssyncset.done $0x0;
	(pc) =	sbr.rel @p0 .LBB2_1-.Ltmp3, $4  }
0x1b3: {  	[sflag:s31] =	ssyncadd.s32 $0xFFFFFE00  }
0x1b4: {  	_ =	swait.ge [sflag:s31], $0x200  }
0x1b5: {  	[sflag:s31] =	ssyncset.done $0x0  }
0x1b6: {  	[sflag:s31] =	ssyncadd.s32 $0xFFFFFE00  }
0x1b7: {  	_ =	sfence.sel $0x180000  }
0x1b8: {  	[bflag:$0x0] =	sbarrier.arrive $0xFFFF  }
0x1b9: {  	_ =	strace $0x90000047  }
0x1ba: {  	s0 =	stileid.u32;
	[bflag:$0x2] =	sbarrier.arrive $0xFFFF  }
0x1bb: {  	p0 =	sne.s32 s0, $0x0;
	s0 =	rddreg [dreg:$0x3]  }
0x1bc: {  	s0 =	sadd.s32 @!p0 $0x100000, s0  }
0x1bd: {  	[sflag:s0] =	ssyncadd.tile.s32 @!p0 $0x1;
	_ =	shalt  }
.Lfunc_end2:
_tile_overlayer_lowered:
.L_overlay_start_2:
0x1be: {  	(tag) =	ssettag $0x2  }
0x1bf: {  	s0 =	rddreg [dreg:$0x0];
	s2 =	stileid.u32  }
0x1c0: {  	s1 =	rddreg [dreg:$0x1];
	p0 =	sne.s32 s2, $0x0  }
0x1c1: {  	s3 =	rddreg [dreg:$0x2];
	[bflag:$0x3] =	sbarrier.arrive $0xFFFF;
	s2 =	simm.s32 @!p0 $0x1C04  }
0x1c2: {  	[timem:s3], [sflag:s2] =	dma.local @!p0 [hbm:s0], s1  }
0x1c3: {  	s0 =	simm.s32 @!p0 $0x4  }
0x1c4: {  	_ =	swait.ge @!p0 [sflag:s0], s1  }
0x1c5: {  	s1 =	ssub.s32 @!p0 $0x0, s1;
	[sflag:s0] =	ssyncset.done @!p0 $0x0  }
0x1c6: {  	[sflag:s0] =	ssyncadd.s32 @!p0 s1  }
0x1c7: {  	[bflag:$0x3] =	sbarrier.arrive $0xFFFF  }
0x1c8: {  	_ =	shalt  }

</sc_bundles>
